<compile_context>
chip_gen: v7x
topology: tpu7x:2x2x1
jax: 0.10.2.dev20260603
libtpu: 0.0.44.dev20260713+nightly
codegen_flags: <defaults>
</compile_context>

<pallas_src>
import functools

import jax
import jax.numpy as jnp
from jax import lax
from jax.experimental import pallas as pl
from jax.experimental.pallas import tpu as pltpu
from jax.experimental.pallas import tpu_sc as plsc

_NW = 32
_RC = 16
_LANES = 16
_S_SC = 256
_CHUNK = 256


def _sc_pool_body(x_hbm, out_hbm, buf, acc, sem0, sem1, *, S):
    D = acc.shape[0]
    B = x_hbm.shape[0] // S
    wpb = _NW // B
    nrows = _S_SC // wpb
    nch = nrows // _RC
    wid = lax.axis_index("s") * 2 + lax.axis_index("c")
    row0 = (wid // wpb) * S + (wid % wpb) * nrows
    sems = (sem0, sem1)

    def _copy(c, p):
        return pltpu.make_async_copy(
            x_hbm.at[pl.ds(row0 + c * _RC, _RC), :], buf.at[p], sems[p])

    def _zero(j, _):
        acc[pl.ds(j * _LANES, _LANES)] = jnp.zeros((_LANES,), jnp.float32)
        return 0

    lax.fori_loop(0, D // _LANES, _zero, 0, unroll=True)

    _copy(0, 0).start()
    _copy(1, 1).start()

    def _chunk(g, _):
        for p in range(2):
            c = g * 2 + p
            _copy(c, p).wait()

            @pl.when(c + 2 < nch)
            def _start_next():
                _copy(c + 2, p).start()

            def _accum(j, _):
                sl = pl.ds(j * _LANES, _LANES)
                vals = [buf[p, r, sl] for r in range(_RC)]
                while len(vals) > 1:
                    vals = [vals[i] + vals[i + 1]
                            for i in range(0, len(vals), 2)]
                acc[sl] = acc[sl] + vals[0]
                return 0

            lax.fori_loop(0, D // _LANES, _accum, 0, unroll=4)
        return 0

    lax.fori_loop(0, nch // 2, _chunk, 0)
    pltpu.sync_copy(acc, out_hbm.at[wid, :])


def _sc_pool(x2d, S, D):
    mesh = plsc.VectorSubcoreMesh(core_axis_name="c", subcore_axis_name="s")
    k = functools.partial(
        pl.kernel,
        mesh=mesh,
        out_type=jax.ShapeDtypeStruct((_NW, D), jnp.float32),
        scratch_types=[
            pltpu.VMEM((2, _RC, D), jnp.float32),
            pltpu.VMEM((D,), jnp.float32),
            pltpu.SemaphoreType.DMA,
            pltpu.SemaphoreType.DMA,
        ],
    )(functools.partial(_sc_pool_body, S=S))
    return k(x2d)


def _tc_pool_kernel(x_ref, acc_ref):
    c = pl.program_id(0)

    @pl.when(c == 0)
    def _init():
        acc_ref[:] = jnp.zeros_like(acc_ref)

    acc_ref[:] += jnp.sum(x_ref[:], axis=1)


def _finish_kernel(task_id_ref, mode_id_ref, ps_ref, tc_ref, w_ref, tb_ref,
                   mb_ref, idx_ref, wgt_ref, *, S):
    B = idx_ref.shape[0]
    E = w_ref.shape[0]
    T = tb_ref.shape[0]
    M = mb_ref.shape[0]
    G = ps_ref.shape[0] // B

    ps = ps_ref[:]
    pooled = (jnp.concatenate(
        [jnp.sum(ps[G * b:G * (b + 1)], axis=0, keepdims=True)
         for b in range(B)], axis=0) + tc_ref[:]) * (1.0 / S)
    logits = jax.lax.dot_general(
        pooled, w_ref[:], (((1,), (1,)), ((), ())),
        preferred_element_type=jnp.float32)

    t_iota = jax.lax.broadcasted_iota(jnp.int32, (1, T), 1)
    m_iota = jax.lax.broadcasted_iota(jnp.int32, (1, M), 1)
    oh_t = jnp.concatenate(
        [(t_iota == task_id_ref[b]).astype(jnp.float32) for b in range(B)],
        axis=0)
    oh_m = jnp.concatenate(
        [(m_iota == mode_id_ref[b]).astype(jnp.float32) for b in range(B)],
        axis=0)
    logits = logits + oh_t @ tb_ref[:] + oh_m @ mb_ref[:]

    e_iota = jax.lax.broadcasted_iota(jnp.int32, (B, E), 1)
    m1 = jnp.max(logits, axis=1, keepdims=True)
    i1 = jnp.min(jnp.where(logits == m1, e_iota, E), axis=1, keepdims=True)
    masked = jnp.where(e_iota == i1, -jnp.inf, logits)
    m2 = jnp.max(masked, axis=1, keepdims=True)
    i2 = jnp.min(jnp.where(masked == m2, e_iota, E), axis=1, keepdims=True)

    idx_ref[:] = jnp.concatenate([i1, i2], axis=1)
    r = jnp.exp(m2 - m1)
    w1 = 1.0 / (1.0 + r)
    wgt_ref[:] = jnp.concatenate([w1, 1.0 - w1], axis=1)


@jax.jit
def _impl(x, task_id, mode_id, W, task_bias, mode_bias):
    B, S, D = x.shape
    sc_partials = _sc_pool(x.reshape(B * S, D), S, D)

    off = _S_SC // _CHUNK
    nc = (S - _S_SC) // _CHUNK
    tc_acc = pl.pallas_call(
        _tc_pool_kernel,
        grid=(nc,),
        in_specs=[pl.BlockSpec((B, _CHUNK, D), lambda c: (0, c + off, 0))],
        out_specs=pl.BlockSpec((B, D), lambda c: (0, 0)),
        out_shape=jax.ShapeDtypeStruct((B, D), jnp.float32),
        compiler_params=pltpu.CompilerParams(
            dimension_semantics=("arbitrary",)),
    )(x)

    idx, wgt = pl.pallas_call(
        functools.partial(_finish_kernel, S=S),
        in_specs=[
            pl.BlockSpec(memory_space=pltpu.SMEM),
            pl.BlockSpec(memory_space=pltpu.SMEM),
            pl.BlockSpec(sc_partials.shape, lambda: (0, 0)),
            pl.BlockSpec((B, D), lambda: (0, 0)),
            pl.BlockSpec(W.shape, lambda: (0, 0)),
            pl.BlockSpec(task_bias.shape, lambda: (0, 0)),
            pl.BlockSpec(mode_bias.shape, lambda: (0, 0)),
        ],
        out_specs=[
            pl.BlockSpec((B, 2), lambda: (0, 0)),
            pl.BlockSpec((B, 2), lambda: (0, 0)),
        ],
        out_shape=[
            jax.ShapeDtypeStruct((B, 2), jnp.int32),
            jax.ShapeDtypeStruct((B, 2), jnp.float32),
        ],
    )(task_id.astype(jnp.int32), mode_id.astype(jnp.int32),
      sc_partials, tc_acc, W, task_bias, mode_bias)
    return idx, wgt


def kernel(x, task_id, mode_id, W, task_bias, mode_bias):
    return _impl(x, task_id, mode_id, W, task_bias, mode_bias)

# --- scband reference (transcript-rebuilt; emitter-appended) ---
"""Pipeline reference for scband-soft-prior-router-72997264163301 (READ-ONLY COPY).

The authoritative reference and input builder live on the scoring server;
editing this copy changes nothing except your own understanding.
"""

import jax, jax.numpy as jnp
import numpy as np

B = 4
S = 4096
D = 2048
NUM_EXPERTS = 16
NUM_TASKS = 8
NUM_MODES = 4
TOP_K = 2


def setup_inputs(seed: int = 0) -> dict:
    key = jax.random.key(seed)
    k1, k2, k3, k4 = jax.random.split(key, 4)
    x = jax.random.normal(k1, (B, S, D), dtype=jnp.float32)
    task_id = jax.random.randint(k2, (B,), 0, NUM_TASKS)
    mode_id = jax.random.randint(k3, (B,), 0, NUM_MODES)
    # dynamic gate weight, init normal std=0.01, shape [num_experts, input_dim]
    W = jax.random.normal(k4, (NUM_EXPERTS, D), dtype=jnp.float32) * 0.01
    # biases per _initialize_biases: fill -1, strong priors 3.0 / 2.0
    tb = np.full((NUM_TASKS, NUM_EXPERTS), -1.0, dtype=np.float32)
    mb = np.full((NUM_MODES, NUM_EXPERTS), -1.0, dtype=np.float32)
    for i in range(NUM_EXPERTS):
        tb[i % NUM_TASKS, i] = 3.0
        mb[i % NUM_MODES, i] = 2.0
    return {
        'x': x,
        'task_id': task_id,
        'mode_id': mode_id,
        'W': W,
        'task_bias': jnp.asarray(tb),
        'mode_bias': jnp.asarray(mb),
    }


def reference(x, task_id, mode_id, W, task_bias, mode_bias):
    # x: [B, S, D] -> mean pool over seq
    x_pooled = x.mean(axis=1)
    # dynamic gate: Linear(input_dim, num_experts, bias=False)
    dynamic_logits = x_pooled @ W.T
    # gather task/mode biases
    t_bias = jnp.take(task_bias, task_id, axis=0)
    m_bias = jnp.take(mode_bias, mode_id, axis=0)
    total_logits = dynamic_logits + t_bias + m_bias
    # eval mode: no noise
    top_k_logits, indices = jax.lax.top_k(total_logits, TOP_K)
    weights = jax.nn.softmax(top_k_logits, axis=-1)
    return (indices, weights)

if __name__ == "__main__":
    import jax
    _d = setup_inputs()
    print(jax.jit(kernel)(*tuple(_d.values())))

</pallas_src>

<mosaic_0001>
#map = affine_map<(d0, d1) -> (0, 0)>
module attributes {stable_mosaic.version = 14 : i64} {
  func.func @_sc_pool_body(%arg0: i32, %arg1: i32, %arg2: memref<16384x2048xf32, #tpu.memory_space<hbm>>, %arg3: memref<32x2048xf32, #tpu.memory_space<hbm>>, %arg4: memref<2x16x2048xf32, #tpu.memory_space<vmem>>, %arg5: memref<2048xf32, #tpu.memory_space<vmem>>, %arg6: memref<!tpu.dma_semaphore, #tpu.memory_space<semaphore_mem>>, %arg7: memref<!tpu.dma_semaphore, #tpu.memory_space<semaphore_mem>>) attributes {dimension_semantics = [#tpu.dimension_semantics<core_parallel>, #tpu.dimension_semantics<subcore_parallel>], iteration_bounds = array<i64: 2, 16>, scalar_prefetch = 0 : i64, scratch_operands = 4 : i64, tpu.core_type = #tpu.core_type<sc_vector_subcore>, window_params = [{transform_indices = #map}, {transform_indices = #map}]} {
    %mul3A = arith.constant 2 : i32
    %mul3A_0 = arith.muli %arg1, %mul3A : i32
    %add3A = arith.addi %mul3A_0, %arg0 : i32
    %jit3A = arith.constant 8 : i32
    %div3A = arith.divsi %add3A, %jit3A : i32
    %sign3A = arith.constant 0 : i32
    %sign3A_1 = arith.cmpi sgt, %add3A, %sign3A : i32
    %sign3A_2 = arith.extui %sign3A_1 : i1 to i32
    %sign3A_3 = arith.constant 0 : i32
    %sign3A_4 = arith.cmpi slt, %add3A, %sign3A_3 : i32
    %sign3A_5 = arith.extui %sign3A_4 : i1 to i32
    %sign3A_6 = arith.subi %sign3A_2, %sign3A_5 : i32
    %sign3A_7 = arith.constant 0 : i32
    %sign3A_8 = arith.cmpi sgt, %jit3A, %sign3A_7 : i32
    %sign3A_9 = arith.extui %sign3A_8 : i1 to i32
    %sign3A_10 = arith.constant 0 : i32
    %sign3A_11 = arith.cmpi slt, %jit3A, %sign3A_10 : i32
    %sign3A_12 = arith.extui %sign3A_11 : i1 to i32
    %sign3A_13 = arith.subi %sign3A_9, %sign3A_12 : i32
    %ne3A = arith.cmpi ne, %sign3A_6, %sign3A_13 : i32
    %rem3A = arith.remsi %add3A, %jit3A : i32
    %ne3A_14 = arith.constant 0 : i32
    %ne3A_15 = arith.cmpi ne, %rem3A, %ne3A_14 : i32
    %and3A = arith.andi %ne3A, %ne3A_15 : i1
    %sub3A = arith.constant 1 : i32
    %sub3A_16 = arith.subi %div3A, %sub3A : i32
    %select_n3A = arith.select %and3A, %sub3A_16, %div3A : i32
    %mul3A_17 = arith.constant 4096 : i32
    %mul3A_18 = arith.muli %select_n3A, %mul3A_17 : i32
    %jit3A_19 = arith.constant 8 : i32
    %eq3A = arith.constant 0 : i32
    %eq3A_20 = arith.cmpi eq, %jit3A_19, %eq3A : i32
    %jit3A_21 = arith.constant 1 : i32
    %select_n3A_22 = arith.select %eq3A_20, %jit3A_21, %jit3A_19 : i32
    %rem3A_23 = arith.remsi %add3A, %select_n3A_22 : i32
    %ne3A_24 = arith.constant 0 : i32
    %ne3A_25 = arith.cmpi ne, %rem3A_23, %ne3A_24 : i32
    %lt3A = arith.constant 0 : i32
    %lt3A_26 = arith.cmpi slt, %rem3A_23, %lt3A : i32
    %lt3A_27 = arith.constant 0 : i32
    %lt3A_28 = arith.cmpi slt, %select_n3A_22, %lt3A_27 : i32
    %ne3A_29 = arith.xori %lt3A_26, %lt3A_28 : i1
    %and3A_30 = arith.andi %ne3A_29, %ne3A_25 : i1
    %add3A_31 = arith.addi %rem3A_23, %select_n3A_22 : i32
    %select_n3A_32 = arith.select %and3A_30, %add3A_31, %rem3A_23 : i32
    %mul3A_33 = arith.constant 32 : i32
    %mul3A_34 = arith.muli %select_n3A_32, %mul3A_33 : i32
    %add3A_35 = arith.addi %mul3A_18, %mul3A_34 : i32
    %scan3A = arith.constant 0 : i32
    %scan3A_36 = arith.constant 0 : i32
    %broadcast_in_dim3A = arith.constant 0.000000e+00 : f32
    %broadcast_in_dim3A_37 = vector.broadcast %broadcast_in_dim3A : f32 to vector<16xf32>
    %mul3A_38 = arith.constant 16 : i32
    %mul3A_39 = arith.muli %scan3A_36, %mul3A_38 : i32
    %swap3A = arith.index_cast %mul3A_39 : i32 to index
    %swap3A_40 = tpu.vector_load %arg5[%swap3A] {strides = array<i32>} : memref<2048xf32, #tpu.memory_space<vmem>>, vector<16xf32>,
    %swap3A_41 = vector.shape_cast %swap3A_40 : vector<16xf32> to vector<16xf32>
    %swap3A_42 = vector.shape_cast %broadcast_in_dim3A_37 : vector<16xf32> to vector<16xf32>
    tpu.vector_store %arg5[%swap3A], %swap3A_42 {strides = array<i32>} : memref<2048xf32, #tpu.memory_space<vmem>>, vector<16xf32>,
    %scan3A_43 = arith.constant 0 : i32
    %scan3A_44 = arith.constant 1 : i32
    %broadcast_in_dim3A_45 = arith.constant 0.000000e+00 : f32
    %broadcast_in_dim3A_46 = vector.broadcast %broadcast_in_dim3A_45 : f32 to vector<16xf32>
    %mul3A_47 = arith.constant 16 : i32
    %mul3A_48 = arith.muli %scan3A_44, %mul3A_47 : i32
    %swap3A_49 = arith.index_cast %mul3A_48 : i32 to index
    %swap3A_50 = tpu.vector_load %arg5[%swap3A_49] {strides = array<i32>} : memref<2048xf32, #tpu.memory_space<vmem>>, vector<16xf32>,
    %swap3A_51 = vector.shape_cast %swap3A_50 : vector<16xf32> to vector<16xf32>
    %swap3A_52 = vector.shape_cast %broadcast_in_dim3A_46 : vector<16xf32> to vector<16xf32>
    tpu.vector_store %arg5[%swap3A_49], %swap3A_52 {strides = array<i32>} : memref<2048xf32, #tpu.memory_space<vmem>>, vector<16xf32>,
    %scan3A_53 = arith.constant 0 : i32
    %scan3A_54 = arith.constant 2 : i32
    %broadcast_in_dim3A_55 = arith.constant 0.000000e+00 : f32
    %broadcast_in_dim3A_56 = vector.broadcast %broadcast_in_dim3A_55 : f32 to vector<16xf32>
    %mul3A_57 = arith.constant 16 : i32
    %mul3A_58 = arith.muli %scan3A_54, %mul3A_57 : i32
    %swap3A_59 = arith.index_cast %mul3A_58 : i32 to index
    %swap3A_60 = tpu.vector_load %arg5[%swap3A_59] {strides = array<i32>} : memref<2048xf32, #tpu.memory_space<vmem>>, vector<16xf32>,
    %swap3A_61 = vector.shape_cast %swap3A_60 : vector<16xf32> to vector<16xf32>
    %swap3A_62 = vector.shape_cast %broadcast_in_dim3A_56 : vector<16xf32> to vector<16xf32>
    tpu.vector_store %arg5[%swap3A_59], %swap3A_62 {strides = array<i32>} : memref<2048xf32, #tpu.memory_space<vmem>>, vector<16xf32>,
    %scan3A_63 = arith.constant 0 : i32
    %scan3A_64 = arith.constant 3 : i32
    %broadcast_in_dim3A_65 = arith.constant 0.000000e+00 : f32
    %broadcast_in_dim3A_66 = vector.broadcast %broadcast_in_dim3A_65 : f32 to vector<16xf32>
    %mul3A_67 = arith.constant 16 : i32
    %mul3A_68 = arith.muli %scan3A_64, %mul3A_67 : i32
    %swap3A_69 = arith.index_cast %mul3A_68 : i32 to index
    %swap3A_70 = tpu.vector_load %arg5[%swap3A_69] {strides = array<i32>} : memref<2048xf32, #tpu.memory_space<vmem>>, vector<16xf32>,
    %swap3A_71 = vector.shape_cast %swap3A_70 : vector<16xf32> to vector<16xf32>
    %swap3A_72 = vector.shape_cast %broadcast_in_dim3A_66 : vector<16xf32> to vector<16xf32>
    tpu.vector_store %arg5[%swap3A_69], %swap3A_72 {strides = array<i32>} : memref<2048xf32, #tpu.memory_space<vmem>>, vector<16xf32>,
    %scan3A_73 = arith.constant 0 : i32
    %scan3A_74 = arith.constant 4 : i32
    %broadcast_in_dim3A_75 = arith.constant 0.000000e+00 : f32
    %broadcast_in_dim3A_76 = vector.broadcast %broadcast_in_dim3A_75 : f32 to vector<16xf32>
    %mul3A_77 = arith.constant 16 : i32
    %mul3A_78 = arith.muli %scan3A_74, %mul3A_77 : i32
    %swap3A_79 = arith.index_cast %mul3A_78 : i32 to index
    %swap3A_80 = tpu.vector_load %arg5[%swap3A_79] {strides = array<i32>} : memref<2048xf32, #tpu.memory_space<vmem>>, vector<16xf32>,
    %swap3A_81 = vector.shape_cast %swap3A_80 : vector<16xf32> to vector<16xf32>
    %swap3A_82 = vector.shape_cast %broadcast_in_dim3A_76 : vector<16xf32> to vector<16xf32>
    tpu.vector_store %arg5[%swap3A_79], %swap3A_82 {strides = array<i32>} : memref<2048xf32, #tpu.memory_space<vmem>>, vector<16xf32>,
    %scan3A_83 = arith.constant 0 : i32
    %scan3A_84 = arith.constant 5 : i32
    %broadcast_in_dim3A_85 = arith.constant 0.000000e+00 : f32
    %broadcast_in_dim3A_86 = vector.broadcast %broadcast_in_dim3A_85 : f32 to vector<16xf32>
    %mul3A_87 = arith.constant 16 : i32
    %mul3A_88 = arith.muli %scan3A_84, %mul3A_87 : i32
    %swap3A_89 = arith.index_cast %mul3A_88 : i32 to index
    %swap3A_90 = tpu.vector_load %arg5[%swap3A_89] {strides = array<i32>} : memref<2048xf32, #tpu.memory_space<vmem>>, vector<16xf32>,
    %swap3A_91 = vector.shape_cast %swap3A_90 : vector<16xf32> to vector<16xf32>
    %swap3A_92 = vector.shape_cast %broadcast_in_dim3A_86 : vector<16xf32> to vector<16xf32>
    tpu.vector_store %arg5[%swap3A_89], %swap3A_92 {strides = array<i32>} : memref<2048xf32, #tpu.memory_space<vmem>>, vector<16xf32>,
    %scan3A_93 = arith.constant 0 : i32
    %scan3A_94 = arith.constant 6 : i32
    %broadcast_in_dim3A_95 = arith.constant 0.000000e+00 : f32
    %broadcast_in_dim3A_96 = vector.broadcast %broadcast_in_dim3A_95 : f32 to vector<16xf32>
    %mul3A_97 = arith.constant 16 : i32
    %mul3A_98 = arith.muli %scan3A_94, %mul3A_97 : i32
    %swap3A_99 = arith.index_cast %mul3A_98 : i32 to index
    %swap3A_100 = tpu.vector_load %arg5[%swap3A_99] {strides = array<i32>} : memref<2048xf32, #tpu.memory_space<vmem>>, vector<16xf32>,
    %swap3A_101 = vector.shape_cast %swap3A_100 : vector<16xf32> to vector<16xf32>
    %swap3A_102 = vector.shape_cast %broadcast_in_dim3A_96 : vector<16xf32> to vector<16xf32>
    tpu.vector_store %arg5[%swap3A_99], %swap3A_102 {strides = array<i32>} : memref<2048xf32, #tpu.memory_space<vmem>>, vector<16xf32>,
    %scan3A_103 = arith.constant 0 : i32
    %scan3A_104 = arith.constant 7 : i32
    %broadcast_in_dim3A_105 = arith.constant 0.000000e+00 : f32
    %broadcast_in_dim3A_106 = vector.broadcast %broadcast_in_dim3A_105 : f32 to vector<16xf32>
    %mul3A_107 = arith.constant 16 : i32
    %mul3A_108 = arith.muli %scan3A_104, %mul3A_107 : i32
    %swap3A_109 = arith.index_cast %mul3A_108 : i32 to index
    %swap3A_110 = tpu.vector_load %arg5[%swap3A_109] {strides = array<i32>} : memref<2048xf32, #tpu.memory_space<vmem>>, vector<16xf32>,
    %swap3A_111 = vector.shape_cast %swap3A_110 : vector<16xf32> to vector<16xf32>
    %swap3A_112 = vector.shape_cast %broadcast_in_dim3A_106 : vector<16xf32> to vector<16xf32>
    tpu.vector_store %arg5[%swap3A_109], %swap3A_112 {strides = array<i32>} : memref<2048xf32, #tpu.memory_space<vmem>>, vector<16xf32>,
    %scan3A_113 = arith.constant 0 : i32
    %scan3A_114 = arith.constant 8 : i32
    %broadcast_in_dim3A_115 = arith.constant 0.000000e+00 : f32
    %broadcast_in_dim3A_116 = vector.broadcast %broadcast_in_dim3A_115 : f32 to vector<16xf32>
    %mul3A_117 = arith.constant 16 : i32
    %mul3A_118 = arith.muli %scan3A_114, %mul3A_117 : i32
    %swap3A_119 = arith.index_cast %mul3A_118 : i32 to index
    %swap3A_120 = tpu.vector_load %arg5[%swap3A_119] {strides = array<i32>} : memref<2048xf32, #tpu.memory_space<vmem>>, vector<16xf32>,
    %swap3A_121 = vector.shape_cast %swap3A_120 : vector<16xf32> to vector<16xf32>
    %swap3A_122 = vector.shape_cast %broadcast_in_dim3A_116 : vector<16xf32> to vector<16xf32>
    tpu.vector_store %arg5[%swap3A_119], %swap3A_122 {strides = array<i32>} : memref<2048xf32, #tpu.memory_space<vmem>>, vector<16xf32>,
    %scan3A_123 = arith.constant 0 : i32
    %scan3A_124 = arith.constant 9 : i32
    %broadcast_in_dim3A_125 = arith.constant 0.000000e+00 : f32
    %broadcast_in_dim3A_126 = vector.broadcast %broadcast_in_dim3A_125 : f32 to vector<16xf32>
    %mul3A_127 = arith.constant 16 : i32
    %mul3A_128 = arith.muli %scan3A_124, %mul3A_127 : i32
    %swap3A_129 = arith.index_cast %mul3A_128 : i32 to index
    %swap3A_130 = tpu.vector_load %arg5[%swap3A_129] {strides = array<i32>} : memref<2048xf32, #tpu.memory_space<vmem>>, vector<16xf32>,
    %swap3A_131 = vector.shape_cast %swap3A_130 : vector<16xf32> to vector<16xf32>
    %swap3A_132 = vector.shape_cast %broadcast_in_dim3A_126 : vector<16xf32> to vector<16xf32>
    tpu.vector_store %arg5[%swap3A_129], %swap3A_132 {strides = array<i32>} : memref<2048xf32, #tpu.memory_space<vmem>>, vector<16xf32>,
    %scan3A_133 = arith.constant 0 : i32
    %scan3A_134 = arith.constant 10 : i32
    %broadcast_in_dim3A_135 = arith.constant 0.000000e+00 : f32
    %broadcast_in_dim3A_136 = vector.broadcast %broadcast_in_dim3A_135 : f32 to vector<16xf32>
    %mul3A_137 = arith.constant 16 : i32
    %mul3A_138 = arith.muli %scan3A_134, %mul3A_137 : i32
    %swap3A_139 = arith.index_cast %mul3A_138 : i32 to index
    %swap3A_140 = tpu.vector_load %arg5[%swap3A_139] {strides = array<i32>} : memref<2048xf32, #tpu.memory_space<vmem>>, vector<16xf32>,
    %swap3A_141 = vector.shape_cast %swap3A_140 : vector<16xf32> to vector<16xf32>
    %swap3A_142 = vector.shape_cast %broadcast_in_dim3A_136 : vector<16xf32> to vector<16xf32>
    tpu.vector_store %arg5[%swap3A_139], %swap3A_142 {strides = array<i32>} : memref<2048xf32, #tpu.memory_space<vmem>>, vector<16xf32>,
    %scan3A_143 = arith.constant 0 : i32
    %scan3A_144 = arith.constant 11 : i32
    %broadcast_in_dim3A_145 = arith.constant 0.000000e+00 : f32
    %broadcast_in_dim3A_146 = vector.broadcast %broadcast_in_dim3A_145 : f32 to vector<16xf32>
    %mul3A_147 = arith.constant 16 : i32
    %mul3A_148 = arith.muli %scan3A_144, %mul3A_147 : i32
    %swap3A_149 = arith.index_cast %mul3A_148 : i32 to index
    %swap3A_150 = tpu.vector_load %arg5[%swap3A_149] {strides = array<i32>} : memref<2048xf32, #tpu.memory_space<vmem>>, vector<16xf32>,
    %swap3A_151 = vector.shape_cast %swap3A_150 : vector<16xf32> to vector<16xf32>
    %swap3A_152 = vector.shape_cast %broadcast_in_dim3A_146 : vector<16xf32> to vector<16xf32>
    tpu.vector_store %arg5[%swap3A_149], %swap3A_152 {strides = array<i32>} : memref<2048xf32, #tpu.memory_space<vmem>>, vector<16xf32>,
    %scan3A_153 = arith.constant 0 : i32
    %scan3A_154 = arith.constant 12 : i32
    %broadcast_in_dim3A_155 = arith.constant 0.000000e+00 : f32
    %broadcast_in_dim3A_156 = vector.broadcast %broadcast_in_dim3A_155 : f32 to vector<16xf32>
    %mul3A_157 = arith.constant 16 : i32
    %mul3A_158 = arith.muli %scan3A_154, %mul3A_157 : i32
    %swap3A_159 = arith.index_cast %mul3A_158 : i32 to index
    %swap3A_160 = tpu.vector_load %arg5[%swap3A_159] {strides = array<i32>} : memref<2048xf32, #tpu.memory_space<vmem>>, vector<16xf32>,
    %swap3A_161 = vector.shape_cast %swap3A_160 : vector<16xf32> to vector<16xf32>
    %swap3A_162 = vector.shape_cast %broadcast_in_dim3A_156 : vector<16xf32> to vector<16xf32>
    tpu.vector_store %arg5[%swap3A_159], %swap3A_162 {strides = array<i32>} : memref<2048xf32, #tpu.memory_space<vmem>>, vector<16xf32>,
    %scan3A_163 = arith.constant 0 : i32
    %scan3A_164 = arith.constant 13 : i32
    %broadcast_in_dim3A_165 = arith.constant 0.000000e+00 : f32
    %broadcast_in_dim3A_166 = vector.broadcast %broadcast_in_dim3A_165 : f32 to vector<16xf32>
    %mul3A_167 = arith.constant 16 : i32
    %mul3A_168 = arith.muli %scan3A_164, %mul3A_167 : i32
    %swap3A_169 = arith.index_cast %mul3A_168 : i32 to index
    %swap3A_170 = tpu.vector_load %arg5[%swap3A_169] {strides = array<i32>} : memref<2048xf32, #tpu.memory_space<vmem>>, vector<16xf32>,
    %swap3A_171 = vector.shape_cast %swap3A_170 : vector<16xf32> to vector<16xf32>
    %swap3A_172 = vector.shape_cast %broadcast_in_dim3A_166 : vector<16xf32> to vector<16xf32>
    tpu.vector_store %arg5[%swap3A_169], %swap3A_172 {strides = array<i32>} : memref<2048xf32, #tpu.memory_space<vmem>>, vector<16xf32>,
    %scan3A_173 = arith.constant 0 : i32
    %scan3A_174 = arith.constant 14 : i32
    %broadcast_in_dim3A_175 = arith.constant 0.000000e+00 : f32
    %broadcast_in_dim3A_176 = vector.broadcast %broadcast_in_dim3A_175 : f32 to vector<16xf32>
    %mul3A_177 = arith.constant 16 : i32
    %mul3A_178 = arith.muli %scan3A_174, %mul3A_177 : i32
    %swap3A_179 = arith.index_cast %mul3A_178 : i32 to index
    %swap3A_180 = tpu.vector_load %arg5[%swap3A_179] {strides = array<i32>} : memref<2048xf32, #tpu.memory_space<vmem>>, vector<16xf32>,
    %swap3A_181 = vector.shape_cast %swap3A_180 : vector<16xf32> to vector<16xf32>
    %swap3A_182 = vector.shape_cast %broadcast_in_dim3A_176 : vector<16xf32> to vector<16xf32>
    tpu.vector_store %arg5[%swap3A_179], %swap3A_182 {strides = array<i32>} : memref<2048xf32, #tpu.memory_space<vmem>>, vector<16xf32>,
    %scan3A_183 = arith.constant 0 : i32
    %scan3A_184 = arith.constant 15 : i32
    %broadcast_in_dim3A_185 = arith.constant 0.000000e+00 : f32
    %broadcast_in_dim3A_186 = vector.broadcast %broadcast_in_dim3A_185 : f32 to vector<16xf32>
    %mul3A_187 = arith.constant 16 : i32
    %mul3A_188 = arith.muli %scan3A_184, %mul3A_187 : i32
    %swap3A_189 = arith.index_cast %mul3A_188 : i32 to index
    %swap3A_190 = tpu.vector_load %arg5[%swap3A_189] {strides = array<i32>} : memref<2048xf32, #tpu.memory_space<vmem>>, vector<16xf32>,
    %swap3A_191 = vector.shape_cast %swap3A_190 : vector<16xf32> to vector<16xf32>
    %swap3A_192 = vector.shape_cast %broadcast_in_dim3A_186 : vector<16xf32> to vector<16xf32>
    tpu.vector_store %arg5[%swap3A_189], %swap3A_192 {strides = array<i32>} : memref<2048xf32, #tpu.memory_space<vmem>>, vector<16xf32>,
    %scan3A_193 = arith.constant 0 : i32
    %scan3A_194 = arith.constant 16 : i32
    %broadcast_in_dim3A_195 = arith.constant 0.000000e+00 : f32
    %broadcast_in_dim3A_196 = vector.broadcast %broadcast_in_dim3A_195 : f32 to vector<16xf32>
    %mul3A_197 = arith.constant 16 : i32
    %mul3A_198 = arith.muli %scan3A_194, %mul3A_197 : i32
    %swap3A_199 = arith.index_cast %mul3A_198 : i32 to index
    %swap3A_200 = tpu.vector_load %arg5[%swap3A_199] {strides = array<i32>} : memref<2048xf32, #tpu.memory_space<vmem>>, vector<16xf32>,
    %swap3A_201 = vector.shape_cast %swap3A_200 : vector<16xf32> to vector<16xf32>
    %swap3A_202 = vector.shape_cast %broadcast_in_dim3A_196 : vector<16xf32> to vector<16xf32>
    tpu.vector_store %arg5[%swap3A_199], %swap3A_202 {strides = array<i32>} : memref<2048xf32, #tpu.memory_space<vmem>>, vector<16xf32>,
    %scan3A_203 = arith.constant 0 : i32
    %scan3A_204 = arith.constant 17 : i32
    %broadcast_in_dim3A_205 = arith.constant 0.000000e+00 : f32
    %broadcast_in_dim3A_206 = vector.broadcast %broadcast_in_dim3A_205 : f32 to vector<16xf32>
    %mul3A_207 = arith.constant 16 : i32
    %mul3A_208 = arith.muli %scan3A_204, %mul3A_207 : i32
    %swap3A_209 = arith.index_cast %mul3A_208 : i32 to index
    %swap3A_210 = tpu.vector_load %arg5[%swap3A_209] {strides = array<i32>} : memref<2048xf32, #tpu.memory_space<vmem>>, vector<16xf32>,
    %swap3A_211 = vector.shape_cast %swap3A_210 : vector<16xf32> to vector<16xf32>
    %swap3A_212 = vector.shape_cast %broadcast_in_dim3A_206 : vector<16xf32> to vector<16xf32>
    tpu.vector_store %arg5[%swap3A_209], %swap3A_212 {strides = array<i32>} : memref<2048xf32, #tpu.memory_space<vmem>>, vector<16xf32>,
    %scan3A_213 = arith.constant 0 : i32
    %scan3A_214 = arith.constant 18 : i32
    %broadcast_in_dim3A_215 = arith.constant 0.000000e+00 : f32
    %broadcast_in_dim3A_216 = vector.broadcast %broadcast_in_dim3A_215 : f32 to vector<16xf32>
    %mul3A_217 = arith.constant 16 : i32
    %mul3A_218 = arith.muli %scan3A_214, %mul3A_217 : i32
    %swap3A_219 = arith.index_cast %mul3A_218 : i32 to index
    %swap3A_220 = tpu.vector_load %arg5[%swap3A_219] {strides = array<i32>} : memref<2048xf32, #tpu.memory_space<vmem>>, vector<16xf32>,
    %swap3A_221 = vector.shape_cast %swap3A_220 : vector<16xf32> to vector<16xf32>
    %swap3A_222 = vector.shape_cast %broadcast_in_dim3A_216 : vector<16xf32> to vector<16xf32>
    tpu.vector_store %arg5[%swap3A_219], %swap3A_222 {strides = array<i32>} : memref<2048xf32, #tpu.memory_space<vmem>>, vector<16xf32>,
    %scan3A_223 = arith.constant 0 : i32
    %scan3A_224 = arith.constant 19 : i32
    %broadcast_in_dim3A_225 = arith.constant 0.000000e+00 : f32
    %broadcast_in_dim3A_226 = vector.broadcast %broadcast_in_dim3A_225 : f32 to vector<16xf32>
    %mul3A_227 = arith.constant 16 : i32
    %mul3A_228 = arith.muli %scan3A_224, %mul3A_227 : i32
    %swap3A_229 = arith.index_cast %mul3A_228 : i32 to index
    %swap3A_230 = tpu.vector_load %arg5[%swap3A_229] {strides = array<i32>} : memref<2048xf32, #tpu.memory_space<vmem>>, vector<16xf32>,
    %swap3A_231 = vector.shape_cast %swap3A_230 : vector<16xf32> to vector<16xf32>
    %swap3A_232 = vector.shape_cast %broadcast_in_dim3A_226 : vector<16xf32> to vector<16xf32>
    tpu.vector_store %arg5[%swap3A_229], %swap3A_232 {strides = array<i32>} : memref<2048xf32, #tpu.memory_space<vmem>>, vector<16xf32>,
    %scan3A_233 = arith.constant 0 : i32
    %scan3A_234 = arith.constant 20 : i32
    %broadcast_in_dim3A_235 = arith.constant 0.000000e+00 : f32
    %broadcast_in_dim3A_236 = vector.broadcast %broadcast_in_dim3A_235 : f32 to vector<16xf32>
    %mul3A_237 = arith.constant 16 : i32
    %mul3A_238 = arith.muli %scan3A_234, %mul3A_237 : i32
    %swap3A_239 = arith.index_cast %mul3A_238 : i32 to index
    %swap3A_240 = tpu.vector_load %arg5[%swap3A_239] {strides = array<i32>} : memref<2048xf32, #tpu.memory_space<vmem>>, vector<16xf32>,
    %swap3A_241 = vector.shape_cast %swap3A_240 : vector<16xf32> to vector<16xf32>
    %swap3A_242 = vector.shape_cast %broadcast_in_dim3A_236 : vector<16xf32> to vector<16xf32>
    tpu.vector_store %arg5[%swap3A_239], %swap3A_242 {strides = array<i32>} : memref<2048xf32, #tpu.memory_space<vmem>>, vector<16xf32>,
    %scan3A_243 = arith.constant 0 : i32
    %scan3A_244 = arith.constant 21 : i32
    %broadcast_in_dim3A_245 = arith.constant 0.000000e+00 : f32
    %broadcast_in_dim3A_246 = vector.broadcast %broadcast_in_dim3A_245 : f32 to vector<16xf32>
    %mul3A_247 = arith.constant 16 : i32
    %mul3A_248 = arith.muli %scan3A_244, %mul3A_247 : i32
    %swap3A_249 = arith.index_cast %mul3A_248 : i32 to index
    %swap3A_250 = tpu.vector_load %arg5[%swap3A_249] {strides = array<i32>} : memref<2048xf32, #tpu.memory_space<vmem>>, vector<16xf32>,
    %swap3A_251 = vector.shape_cast %swap3A_250 : vector<16xf32> to vector<16xf32>
    %swap3A_252 = vector.shape_cast %broadcast_in_dim3A_246 : vector<16xf32> to vector<16xf32>
    tpu.vector_store %arg5[%swap3A_249], %swap3A_252 {strides = array<i32>} : memref<2048xf32, #tpu.memory_space<vmem>>, vector<16xf32>,
    %scan3A_253 = arith.constant 0 : i32
    %scan3A_254 = arith.constant 22 : i32
    %broadcast_in_dim3A_255 = arith.constant 0.000000e+00 : f32
    %broadcast_in_dim3A_256 = vector.broadcast %broadcast_in_dim3A_255 : f32 to vector<16xf32>
    %mul3A_257 = arith.constant 16 : i32
    %mul3A_258 = arith.muli %scan3A_254, %mul3A_257 : i32
    %swap3A_259 = arith.index_cast %mul3A_258 : i32 to index
    %swap3A_260 = tpu.vector_load %arg5[%swap3A_259] {strides = array<i32>} : memref<2048xf32, #tpu.memory_space<vmem>>, vector<16xf32>,
    %swap3A_261 = vector.shape_cast %swap3A_260 : vector<16xf32> to vector<16xf32>
    %swap3A_262 = vector.shape_cast %broadcast_in_dim3A_256 : vector<16xf32> to vector<16xf32>
    tpu.vector_store %arg5[%swap3A_259], %swap3A_262 {strides = array<i32>} : memref<2048xf32, #tpu.memory_space<vmem>>, vector<16xf32>,
    %scan3A_263 = arith.constant 0 : i32
    %scan3A_264 = arith.constant 23 : i32
    %broadcast_in_dim3A_265 = arith.constant 0.000000e+00 : f32
    %broadcast_in_dim3A_266 = vector.broadcast %broadcast_in_dim3A_265 : f32 to vector<16xf32>
    %mul3A_267 = arith.constant 16 : i32
    %mul3A_268 = arith.muli %scan3A_264, %mul3A_267 : i32
    %swap3A_269 = arith.index_cast %mul3A_268 : i32 to index
    %swap3A_270 = tpu.vector_load %arg5[%swap3A_269] {strides = array<i32>} : memref<2048xf32, #tpu.memory_space<vmem>>, vector<16xf32>,
    %swap3A_271 = vector.shape_cast %swap3A_270 : vector<16xf32> to vector<16xf32>
    %swap3A_272 = vector.shape_cast %broadcast_in_dim3A_266 : vector<16xf32> to vector<16xf32>
    tpu.vector_store %arg5[%swap3A_269], %swap3A_272 {strides = array<i32>} : memref<2048xf32, #tpu.memory_space<vmem>>, vector<16xf32>,
    %scan3A_273 = arith.constant 0 : i32
    %scan3A_274 = arith.constant 24 : i32
    %broadcast_in_dim3A_275 = arith.constant 0.000000e+00 : f32
    %broadcast_in_dim3A_276 = vector.broadcast %broadcast_in_dim3A_275 : f32 to vector<16xf32>
    %mul3A_277 = arith.constant 16 : i32
    %mul3A_278 = arith.muli %scan3A_274, %mul3A_277 : i32
    %swap3A_279 = arith.index_cast %mul3A_278 : i32 to index
    %swap3A_280 = tpu.vector_load %arg5[%swap3A_279] {strides = array<i32>} : memref<2048xf32, #tpu.memory_space<vmem>>, vector<16xf32>,
    %swap3A_281 = vector.shape_cast %swap3A_280 : vector<16xf32> to vector<16xf32>
    %swap3A_282 = vector.shape_cast %broadcast_in_dim3A_276 : vector<16xf32> to vector<16xf32>
    tpu.vector_store %arg5[%swap3A_279], %swap3A_282 {strides = array<i32>} : memref<2048xf32, #tpu.memory_space<vmem>>, vector<16xf32>,
    %scan3A_283 = arith.constant 0 : i32
    %scan3A_284 = arith.constant 25 : i32
    %broadcast_in_dim3A_285 = arith.constant 0.000000e+00 : f32
    %broadcast_in_dim3A_286 = vector.broadcast %broadcast_in_dim3A_285 : f32 to vector<16xf32>
    %mul3A_287 = arith.constant 16 : i32
    %mul3A_288 = arith.muli %scan3A_284, %mul3A_287 : i32
    %swap3A_289 = arith.index_cast %mul3A_288 : i32 to index
    %swap3A_290 = tpu.vector_load %arg5[%swap3A_289] {strides = array<i32>} : memref<2048xf32, #tpu.memory_space<vmem>>, vector<16xf32>,
    %swap3A_291 = vector.shape_cast %swap3A_290 : vector<16xf32> to vector<16xf32>
    %swap3A_292 = vector.shape_cast %broadcast_in_dim3A_286 : vector<16xf32> to vector<16xf32>
    tpu.vector_store %arg5[%swap3A_289], %swap3A_292 {strides = array<i32>} : memref<2048xf32, #tpu.memory_space<vmem>>, vector<16xf32>,
    %scan3A_293 = arith.constant 0 : i32
    %scan3A_294 = arith.constant 26 : i32
    %broadcast_in_dim3A_295 = arith.constant 0.000000e+00 : f32
    %broadcast_in_dim3A_296 = vector.broadcast %broadcast_in_dim3A_295 : f32 to vector<16xf32>
    %mul3A_297 = arith.constant 16 : i32
    %mul3A_298 = arith.muli %scan3A_294, %mul3A_297 : i32
    %swap3A_299 = arith.index_cast %mul3A_298 : i32 to index
    %swap3A_300 = tpu.vector_load %arg5[%swap3A_299] {strides = array<i32>} : memref<2048xf32, #tpu.memory_space<vmem>>, vector<16xf32>,
    %swap3A_301 = vector.shape_cast %swap3A_300 : vector<16xf32> to vector<16xf32>
    %swap3A_302 = vector.shape_cast %broadcast_in_dim3A_296 : vector<16xf32> to vector<16xf32>
    tpu.vector_store %arg5[%swap3A_299], %swap3A_302 {strides = array<i32>} : memref<2048xf32, #tpu.memory_space<vmem>>, vector<16xf32>,
    %scan3A_303 = arith.constant 0 : i32
    %scan3A_304 = arith.constant 27 : i32
    %broadcast_in_dim3A_305 = arith.constant 0.000000e+00 : f32
    %broadcast_in_dim3A_306 = vector.broadcast %broadcast_in_dim3A_305 : f32 to vector<16xf32>
    %mul3A_307 = arith.constant 16 : i32
    %mul3A_308 = arith.muli %scan3A_304, %mul3A_307 : i32
    %swap3A_309 = arith.index_cast %mul3A_308 : i32 to index
    %swap3A_310 = tpu.vector_load %arg5[%swap3A_309] {strides = array<i32>} : memref<2048xf32, #tpu.memory_space<vmem>>, vector<16xf32>,
    %swap3A_311 = vector.shape_cast %swap3A_310 : vector<16xf32> to vector<16xf32>
    %swap3A_312 = vector.shape_cast %broadcast_in_dim3A_306 : vector<16xf32> to vector<16xf32>
    tpu.vector_store %arg5[%swap3A_309], %swap3A_312 {strides = array<i32>} : memref<2048xf32, #tpu.memory_space<vmem>>, vector<16xf32>,
    %scan3A_313 = arith.constant 0 : i32
    %scan3A_314 = arith.constant 28 : i32
    %broadcast_in_dim3A_315 = arith.constant 0.000000e+00 : f32
    %broadcast_in_dim3A_316 = vector.broadcast %broadcast_in_dim3A_315 : f32 to vector<16xf32>
    %mul3A_317 = arith.constant 16 : i32
    %mul3A_318 = arith.muli %scan3A_314, %mul3A_317 : i32
    %swap3A_319 = arith.index_cast %mul3A_318 : i32 to index
    %swap3A_320 = tpu.vector_load %arg5[%swap3A_319] {strides = array<i32>} : memref<2048xf32, #tpu.memory_space<vmem>>, vector<16xf32>,
    %swap3A_321 = vector.shape_cast %swap3A_320 : vector<16xf32> to vector<16xf32>
    %swap3A_322 = vector.shape_cast %broadcast_in_dim3A_316 : vector<16xf32> to vector<16xf32>
    tpu.vector_store %arg5[%swap3A_319], %swap3A_322 {strides = array<i32>} : memref<2048xf32, #tpu.memory_space<vmem>>, vector<16xf32>,
    %scan3A_323 = arith.constant 0 : i32
    %scan3A_324 = arith.constant 29 : i32
    %broadcast_in_dim3A_325 = arith.constant 0.000000e+00 : f32
    %broadcast_in_dim3A_326 = vector.broadcast %broadcast_in_dim3A_325 : f32 to vector<16xf32>
    %mul3A_327 = arith.constant 16 : i32
    %mul3A_328 = arith.muli %scan3A_324, %mul3A_327 : i32
    %swap3A_329 = arith.index_cast %mul3A_328 : i32 to index
    %swap3A_330 = tpu.vector_load %arg5[%swap3A_329] {strides = array<i32>} : memref<2048xf32, #tpu.memory_space<vmem>>, vector<16xf32>,
    %swap3A_331 = vector.shape_cast %swap3A_330 : vector<16xf32> to vector<16xf32>
    %swap3A_332 = vector.shape_cast %broadcast_in_dim3A_326 : vector<16xf32> to vector<16xf32>
    tpu.vector_store %arg5[%swap3A_329], %swap3A_332 {strides = array<i32>} : memref<2048xf32, #tpu.memory_space<vmem>>, vector<16xf32>,
    %scan3A_333 = arith.constant 0 : i32
    %scan3A_334 = arith.constant 30 : i32
    %broadcast_in_dim3A_335 = arith.constant 0.000000e+00 : f32
    %broadcast_in_dim3A_336 = vector.broadcast %broadcast_in_dim3A_335 : f32 to vector<16xf32>
    %mul3A_337 = arith.constant 16 : i32
    %mul3A_338 = arith.muli %scan3A_334, %mul3A_337 : i32
    %swap3A_339 = arith.index_cast %mul3A_338 : i32 to index
    %swap3A_340 = tpu.vector_load %arg5[%swap3A_339] {strides = array<i32>} : memref<2048xf32, #tpu.memory_space<vmem>>, vector<16xf32>,
    %swap3A_341 = vector.shape_cast %swap3A_340 : vector<16xf32> to vector<16xf32>
    %swap3A_342 = vector.shape_cast %broadcast_in_dim3A_336 : vector<16xf32> to vector<16xf32>
    tpu.vector_store %arg5[%swap3A_339], %swap3A_342 {strides = array<i32>} : memref<2048xf32, #tpu.memory_space<vmem>>, vector<16xf32>,
    %scan3A_343 = arith.constant 0 : i32
    %scan3A_344 = arith.constant 31 : i32
    %broadcast_in_dim3A_345 = arith.constant 0.000000e+00 : f32
    %broadcast_in_dim3A_346 = vector.broadcast %broadcast_in_dim3A_345 : f32 to vector<16xf32>
    %mul3A_347 = arith.constant 16 : i32
    %mul3A_348 = arith.muli %scan3A_344, %mul3A_347 : i32
    %swap3A_349 = arith.index_cast %mul3A_348 : i32 to index
    %swap3A_350 = tpu.vector_load %arg5[%swap3A_349] {strides = array<i32>} : memref<2048xf32, #tpu.memory_space<vmem>>, vector<16xf32>,
    %swap3A_351 = vector.shape_cast %swap3A_350 : vector<16xf32> to vector<16xf32>
    %swap3A_352 = vector.shape_cast %broadcast_in_dim3A_346 : vector<16xf32> to vector<16xf32>
    tpu.vector_store %arg5[%swap3A_349], %swap3A_352 {strides = array<i32>} : memref<2048xf32, #tpu.memory_space<vmem>>, vector<16xf32>,
    %scan3A_353 = arith.constant 0 : i32
    %scan3A_354 = arith.constant 32 : i32
    %broadcast_in_dim3A_355 = arith.constant 0.000000e+00 : f32
    %broadcast_in_dim3A_356 = vector.broadcast %broadcast_in_dim3A_355 : f32 to vector<16xf32>
    %mul3A_357 = arith.constant 16 : i32
    %mul3A_358 = arith.muli %scan3A_354, %mul3A_357 : i32
    %swap3A_359 = arith.index_cast %mul3A_358 : i32 to index
    %swap3A_360 = tpu.vector_load %arg5[%swap3A_359] {strides = array<i32>} : memref<2048xf32, #tpu.memory_space<vmem>>, vector<16xf32>,
    %swap3A_361 = vector.shape_cast %swap3A_360 : vector<16xf32> to vector<16xf32>
    %swap3A_362 = vector.shape_cast %broadcast_in_dim3A_356 : vector<16xf32> to vector<16xf32>
    tpu.vector_store %arg5[%swap3A_359], %swap3A_362 {strides = array<i32>} : memref<2048xf32, #tpu.memory_space<vmem>>, vector<16xf32>,
    %scan3A_363 = arith.constant 0 : i32
    %scan3A_364 = arith.constant 33 : i32
    %broadcast_in_dim3A_365 = arith.constant 0.000000e+00 : f32
    %broadcast_in_dim3A_366 = vector.broadcast %broadcast_in_dim3A_365 : f32 to vector<16xf32>
    %mul3A_367 = arith.constant 16 : i32
    %mul3A_368 = arith.muli %scan3A_364, %mul3A_367 : i32
    %swap3A_369 = arith.index_cast %mul3A_368 : i32 to index
    %swap3A_370 = tpu.vector_load %arg5[%swap3A_369] {strides = array<i32>} : memref<2048xf32, #tpu.memory_space<vmem>>, vector<16xf32>,
    %swap3A_371 = vector.shape_cast %swap3A_370 : vector<16xf32> to vector<16xf32>
    %swap3A_372 = vector.shape_cast %broadcast_in_dim3A_366 : vector<16xf32> to vector<16xf32>
    tpu.vector_store %arg5[%swap3A_369], %swap3A_372 {strides = array<i32>} : memref<2048xf32, #tpu.memory_space<vmem>>, vector<16xf32>,
    %scan3A_373 = arith.constant 0 : i32
    %scan3A_374 = arith.constant 34 : i32
    %broadcast_in_dim3A_375 = arith.constant 0.000000e+00 : f32
    %broadcast_in_dim3A_376 = vector.broadcast %broadcast_in_dim3A_375 : f32 to vector<16xf32>
    %mul3A_377 = arith.constant 16 : i32
    %mul3A_378 = arith.muli %scan3A_374, %mul3A_377 : i32
    %swap3A_379 = arith.index_cast %mul3A_378 : i32 to index
    %swap3A_380 = tpu.vector_load %arg5[%swap3A_379] {strides = array<i32>} : memref<2048xf32, #tpu.memory_space<vmem>>, vector<16xf32>,
    %swap3A_381 = vector.shape_cast %swap3A_380 : vector<16xf32> to vector<16xf32>
    %swap3A_382 = vector.shape_cast %broadcast_in_dim3A_376 : vector<16xf32> to vector<16xf32>
    tpu.vector_store %arg5[%swap3A_379], %swap3A_382 {strides = array<i32>} : memref<2048xf32, #tpu.memory_space<vmem>>, vector<16xf32>,
    %scan3A_383 = arith.constant 0 : i32
    %scan3A_384 = arith.constant 35 : i32
    %broadcast_in_dim3A_385 = arith.constant 0.000000e+00 : f32
    %broadcast_in_dim3A_386 = vector.broadcast %broadcast_in_dim3A_385 : f32 to vector<16xf32>
    %mul3A_387 = arith.constant 16 : i32
    %mul3A_388 = arith.muli %scan3A_384, %mul3A_387 : i32
    %swap3A_389 = arith.index_cast %mul3A_388 : i32 to index
    %swap3A_390 = tpu.vector_load %arg5[%swap3A_389] {strides = array<i32>} : memref<2048xf32, #tpu.memory_space<vmem>>, vector<16xf32>,
    %swap3A_391 = vector.shape_cast %swap3A_390 : vector<16xf32> to vector<16xf32>
    %swap3A_392 = vector.shape_cast %broadcast_in_dim3A_386 : vector<16xf32> to vector<16xf32>
    tpu.vector_store %arg5[%swap3A_389], %swap3A_392 {strides = array<i32>} : memref<2048xf32, #tpu.memory_space<vmem>>, vector<16xf32>,
    %scan3A_393 = arith.constant 0 : i32
    %scan3A_394 = arith.constant 36 : i32
    %broadcast_in_dim3A_395 = arith.constant 0.000000e+00 : f32
    %broadcast_in_dim3A_396 = vector.broadcast %broadcast_in_dim3A_395 : f32 to vector<16xf32>
    %mul3A_397 = arith.constant 16 : i32
    %mul3A_398 = arith.muli %scan3A_394, %mul3A_397 : i32
    %swap3A_399 = arith.index_cast %mul3A_398 : i32 to index
    %swap3A_400 = tpu.vector_load %arg5[%swap3A_399] {strides = array<i32>} : memref<2048xf32, #tpu.memory_space<vmem>>, vector<16xf32>,
    %swap3A_401 = vector.shape_cast %swap3A_400 : vector<16xf32> to vector<16xf32>
    %swap3A_402 = vector.shape_cast %broadcast_in_dim3A_396 : vector<16xf32> to vector<16xf32>
    tpu.vector_store %arg5[%swap3A_399], %swap3A_402 {strides = array<i32>} : memref<2048xf32, #tpu.memory_space<vmem>>, vector<16xf32>,
    %scan3A_403 = arith.constant 0 : i32
    %scan3A_404 = arith.constant 37 : i32
    %broadcast_in_dim3A_405 = arith.constant 0.000000e+00 : f32
    %broadcast_in_dim3A_406 = vector.broadcast %broadcast_in_dim3A_405 : f32 to vector<16xf32>
    %mul3A_407 = arith.constant 16 : i32
    %mul3A_408 = arith.muli %scan3A_404, %mul3A_407 : i32
    %swap3A_409 = arith.index_cast %mul3A_408 : i32 to index
    %swap3A_410 = tpu.vector_load %arg5[%swap3A_409] {strides = array<i32>} : memref<2048xf32, #tpu.memory_space<vmem>>, vector<16xf32>,
    %swap3A_411 = vector.shape_cast %swap3A_410 : vector<16xf32> to vector<16xf32>
    %swap3A_412 = vector.shape_cast %broadcast_in_dim3A_406 : vector<16xf32> to vector<16xf32>
    tpu.vector_store %arg5[%swap3A_409], %swap3A_412 {strides = array<i32>} : memref<2048xf32, #tpu.memory_space<vmem>>, vector<16xf32>,
    %scan3A_413 = arith.constant 0 : i32
    %scan3A_414 = arith.constant 38 : i32
    %broadcast_in_dim3A_415 = arith.constant 0.000000e+00 : f32
    %broadcast_in_dim3A_416 = vector.broadcast %broadcast_in_dim3A_415 : f32 to vector<16xf32>
    %mul3A_417 = arith.constant 16 : i32
    %mul3A_418 = arith.muli %scan3A_414, %mul3A_417 : i32
    %swap3A_419 = arith.index_cast %mul3A_418 : i32 to index
    %swap3A_420 = tpu.vector_load %arg5[%swap3A_419] {strides = array<i32>} : memref<2048xf32, #tpu.memory_space<vmem>>, vector<16xf32>,
    %swap3A_421 = vector.shape_cast %swap3A_420 : vector<16xf32> to vector<16xf32>
    %swap3A_422 = vector.shape_cast %broadcast_in_dim3A_416 : vector<16xf32> to vector<16xf32>
    tpu.vector_store %arg5[%swap3A_419], %swap3A_422 {strides = array<i32>} : memref<2048xf32, #tpu.memory_space<vmem>>, vector<16xf32>,
    %scan3A_423 = arith.constant 0 : i32
    %scan3A_424 = arith.constant 39 : i32
    %broadcast_in_dim3A_425 = arith.constant 0.000000e+00 : f32
    %broadcast_in_dim3A_426 = vector.broadcast %broadcast_in_dim3A_425 : f32 to vector<16xf32>
    %mul3A_427 = arith.constant 16 : i32
    %mul3A_428 = arith.muli %scan3A_424, %mul3A_427 : i32
    %swap3A_429 = arith.index_cast %mul3A_428 : i32 to index
    %swap3A_430 = tpu.vector_load %arg5[%swap3A_429] {strides = array<i32>} : memref<2048xf32, #tpu.memory_space<vmem>>, vector<16xf32>,
    %swap3A_431 = vector.shape_cast %swap3A_430 : vector<16xf32> to vector<16xf32>
    %swap3A_432 = vector.shape_cast %broadcast_in_dim3A_426 : vector<16xf32> to vector<16xf32>
    tpu.vector_store %arg5[%swap3A_429], %swap3A_432 {strides = array<i32>} : memref<2048xf32, #tpu.memory_space<vmem>>, vector<16xf32>,
    %scan3A_433 = arith.constant 0 : i32
    %scan3A_434 = arith.constant 40 : i32
    %broadcast_in_dim3A_435 = arith.constant 0.000000e+00 : f32
    %broadcast_in_dim3A_436 = vector.broadcast %broadcast_in_dim3A_435 : f32 to vector<16xf32>
    %mul3A_437 = arith.constant 16 : i32
    %mul3A_438 = arith.muli %scan3A_434, %mul3A_437 : i32
    %swap3A_439 = arith.index_cast %mul3A_438 : i32 to index
    %swap3A_440 = tpu.vector_load %arg5[%swap3A_439] {strides = array<i32>} : memref<2048xf32, #tpu.memory_space<vmem>>, vector<16xf32>,
    %swap3A_441 = vector.shape_cast %swap3A_440 : vector<16xf32> to vector<16xf32>
    %swap3A_442 = vector.shape_cast %broadcast_in_dim3A_436 : vector<16xf32> to vector<16xf32>
    tpu.vector_store %arg5[%swap3A_439], %swap3A_442 {strides = array<i32>} : memref<2048xf32, #tpu.memory_space<vmem>>, vector<16xf32>,
    %scan3A_443 = arith.constant 0 : i32
    %scan3A_444 = arith.constant 41 : i32
    %broadcast_in_dim3A_445 = arith.constant 0.000000e+00 : f32
    %broadcast_in_dim3A_446 = vector.broadcast %broadcast_in_dim3A_445 : f32 to vector<16xf32>
    %mul3A_447 = arith.constant 16 : i32
    %mul3A_448 = arith.muli %scan3A_444, %mul3A_447 : i32
    %swap3A_449 = arith.index_cast %mul3A_448 : i32 to index
    %swap3A_450 = tpu.vector_load %arg5[%swap3A_449] {strides = array<i32>} : memref<2048xf32, #tpu.memory_space<vmem>>, vector<16xf32>,
    %swap3A_451 = vector.shape_cast %swap3A_450 : vector<16xf32> to vector<16xf32>
    %swap3A_452 = vector.shape_cast %broadcast_in_dim3A_446 : vector<16xf32> to vector<16xf32>
    tpu.vector_store %arg5[%swap3A_449], %swap3A_452 {strides = array<i32>} : memref<2048xf32, #tpu.memory_space<vmem>>, vector<16xf32>,
    %scan3A_453 = arith.constant 0 : i32
    %scan3A_454 = arith.constant 42 : i32
    %broadcast_in_dim3A_455 = arith.constant 0.000000e+00 : f32
    %broadcast_in_dim3A_456 = vector.broadcast %broadcast_in_dim3A_455 : f32 to vector<16xf32>
    %mul3A_457 = arith.constant 16 : i32
    %mul3A_458 = arith.muli %scan3A_454, %mul3A_457 : i32
    %swap3A_459 = arith.index_cast %mul3A_458 : i32 to index
    %swap3A_460 = tpu.vector_load %arg5[%swap3A_459] {strides = array<i32>} : memref<2048xf32, #tpu.memory_space<vmem>>, vector<16xf32>,
    %swap3A_461 = vector.shape_cast %swap3A_460 : vector<16xf32> to vector<16xf32>
    %swap3A_462 = vector.shape_cast %broadcast_in_dim3A_456 : vector<16xf32> to vector<16xf32>
    tpu.vector_store %arg5[%swap3A_459], %swap3A_462 {strides = array<i32>} : memref<2048xf32, #tpu.memory_space<vmem>>, vector<16xf32>,
    %scan3A_463 = arith.constant 0 : i32
    %scan3A_464 = arith.constant 43 : i32
    %broadcast_in_dim3A_465 = arith.constant 0.000000e+00 : f32
    %broadcast_in_dim3A_466 = vector.broadcast %broadcast_in_dim3A_465 : f32 to vector<16xf32>
    %mul3A_467 = arith.constant 16 : i32
    %mul3A_468 = arith.muli %scan3A_464, %mul3A_467 : i32
    %swap3A_469 = arith.index_cast %mul3A_468 : i32 to index
    %swap3A_470 = tpu.vector_load %arg5[%swap3A_469] {strides = array<i32>} : memref<2048xf32, #tpu.memory_space<vmem>>, vector<16xf32>,
    %swap3A_471 = vector.shape_cast %swap3A_470 : vector<16xf32> to vector<16xf32>
    %swap3A_472 = vector.shape_cast %broadcast_in_dim3A_466 : vector<16xf32> to vector<16xf32>
    tpu.vector_store %arg5[%swap3A_469], %swap3A_472 {strides = array<i32>} : memref<2048xf32, #tpu.memory_space<vmem>>, vector<16xf32>,
    %scan3A_473 = arith.constant 0 : i32
    %scan3A_474 = arith.constant 44 : i32
    %broadcast_in_dim3A_475 = arith.constant 0.000000e+00 : f32
    %broadcast_in_dim3A_476 = vector.broadcast %broadcast_in_dim3A_475 : f32 to vector<16xf32>
    %mul3A_477 = arith.constant 16 : i32
    %mul3A_478 = arith.muli %scan3A_474, %mul3A_477 : i32
    %swap3A_479 = arith.index_cast %mul3A_478 : i32 to index
    %swap3A_480 = tpu.vector_load %arg5[%swap3A_479] {strides = array<i32>} : memref<2048xf32, #tpu.memory_space<vmem>>, vector<16xf32>,
    %swap3A_481 = vector.shape_cast %swap3A_480 : vector<16xf32> to vector<16xf32>
    %swap3A_482 = vector.shape_cast %broadcast_in_dim3A_476 : vector<16xf32> to vector<16xf32>
    tpu.vector_store %arg5[%swap3A_479], %swap3A_482 {strides = array<i32>} : memref<2048xf32, #tpu.memory_space<vmem>>, vector<16xf32>,
    %scan3A_483 = arith.constant 0 : i32
    %scan3A_484 = arith.constant 45 : i32
    %broadcast_in_dim3A_485 = arith.constant 0.000000e+00 : f32
    %broadcast_in_dim3A_486 = vector.broadcast %broadcast_in_dim3A_485 : f32 to vector<16xf32>
    %mul3A_487 = arith.constant 16 : i32
    %mul3A_488 = arith.muli %scan3A_484, %mul3A_487 : i32
    %swap3A_489 = arith.index_cast %mul3A_488 : i32 to index
    %swap3A_490 = tpu.vector_load %arg5[%swap3A_489] {strides = array<i32>} : memref<2048xf32, #tpu.memory_space<vmem>>, vector<16xf32>,
    %swap3A_491 = vector.shape_cast %swap3A_490 : vector<16xf32> to vector<16xf32>
    %swap3A_492 = vector.shape_cast %broadcast_in_dim3A_486 : vector<16xf32> to vector<16xf32>
    tpu.vector_store %arg5[%swap3A_489], %swap3A_492 {strides = array<i32>} : memref<2048xf32, #tpu.memory_space<vmem>>, vector<16xf32>,
    %scan3A_493 = arith.constant 0 : i32
    %scan3A_494 = arith.constant 46 : i32
    %broadcast_in_dim3A_495 = arith.constant 0.000000e+00 : f32
    %broadcast_in_dim3A_496 = vector.broadcast %broadcast_in_dim3A_495 : f32 to vector<16xf32>
    %mul3A_497 = arith.constant 16 : i32
    %mul3A_498 = arith.muli %scan3A_494, %mul3A_497 : i32
    %swap3A_499 = arith.index_cast %mul3A_498 : i32 to index
    %swap3A_500 = tpu.vector_load %arg5[%swap3A_499] {strides = array<i32>} : memref<2048xf32, #tpu.memory_space<vmem>>, vector<16xf32>,
    %swap3A_501 = vector.shape_cast %swap3A_500 : vector<16xf32> to vector<16xf32>
    %swap3A_502 = vector.shape_cast %broadcast_in_dim3A_496 : vector<16xf32> to vector<16xf32>
    tpu.vector_store %arg5[%swap3A_499], %swap3A_502 {strides = array<i32>} : memref<2048xf32, #tpu.memory_space<vmem>>, vector<16xf32>,
    %scan3A_503 = arith.constant 0 : i32
    %scan3A_504 = arith.constant 47 : i32
    %broadcast_in_dim3A_505 = arith.constant 0.000000e+00 : f32
    %broadcast_in_dim3A_506 = vector.broadcast %broadcast_in_dim3A_505 : f32 to vector<16xf32>
    %mul3A_507 = arith.constant 16 : i32
    %mul3A_508 = arith.muli %scan3A_504, %mul3A_507 : i32
    %swap3A_509 = arith.index_cast %mul3A_508 : i32 to index
    %swap3A_510 = tpu.vector_load %arg5[%swap3A_509] {strides = array<i32>} : memref<2048xf32, #tpu.memory_space<vmem>>, vector<16xf32>,
    %swap3A_511 = vector.shape_cast %swap3A_510 : vector<16xf32> to vector<16xf32>
    %swap3A_512 = vector.shape_cast %broadcast_in_dim3A_506 : vector<16xf32> to vector<16xf32>
    tpu.vector_store %arg5[%swap3A_509], %swap3A_512 {strides = array<i32>} : memref<2048xf32, #tpu.memory_space<vmem>>, vector<16xf32>,
    %scan3A_513 = arith.constant 0 : i32
    %scan3A_514 = arith.constant 48 : i32
    %broadcast_in_dim3A_515 = arith.constant 0.000000e+00 : f32
    %broadcast_in_dim3A_516 = vector.broadcast %broadcast_in_dim3A_515 : f32 to vector<16xf32>
    %mul3A_517 = arith.constant 16 : i32
    %mul3A_518 = arith.muli %scan3A_514, %mul3A_517 : i32
    %swap3A_519 = arith.index_cast %mul3A_518 : i32 to index
    %swap3A_520 = tpu.vector_load %arg5[%swap3A_519] {strides = array<i32>} : memref<2048xf32, #tpu.memory_space<vmem>>, vector<16xf32>,
    %swap3A_521 = vector.shape_cast %swap3A_520 : vector<16xf32> to vector<16xf32>
    %swap3A_522 = vector.shape_cast %broadcast_in_dim3A_516 : vector<16xf32> to vector<16xf32>
    tpu.vector_store %arg5[%swap3A_519], %swap3A_522 {strides = array<i32>} : memref<2048xf32, #tpu.memory_space<vmem>>, vector<16xf32>,
    %scan3A_523 = arith.constant 0 : i32
    %scan3A_524 = arith.constant 49 : i32
    %broadcast_in_dim3A_525 = arith.constant 0.000000e+00 : f32
    %broadcast_in_dim3A_526 = vector.broadcast %broadcast_in_dim3A_525 : f32 to vector<16xf32>
    %mul3A_527 = arith.constant 16 : i32
    %mul3A_528 = arith.muli %scan3A_524, %mul3A_527 : i32
    %swap3A_529 = arith.index_cast %mul3A_528 : i32 to index
    %swap3A_530 = tpu.vector_load %arg5[%swap3A_529] {strides = array<i32>} : memref<2048xf32, #tpu.memory_space<vmem>>, vector<16xf32>,
    %swap3A_531 = vector.shape_cast %swap3A_530 : vector<16xf32> to vector<16xf32>
    %swap3A_532 = vector.shape_cast %broadcast_in_dim3A_526 : vector<16xf32> to vector<16xf32>
    tpu.vector_store %arg5[%swap3A_529], %swap3A_532 {strides = array<i32>} : memref<2048xf32, #tpu.memory_space<vmem>>, vector<16xf32>,
    %scan3A_533 = arith.constant 0 : i32
    %scan3A_534 = arith.constant 50 : i32
    %broadcast_in_dim3A_535 = arith.constant 0.000000e+00 : f32
    %broadcast_in_dim3A_536 = vector.broadcast %broadcast_in_dim3A_535 : f32 to vector<16xf32>
    %mul3A_537 = arith.constant 16 : i32
    %mul3A_538 = arith.muli %scan3A_534, %mul3A_537 : i32
    %swap3A_539 = arith.index_cast %mul3A_538 : i32 to index
    %swap3A_540 = tpu.vector_load %arg5[%swap3A_539] {strides = array<i32>} : memref<2048xf32, #tpu.memory_space<vmem>>, vector<16xf32>,
    %swap3A_541 = vector.shape_cast %swap3A_540 : vector<16xf32> to vector<16xf32>
    %swap3A_542 = vector.shape_cast %broadcast_in_dim3A_536 : vector<16xf32> to vector<16xf32>
    tpu.vector_store %arg5[%swap3A_539], %swap3A_542 {strides = array<i32>} : memref<2048xf32, #tpu.memory_space<vmem>>, vector<16xf32>,
    %scan3A_543 = arith.constant 0 : i32
    %scan3A_544 = arith.constant 51 : i32
    %broadcast_in_dim3A_545 = arith.constant 0.000000e+00 : f32
    %broadcast_in_dim3A_546 = vector.broadcast %broadcast_in_dim3A_545 : f32 to vector<16xf32>
    %mul3A_547 = arith.constant 16 : i32
    %mul3A_548 = arith.muli %scan3A_544, %mul3A_547 : i32
    %swap3A_549 = arith.index_cast %mul3A_548 : i32 to index
    %swap3A_550 = tpu.vector_load %arg5[%swap3A_549] {strides = array<i32>} : memref<2048xf32, #tpu.memory_space<vmem>>, vector<16xf32>,
    %swap3A_551 = vector.shape_cast %swap3A_550 : vector<16xf32> to vector<16xf32>
    %swap3A_552 = vector.shape_cast %broadcast_in_dim3A_546 : vector<16xf32> to vector<16xf32>
    tpu.vector_store %arg5[%swap3A_549], %swap3A_552 {strides = array<i32>} : memref<2048xf32, #tpu.memory_space<vmem>>, vector<16xf32>,
    %scan3A_553 = arith.constant 0 : i32
    %scan3A_554 = arith.constant 52 : i32
    %broadcast_in_dim3A_555 = arith.constant 0.000000e+00 : f32
    %broadcast_in_dim3A_556 = vector.broadcast %broadcast_in_dim3A_555 : f32 to vector<16xf32>
    %mul3A_557 = arith.constant 16 : i32
    %mul3A_558 = arith.muli %scan3A_554, %mul3A_557 : i32
    %swap3A_559 = arith.index_cast %mul3A_558 : i32 to index
    %swap3A_560 = tpu.vector_load %arg5[%swap3A_559] {strides = array<i32>} : memref<2048xf32, #tpu.memory_space<vmem>>, vector<16xf32>,
    %swap3A_561 = vector.shape_cast %swap3A_560 : vector<16xf32> to vector<16xf32>
    %swap3A_562 = vector.shape_cast %broadcast_in_dim3A_556 : vector<16xf32> to vector<16xf32>
    tpu.vector_store %arg5[%swap3A_559], %swap3A_562 {strides = array<i32>} : memref<2048xf32, #tpu.memory_space<vmem>>, vector<16xf32>,
    %scan3A_563 = arith.constant 0 : i32
    %scan3A_564 = arith.constant 53 : i32
    %broadcast_in_dim3A_565 = arith.constant 0.000000e+00 : f32
    %broadcast_in_dim3A_566 = vector.broadcast %broadcast_in_dim3A_565 : f32 to vector<16xf32>
    %mul3A_567 = arith.constant 16 : i32
    %mul3A_568 = arith.muli %scan3A_564, %mul3A_567 : i32
    %swap3A_569 = arith.index_cast %mul3A_568 : i32 to index
    %swap3A_570 = tpu.vector_load %arg5[%swap3A_569] {strides = array<i32>} : memref<2048xf32, #tpu.memory_space<vmem>>, vector<16xf32>,
    %swap3A_571 = vector.shape_cast %swap3A_570 : vector<16xf32> to vector<16xf32>
    %swap3A_572 = vector.shape_cast %broadcast_in_dim3A_566 : vector<16xf32> to vector<16xf32>
    tpu.vector_store %arg5[%swap3A_569], %swap3A_572 {strides = array<i32>} : memref<2048xf32, #tpu.memory_space<vmem>>, vector<16xf32>,
    %scan3A_573 = arith.constant 0 : i32
    %scan3A_574 = arith.constant 54 : i32
    %broadcast_in_dim3A_575 = arith.constant 0.000000e+00 : f32
    %broadcast_in_dim3A_576 = vector.broadcast %broadcast_in_dim3A_575 : f32 to vector<16xf32>
    %mul3A_577 = arith.constant 16 : i32
    %mul3A_578 = arith.muli %scan3A_574, %mul3A_577 : i32
    %swap3A_579 = arith.index_cast %mul3A_578 : i32 to index
    %swap3A_580 = tpu.vector_load %arg5[%swap3A_579] {strides = array<i32>} : memref<2048xf32, #tpu.memory_space<vmem>>, vector<16xf32>,
    %swap3A_581 = vector.shape_cast %swap3A_580 : vector<16xf32> to vector<16xf32>
    %swap3A_582 = vector.shape_cast %broadcast_in_dim3A_576 : vector<16xf32> to vector<16xf32>
    tpu.vector_store %arg5[%swap3A_579], %swap3A_582 {strides = array<i32>} : memref<2048xf32, #tpu.memory_space<vmem>>, vector<16xf32>,
    %scan3A_583 = arith.constant 0 : i32
    %scan3A_584 = arith.constant 55 : i32
    %broadcast_in_dim3A_585 = arith.constant 0.000000e+00 : f32
    %broadcast_in_dim3A_586 = vector.broadcast %broadcast_in_dim3A_585 : f32 to vector<16xf32>
    %mul3A_587 = arith.constant 16 : i32
    %mul3A_588 = arith.muli %scan3A_584, %mul3A_587 : i32
    %swap3A_589 = arith.index_cast %mul3A_588 : i32 to index
    %swap3A_590 = tpu.vector_load %arg5[%swap3A_589] {strides = array<i32>} : memref<2048xf32, #tpu.memory_space<vmem>>, vector<16xf32>,
    %swap3A_591 = vector.shape_cast %swap3A_590 : vector<16xf32> to vector<16xf32>
    %swap3A_592 = vector.shape_cast %broadcast_in_dim3A_586 : vector<16xf32> to vector<16xf32>
    tpu.vector_store %arg5[%swap3A_589], %swap3A_592 {strides = array<i32>} : memref<2048xf32, #tpu.memory_space<vmem>>, vector<16xf32>,
    %scan3A_593 = arith.constant 0 : i32
    %scan3A_594 = arith.constant 56 : i32
    %broadcast_in_dim3A_595 = arith.constant 0.000000e+00 : f32
    %broadcast_in_dim3A_596 = vector.broadcast %broadcast_in_dim3A_595 : f32 to vector<16xf32>
    %mul3A_597 = arith.constant 16 : i32
    %mul3A_598 = arith.muli %scan3A_594, %mul3A_597 : i32
    %swap3A_599 = arith.index_cast %mul3A_598 : i32 to index
    %swap3A_600 = tpu.vector_load %arg5[%swap3A_599] {strides = array<i32>} : memref<2048xf32, #tpu.memory_space<vmem>>, vector<16xf32>,
    %swap3A_601 = vector.shape_cast %swap3A_600 : vector<16xf32> to vector<16xf32>
    %swap3A_602 = vector.shape_cast %broadcast_in_dim3A_596 : vector<16xf32> to vector<16xf32>
    tpu.vector_store %arg5[%swap3A_599], %swap3A_602 {strides = array<i32>} : memref<2048xf32, #tpu.memory_space<vmem>>, vector<16xf32>,
    %scan3A_603 = arith.constant 0 : i32
    %scan3A_604 = arith.constant 57 : i32
    %broadcast_in_dim3A_605 = arith.constant 0.000000e+00 : f32
    %broadcast_in_dim3A_606 = vector.broadcast %broadcast_in_dim3A_605 : f32 to vector<16xf32>
    %mul3A_607 = arith.constant 16 : i32
    %mul3A_608 = arith.muli %scan3A_604, %mul3A_607 : i32
    %swap3A_609 = arith.index_cast %mul3A_608 : i32 to index
    %swap3A_610 = tpu.vector_load %arg5[%swap3A_609] {strides = array<i32>} : memref<2048xf32, #tpu.memory_space<vmem>>, vector<16xf32>,
    %swap3A_611 = vector.shape_cast %swap3A_610 : vector<16xf32> to vector<16xf32>
    %swap3A_612 = vector.shape_cast %broadcast_in_dim3A_606 : vector<16xf32> to vector<16xf32>
    tpu.vector_store %arg5[%swap3A_609], %swap3A_612 {strides = array<i32>} : memref<2048xf32, #tpu.memory_space<vmem>>, vector<16xf32>,
    %scan3A_613 = arith.constant 0 : i32
    %scan3A_614 = arith.constant 58 : i32
    %broadcast_in_dim3A_615 = arith.constant 0.000000e+00 : f32
    %broadcast_in_dim3A_616 = vector.broadcast %broadcast_in_dim3A_615 : f32 to vector<16xf32>
    %mul3A_617 = arith.constant 16 : i32
    %mul3A_618 = arith.muli %scan3A_614, %mul3A_617 : i32
    %swap3A_619 = arith.index_cast %mul3A_618 : i32 to index
    %swap3A_620 = tpu.vector_load %arg5[%swap3A_619] {strides = array<i32>} : memref<2048xf32, #tpu.memory_space<vmem>>, vector<16xf32>,
    %swap3A_621 = vector.shape_cast %swap3A_620 : vector<16xf32> to vector<16xf32>
    %swap3A_622 = vector.shape_cast %broadcast_in_dim3A_616 : vector<16xf32> to vector<16xf32>
    tpu.vector_store %arg5[%swap3A_619], %swap3A_622 {strides = array<i32>} : memref<2048xf32, #tpu.memory_space<vmem>>, vector<16xf32>,
    %scan3A_623 = arith.constant 0 : i32
    %scan3A_624 = arith.constant 59 : i32
    %broadcast_in_dim3A_625 = arith.constant 0.000000e+00 : f32
    %broadcast_in_dim3A_626 = vector.broadcast %broadcast_in_dim3A_625 : f32 to vector<16xf32>
    %mul3A_627 = arith.constant 16 : i32
    %mul3A_628 = arith.muli %scan3A_624, %mul3A_627 : i32
    %swap3A_629 = arith.index_cast %mul3A_628 : i32 to index
    %swap3A_630 = tpu.vector_load %arg5[%swap3A_629] {strides = array<i32>} : memref<2048xf32, #tpu.memory_space<vmem>>, vector<16xf32>,
    %swap3A_631 = vector.shape_cast %swap3A_630 : vector<16xf32> to vector<16xf32>
    %swap3A_632 = vector.shape_cast %broadcast_in_dim3A_626 : vector<16xf32> to vector<16xf32>
    tpu.vector_store %arg5[%swap3A_629], %swap3A_632 {strides = array<i32>} : memref<2048xf32, #tpu.memory_space<vmem>>, vector<16xf32>,
    %scan3A_633 = arith.constant 0 : i32
    %scan3A_634 = arith.constant 60 : i32
    %broadcast_in_dim3A_635 = arith.constant 0.000000e+00 : f32
    %broadcast_in_dim3A_636 = vector.broadcast %broadcast_in_dim3A_635 : f32 to vector<16xf32>
    %mul3A_637 = arith.constant 16 : i32
    %mul3A_638 = arith.muli %scan3A_634, %mul3A_637 : i32
    %swap3A_639 = arith.index_cast %mul3A_638 : i32 to index
    %swap3A_640 = tpu.vector_load %arg5[%swap3A_639] {strides = array<i32>} : memref<2048xf32, #tpu.memory_space<vmem>>, vector<16xf32>,
    %swap3A_641 = vector.shape_cast %swap3A_640 : vector<16xf32> to vector<16xf32>
    %swap3A_642 = vector.shape_cast %broadcast_in_dim3A_636 : vector<16xf32> to vector<16xf32>
    tpu.vector_store %arg5[%swap3A_639], %swap3A_642 {strides = array<i32>} : memref<2048xf32, #tpu.memory_space<vmem>>, vector<16xf32>,
    %scan3A_643 = arith.constant 0 : i32
    %scan3A_644 = arith.constant 61 : i32
    %broadcast_in_dim3A_645 = arith.constant 0.000000e+00 : f32
    %broadcast_in_dim3A_646 = vector.broadcast %broadcast_in_dim3A_645 : f32 to vector<16xf32>
    %mul3A_647 = arith.constant 16 : i32
    %mul3A_648 = arith.muli %scan3A_644, %mul3A_647 : i32
    %swap3A_649 = arith.index_cast %mul3A_648 : i32 to index
    %swap3A_650 = tpu.vector_load %arg5[%swap3A_649] {strides = array<i32>} : memref<2048xf32, #tpu.memory_space<vmem>>, vector<16xf32>,
    %swap3A_651 = vector.shape_cast %swap3A_650 : vector<16xf32> to vector<16xf32>
    %swap3A_652 = vector.shape_cast %broadcast_in_dim3A_646 : vector<16xf32> to vector<16xf32>
    tpu.vector_store %arg5[%swap3A_649], %swap3A_652 {strides = array<i32>} : memref<2048xf32, #tpu.memory_space<vmem>>, vector<16xf32>,
    %scan3A_653 = arith.constant 0 : i32
    %scan3A_654 = arith.constant 62 : i32
    %broadcast_in_dim3A_655 = arith.constant 0.000000e+00 : f32
    %broadcast_in_dim3A_656 = vector.broadcast %broadcast_in_dim3A_655 : f32 to vector<16xf32>
    %mul3A_657 = arith.constant 16 : i32
    %mul3A_658 = arith.muli %scan3A_654, %mul3A_657 : i32
    %swap3A_659 = arith.index_cast %mul3A_658 : i32 to index
    %swap3A_660 = tpu.vector_load %arg5[%swap3A_659] {strides = array<i32>} : memref<2048xf32, #tpu.memory_space<vmem>>, vector<16xf32>,
    %swap3A_661 = vector.shape_cast %swap3A_660 : vector<16xf32> to vector<16xf32>
    %swap3A_662 = vector.shape_cast %broadcast_in_dim3A_656 : vector<16xf32> to vector<16xf32>
    tpu.vector_store %arg5[%swap3A_659], %swap3A_662 {strides = array<i32>} : memref<2048xf32, #tpu.memory_space<vmem>>, vector<16xf32>,
    %scan3A_663 = arith.constant 0 : i32
    %scan3A_664 = arith.constant 63 : i32
    %broadcast_in_dim3A_665 = arith.constant 0.000000e+00 : f32
    %broadcast_in_dim3A_666 = vector.broadcast %broadcast_in_dim3A_665 : f32 to vector<16xf32>
    %mul3A_667 = arith.constant 16 : i32
    %mul3A_668 = arith.muli %scan3A_664, %mul3A_667 : i32
    %swap3A_669 = arith.index_cast %mul3A_668 : i32 to index
    %swap3A_670 = tpu.vector_load %arg5[%swap3A_669] {strides = array<i32>} : memref<2048xf32, #tpu.memory_space<vmem>>, vector<16xf32>,
    %swap3A_671 = vector.shape_cast %swap3A_670 : vector<16xf32> to vector<16xf32>
    %swap3A_672 = vector.shape_cast %broadcast_in_dim3A_666 : vector<16xf32> to vector<16xf32>
    tpu.vector_store %arg5[%swap3A_669], %swap3A_672 {strides = array<i32>} : memref<2048xf32, #tpu.memory_space<vmem>>, vector<16xf32>,
    %scan3A_673 = arith.constant 0 : i32
    %scan3A_674 = arith.constant 64 : i32
    %broadcast_in_dim3A_675 = arith.constant 0.000000e+00 : f32
    %broadcast_in_dim3A_676 = vector.broadcast %broadcast_in_dim3A_675 : f32 to vector<16xf32>
    %mul3A_677 = arith.constant 16 : i32
    %mul3A_678 = arith.muli %scan3A_674, %mul3A_677 : i32
    %swap3A_679 = arith.index_cast %mul3A_678 : i32 to index
    %swap3A_680 = tpu.vector_load %arg5[%swap3A_679] {strides = array<i32>} : memref<2048xf32, #tpu.memory_space<vmem>>, vector<16xf32>,
    %swap3A_681 = vector.shape_cast %swap3A_680 : vector<16xf32> to vector<16xf32>
    %swap3A_682 = vector.shape_cast %broadcast_in_dim3A_676 : vector<16xf32> to vector<16xf32>
    tpu.vector_store %arg5[%swap3A_679], %swap3A_682 {strides = array<i32>} : memref<2048xf32, #tpu.memory_space<vmem>>, vector<16xf32>,
    %scan3A_683 = arith.constant 0 : i32
    %scan3A_684 = arith.constant 65 : i32
    %broadcast_in_dim3A_685 = arith.constant 0.000000e+00 : f32
    %broadcast_in_dim3A_686 = vector.broadcast %broadcast_in_dim3A_685 : f32 to vector<16xf32>
    %mul3A_687 = arith.constant 16 : i32
    %mul3A_688 = arith.muli %scan3A_684, %mul3A_687 : i32
    %swap3A_689 = arith.index_cast %mul3A_688 : i32 to index
    %swap3A_690 = tpu.vector_load %arg5[%swap3A_689] {strides = array<i32>} : memref<2048xf32, #tpu.memory_space<vmem>>, vector<16xf32>,
    %swap3A_691 = vector.shape_cast %swap3A_690 : vector<16xf32> to vector<16xf32>
    %swap3A_692 = vector.shape_cast %broadcast_in_dim3A_686 : vector<16xf32> to vector<16xf32>
    tpu.vector_store %arg5[%swap3A_689], %swap3A_692 {strides = array<i32>} : memref<2048xf32, #tpu.memory_space<vmem>>, vector<16xf32>,
    %scan3A_693 = arith.constant 0 : i32
    %scan3A_694 = arith.constant 66 : i32
    %broadcast_in_dim3A_695 = arith.constant 0.000000e+00 : f32
    %broadcast_in_dim3A_696 = vector.broadcast %broadcast_in_dim3A_695 : f32 to vector<16xf32>
    %mul3A_697 = arith.constant 16 : i32
    %mul3A_698 = arith.muli %scan3A_694, %mul3A_697 : i32
    %swap3A_699 = arith.index_cast %mul3A_698 : i32 to index
    %swap3A_700 = tpu.vector_load %arg5[%swap3A_699] {strides = array<i32>} : memref<2048xf32, #tpu.memory_space<vmem>>, vector<16xf32>,
    %swap3A_701 = vector.shape_cast %swap3A_700 : vector<16xf32> to vector<16xf32>
    %swap3A_702 = vector.shape_cast %broadcast_in_dim3A_696 : vector<16xf32> to vector<16xf32>
    tpu.vector_store %arg5[%swap3A_699], %swap3A_702 {strides = array<i32>} : memref<2048xf32, #tpu.memory_space<vmem>>, vector<16xf32>,
    %scan3A_703 = arith.constant 0 : i32
    %scan3A_704 = arith.constant 67 : i32
    %broadcast_in_dim3A_705 = arith.constant 0.000000e+00 : f32
    %broadcast_in_dim3A_706 = vector.broadcast %broadcast_in_dim3A_705 : f32 to vector<16xf32>
    %mul3A_707 = arith.constant 16 : i32
    %mul3A_708 = arith.muli %scan3A_704, %mul3A_707 : i32
    %swap3A_709 = arith.index_cast %mul3A_708 : i32 to index
    %swap3A_710 = tpu.vector_load %arg5[%swap3A_709] {strides = array<i32>} : memref<2048xf32, #tpu.memory_space<vmem>>, vector<16xf32>,
    %swap3A_711 = vector.shape_cast %swap3A_710 : vector<16xf32> to vector<16xf32>
    %swap3A_712 = vector.shape_cast %broadcast_in_dim3A_706 : vector<16xf32> to vector<16xf32>
    tpu.vector_store %arg5[%swap3A_709], %swap3A_712 {strides = array<i32>} : memref<2048xf32, #tpu.memory_space<vmem>>, vector<16xf32>,
    %scan3A_713 = arith.constant 0 : i32
    %scan3A_714 = arith.constant 68 : i32
    %broadcast_in_dim3A_715 = arith.constant 0.000000e+00 : f32
    %broadcast_in_dim3A_716 = vector.broadcast %broadcast_in_dim3A_715 : f32 to vector<16xf32>
    %mul3A_717 = arith.constant 16 : i32
    %mul3A_718 = arith.muli %scan3A_714, %mul3A_717 : i32
    %swap3A_719 = arith.index_cast %mul3A_718 : i32 to index
    %swap3A_720 = tpu.vector_load %arg5[%swap3A_719] {strides = array<i32>} : memref<2048xf32, #tpu.memory_space<vmem>>, vector<16xf32>,
    %swap3A_721 = vector.shape_cast %swap3A_720 : vector<16xf32> to vector<16xf32>
    %swap3A_722 = vector.shape_cast %broadcast_in_dim3A_716 : vector<16xf32> to vector<16xf32>
    tpu.vector_store %arg5[%swap3A_719], %swap3A_722 {strides = array<i32>} : memref<2048xf32, #tpu.memory_space<vmem>>, vector<16xf32>,
    %scan3A_723 = arith.constant 0 : i32
    %scan3A_724 = arith.constant 69 : i32
    %broadcast_in_dim3A_725 = arith.constant 0.000000e+00 : f32
    %broadcast_in_dim3A_726 = vector.broadcast %broadcast_in_dim3A_725 : f32 to vector<16xf32>
    %mul3A_727 = arith.constant 16 : i32
    %mul3A_728 = arith.muli %scan3A_724, %mul3A_727 : i32
    %swap3A_729 = arith.index_cast %mul3A_728 : i32 to index
    %swap3A_730 = tpu.vector_load %arg5[%swap3A_729] {strides = array<i32>} : memref<2048xf32, #tpu.memory_space<vmem>>, vector<16xf32>,
    %swap3A_731 = vector.shape_cast %swap3A_730 : vector<16xf32> to vector<16xf32>
    %swap3A_732 = vector.shape_cast %broadcast_in_dim3A_726 : vector<16xf32> to vector<16xf32>
    tpu.vector_store %arg5[%swap3A_729], %swap3A_732 {strides = array<i32>} : memref<2048xf32, #tpu.memory_space<vmem>>, vector<16xf32>,
    %scan3A_733 = arith.constant 0 : i32
    %scan3A_734 = arith.constant 70 : i32
    %broadcast_in_dim3A_735 = arith.constant 0.000000e+00 : f32
    %broadcast_in_dim3A_736 = vector.broadcast %broadcast_in_dim3A_735 : f32 to vector<16xf32>
    %mul3A_737 = arith.constant 16 : i32
    %mul3A_738 = arith.muli %scan3A_734, %mul3A_737 : i32
    %swap3A_739 = arith.index_cast %mul3A_738 : i32 to index
    %swap3A_740 = tpu.vector_load %arg5[%swap3A_739] {strides = array<i32>} : memref<2048xf32, #tpu.memory_space<vmem>>, vector<16xf32>,
    %swap3A_741 = vector.shape_cast %swap3A_740 : vector<16xf32> to vector<16xf32>
    %swap3A_742 = vector.shape_cast %broadcast_in_dim3A_736 : vector<16xf32> to vector<16xf32>
    tpu.vector_store %arg5[%swap3A_739], %swap3A_742 {strides = array<i32>} : memref<2048xf32, #tpu.memory_space<vmem>>, vector<16xf32>,
    %scan3A_743 = arith.constant 0 : i32
    %scan3A_744 = arith.constant 71 : i32
    %broadcast_in_dim3A_745 = arith.constant 0.000000e+00 : f32
    %broadcast_in_dim3A_746 = vector.broadcast %broadcast_in_dim3A_745 : f32 to vector<16xf32>
    %mul3A_747 = arith.constant 16 : i32
    %mul3A_748 = arith.muli %scan3A_744, %mul3A_747 : i32
    %swap3A_749 = arith.index_cast %mul3A_748 : i32 to index
    %swap3A_750 = tpu.vector_load %arg5[%swap3A_749] {strides = array<i32>} : memref<2048xf32, #tpu.memory_space<vmem>>, vector<16xf32>,
    %swap3A_751 = vector.shape_cast %swap3A_750 : vector<16xf32> to vector<16xf32>
    %swap3A_752 = vector.shape_cast %broadcast_in_dim3A_746 : vector<16xf32> to vector<16xf32>
    tpu.vector_store %arg5[%swap3A_749], %swap3A_752 {strides = array<i32>} : memref<2048xf32, #tpu.memory_space<vmem>>, vector<16xf32>,
    %scan3A_753 = arith.constant 0 : i32
    %scan3A_754 = arith.constant 72 : i32
    %broadcast_in_dim3A_755 = arith.constant 0.000000e+00 : f32
    %broadcast_in_dim3A_756 = vector.broadcast %broadcast_in_dim3A_755 : f32 to vector<16xf32>
    %mul3A_757 = arith.constant 16 : i32
    %mul3A_758 = arith.muli %scan3A_754, %mul3A_757 : i32
    %swap3A_759 = arith.index_cast %mul3A_758 : i32 to index
    %swap3A_760 = tpu.vector_load %arg5[%swap3A_759] {strides = array<i32>} : memref<2048xf32, #tpu.memory_space<vmem>>, vector<16xf32>,
    %swap3A_761 = vector.shape_cast %swap3A_760 : vector<16xf32> to vector<16xf32>
    %swap3A_762 = vector.shape_cast %broadcast_in_dim3A_756 : vector<16xf32> to vector<16xf32>
    tpu.vector_store %arg5[%swap3A_759], %swap3A_762 {strides = array<i32>} : memref<2048xf32, #tpu.memory_space<vmem>>, vector<16xf32>,
    %scan3A_763 = arith.constant 0 : i32
    %scan3A_764 = arith.constant 73 : i32
    %broadcast_in_dim3A_765 = arith.constant 0.000000e+00 : f32
    %broadcast_in_dim3A_766 = vector.broadcast %broadcast_in_dim3A_765 : f32 to vector<16xf32>
    %mul3A_767 = arith.constant 16 : i32
    %mul3A_768 = arith.muli %scan3A_764, %mul3A_767 : i32
    %swap3A_769 = arith.index_cast %mul3A_768 : i32 to index
    %swap3A_770 = tpu.vector_load %arg5[%swap3A_769] {strides = array<i32>} : memref<2048xf32, #tpu.memory_space<vmem>>, vector<16xf32>,
    %swap3A_771 = vector.shape_cast %swap3A_770 : vector<16xf32> to vector<16xf32>
    %swap3A_772 = vector.shape_cast %broadcast_in_dim3A_766 : vector<16xf32> to vector<16xf32>
    tpu.vector_store %arg5[%swap3A_769], %swap3A_772 {strides = array<i32>} : memref<2048xf32, #tpu.memory_space<vmem>>, vector<16xf32>,
    %scan3A_773 = arith.constant 0 : i32
    %scan3A_774 = arith.constant 74 : i32
    %broadcast_in_dim3A_775 = arith.constant 0.000000e+00 : f32
    %broadcast_in_dim3A_776 = vector.broadcast %broadcast_in_dim3A_775 : f32 to vector<16xf32>
    %mul3A_777 = arith.constant 16 : i32
    %mul3A_778 = arith.muli %scan3A_774, %mul3A_777 : i32
    %swap3A_779 = arith.index_cast %mul3A_778 : i32 to index
    %swap3A_780 = tpu.vector_load %arg5[%swap3A_779] {strides = array<i32>} : memref<2048xf32, #tpu.memory_space<vmem>>, vector<16xf32>,
    %swap3A_781 = vector.shape_cast %swap3A_780 : vector<16xf32> to vector<16xf32>
    %swap3A_782 = vector.shape_cast %broadcast_in_dim3A_776 : vector<16xf32> to vector<16xf32>
    tpu.vector_store %arg5[%swap3A_779], %swap3A_782 {strides = array<i32>} : memref<2048xf32, #tpu.memory_space<vmem>>, vector<16xf32>,
    %scan3A_783 = arith.constant 0 : i32
    %scan3A_784 = arith.constant 75 : i32
    %broadcast_in_dim3A_785 = arith.constant 0.000000e+00 : f32
    %broadcast_in_dim3A_786 = vector.broadcast %broadcast_in_dim3A_785 : f32 to vector<16xf32>
    %mul3A_787 = arith.constant 16 : i32
    %mul3A_788 = arith.muli %scan3A_784, %mul3A_787 : i32
    %swap3A_789 = arith.index_cast %mul3A_788 : i32 to index
    %swap3A_790 = tpu.vector_load %arg5[%swap3A_789] {strides = array<i32>} : memref<2048xf32, #tpu.memory_space<vmem>>, vector<16xf32>,
    %swap3A_791 = vector.shape_cast %swap3A_790 : vector<16xf32> to vector<16xf32>
    %swap3A_792 = vector.shape_cast %broadcast_in_dim3A_786 : vector<16xf32> to vector<16xf32>
    tpu.vector_store %arg5[%swap3A_789], %swap3A_792 {strides = array<i32>} : memref<2048xf32, #tpu.memory_space<vmem>>, vector<16xf32>,
    %scan3A_793 = arith.constant 0 : i32
    %scan3A_794 = arith.constant 76 : i32
    %broadcast_in_dim3A_795 = arith.constant 0.000000e+00 : f32
    %broadcast_in_dim3A_796 = vector.broadcast %broadcast_in_dim3A_795 : f32 to vector<16xf32>
    %mul3A_797 = arith.constant 16 : i32
    %mul3A_798 = arith.muli %scan3A_794, %mul3A_797 : i32
    %swap3A_799 = arith.index_cast %mul3A_798 : i32 to index
    %swap3A_800 = tpu.vector_load %arg5[%swap3A_799] {strides = array<i32>} : memref<2048xf32, #tpu.memory_space<vmem>>, vector<16xf32>,
    %swap3A_801 = vector.shape_cast %swap3A_800 : vector<16xf32> to vector<16xf32>
    %swap3A_802 = vector.shape_cast %broadcast_in_dim3A_796 : vector<16xf32> to vector<16xf32>
    tpu.vector_store %arg5[%swap3A_799], %swap3A_802 {strides = array<i32>} : memref<2048xf32, #tpu.memory_space<vmem>>, vector<16xf32>,
    %scan3A_803 = arith.constant 0 : i32
    %scan3A_804 = arith.constant 77 : i32
    %broadcast_in_dim3A_805 = arith.constant 0.000000e+00 : f32
    %broadcast_in_dim3A_806 = vector.broadcast %broadcast_in_dim3A_805 : f32 to vector<16xf32>
    %mul3A_807 = arith.constant 16 : i32
    %mul3A_808 = arith.muli %scan3A_804, %mul3A_807 : i32
    %swap3A_809 = arith.index_cast %mul3A_808 : i32 to index
    %swap3A_810 = tpu.vector_load %arg5[%swap3A_809] {strides = array<i32>} : memref<2048xf32, #tpu.memory_space<vmem>>, vector<16xf32>,
    %swap3A_811 = vector.shape_cast %swap3A_810 : vector<16xf32> to vector<16xf32>
    %swap3A_812 = vector.shape_cast %broadcast_in_dim3A_806 : vector<16xf32> to vector<16xf32>
    tpu.vector_store %arg5[%swap3A_809], %swap3A_812 {strides = array<i32>} : memref<2048xf32, #tpu.memory_space<vmem>>, vector<16xf32>,
    %scan3A_813 = arith.constant 0 : i32
    %scan3A_814 = arith.constant 78 : i32
    %broadcast_in_dim3A_815 = arith.constant 0.000000e+00 : f32
    %broadcast_in_dim3A_816 = vector.broadcast %broadcast_in_dim3A_815 : f32 to vector<16xf32>
    %mul3A_817 = arith.constant 16 : i32
    %mul3A_818 = arith.muli %scan3A_814, %mul3A_817 : i32
    %swap3A_819 = arith.index_cast %mul3A_818 : i32 to index
    %swap3A_820 = tpu.vector_load %arg5[%swap3A_819] {strides = array<i32>} : memref<2048xf32, #tpu.memory_space<vmem>>, vector<16xf32>,
    %swap3A_821 = vector.shape_cast %swap3A_820 : vector<16xf32> to vector<16xf32>
    %swap3A_822 = vector.shape_cast %broadcast_in_dim3A_816 : vector<16xf32> to vector<16xf32>
    tpu.vector_store %arg5[%swap3A_819], %swap3A_822 {strides = array<i32>} : memref<2048xf32, #tpu.memory_space<vmem>>, vector<16xf32>,
    %scan3A_823 = arith.constant 0 : i32
    %scan3A_824 = arith.constant 79 : i32
    %broadcast_in_dim3A_825 = arith.constant 0.000000e+00 : f32
    %broadcast_in_dim3A_826 = vector.broadcast %broadcast_in_dim3A_825 : f32 to vector<16xf32>
    %mul3A_827 = arith.constant 16 : i32
    %mul3A_828 = arith.muli %scan3A_824, %mul3A_827 : i32
    %swap3A_829 = arith.index_cast %mul3A_828 : i32 to index
    %swap3A_830 = tpu.vector_load %arg5[%swap3A_829] {strides = array<i32>} : memref<2048xf32, #tpu.memory_space<vmem>>, vector<16xf32>,
    %swap3A_831 = vector.shape_cast %swap3A_830 : vector<16xf32> to vector<16xf32>
    %swap3A_832 = vector.shape_cast %broadcast_in_dim3A_826 : vector<16xf32> to vector<16xf32>
    tpu.vector_store %arg5[%swap3A_829], %swap3A_832 {strides = array<i32>} : memref<2048xf32, #tpu.memory_space<vmem>>, vector<16xf32>,
    %scan3A_833 = arith.constant 0 : i32
    %scan3A_834 = arith.constant 80 : i32
    %broadcast_in_dim3A_835 = arith.constant 0.000000e+00 : f32
    %broadcast_in_dim3A_836 = vector.broadcast %broadcast_in_dim3A_835 : f32 to vector<16xf32>
    %mul3A_837 = arith.constant 16 : i32
    %mul3A_838 = arith.muli %scan3A_834, %mul3A_837 : i32
    %swap3A_839 = arith.index_cast %mul3A_838 : i32 to index
    %swap3A_840 = tpu.vector_load %arg5[%swap3A_839] {strides = array<i32>} : memref<2048xf32, #tpu.memory_space<vmem>>, vector<16xf32>,
    %swap3A_841 = vector.shape_cast %swap3A_840 : vector<16xf32> to vector<16xf32>
    %swap3A_842 = vector.shape_cast %broadcast_in_dim3A_836 : vector<16xf32> to vector<16xf32>
    tpu.vector_store %arg5[%swap3A_839], %swap3A_842 {strides = array<i32>} : memref<2048xf32, #tpu.memory_space<vmem>>, vector<16xf32>,
    %scan3A_843 = arith.constant 0 : i32
    %scan3A_844 = arith.constant 81 : i32
    %broadcast_in_dim3A_845 = arith.constant 0.000000e+00 : f32
    %broadcast_in_dim3A_846 = vector.broadcast %broadcast_in_dim3A_845 : f32 to vector<16xf32>
    %mul3A_847 = arith.constant 16 : i32
    %mul3A_848 = arith.muli %scan3A_844, %mul3A_847 : i32
    %swap3A_849 = arith.index_cast %mul3A_848 : i32 to index
    %swap3A_850 = tpu.vector_load %arg5[%swap3A_849] {strides = array<i32>} : memref<2048xf32, #tpu.memory_space<vmem>>, vector<16xf32>,
    %swap3A_851 = vector.shape_cast %swap3A_850 : vector<16xf32> to vector<16xf32>
    %swap3A_852 = vector.shape_cast %broadcast_in_dim3A_846 : vector<16xf32> to vector<16xf32>
    tpu.vector_store %arg5[%swap3A_849], %swap3A_852 {strides = array<i32>} : memref<2048xf32, #tpu.memory_space<vmem>>, vector<16xf32>,
    %scan3A_853 = arith.constant 0 : i32
    %scan3A_854 = arith.constant 82 : i32
    %broadcast_in_dim3A_855 = arith.constant 0.000000e+00 : f32
    %broadcast_in_dim3A_856 = vector.broadcast %broadcast_in_dim3A_855 : f32 to vector<16xf32>
    %mul3A_857 = arith.constant 16 : i32
    %mul3A_858 = arith.muli %scan3A_854, %mul3A_857 : i32
    %swap3A_859 = arith.index_cast %mul3A_858 : i32 to index
    %swap3A_860 = tpu.vector_load %arg5[%swap3A_859] {strides = array<i32>} : memref<2048xf32, #tpu.memory_space<vmem>>, vector<16xf32>,
    %swap3A_861 = vector.shape_cast %swap3A_860 : vector<16xf32> to vector<16xf32>
    %swap3A_862 = vector.shape_cast %broadcast_in_dim3A_856 : vector<16xf32> to vector<16xf32>
    tpu.vector_store %arg5[%swap3A_859], %swap3A_862 {strides = array<i32>} : memref<2048xf32, #tpu.memory_space<vmem>>, vector<16xf32>,
    %scan3A_863 = arith.constant 0 : i32
    %scan3A_864 = arith.constant 83 : i32
    %broadcast_in_dim3A_865 = arith.constant 0.000000e+00 : f32
    %broadcast_in_dim3A_866 = vector.broadcast %broadcast_in_dim3A_865 : f32 to vector<16xf32>
    %mul3A_867 = arith.constant 16 : i32
    %mul3A_868 = arith.muli %scan3A_864, %mul3A_867 : i32
    %swap3A_869 = arith.index_cast %mul3A_868 : i32 to index
    %swap3A_870 = tpu.vector_load %arg5[%swap3A_869] {strides = array<i32>} : memref<2048xf32, #tpu.memory_space<vmem>>, vector<16xf32>,
    %swap3A_871 = vector.shape_cast %swap3A_870 : vector<16xf32> to vector<16xf32>
    %swap3A_872 = vector.shape_cast %broadcast_in_dim3A_866 : vector<16xf32> to vector<16xf32>
    tpu.vector_store %arg5[%swap3A_869], %swap3A_872 {strides = array<i32>} : memref<2048xf32, #tpu.memory_space<vmem>>, vector<16xf32>,
    %scan3A_873 = arith.constant 0 : i32
    %scan3A_874 = arith.constant 84 : i32
    %broadcast_in_dim3A_875 = arith.constant 0.000000e+00 : f32
    %broadcast_in_dim3A_876 = vector.broadcast %broadcast_in_dim3A_875 : f32 to vector<16xf32>
    %mul3A_877 = arith.constant 16 : i32
    %mul3A_878 = arith.muli %scan3A_874, %mul3A_877 : i32
    %swap3A_879 = arith.index_cast %mul3A_878 : i32 to index
    %swap3A_880 = tpu.vector_load %arg5[%swap3A_879] {strides = array<i32>} : memref<2048xf32, #tpu.memory_space<vmem>>, vector<16xf32>,
    %swap3A_881 = vector.shape_cast %swap3A_880 : vector<16xf32> to vector<16xf32>
    %swap3A_882 = vector.shape_cast %broadcast_in_dim3A_876 : vector<16xf32> to vector<16xf32>
    tpu.vector_store %arg5[%swap3A_879], %swap3A_882 {strides = array<i32>} : memref<2048xf32, #tpu.memory_space<vmem>>, vector<16xf32>,
    %scan3A_883 = arith.constant 0 : i32
    %scan3A_884 = arith.constant 85 : i32
    %broadcast_in_dim3A_885 = arith.constant 0.000000e+00 : f32
    %broadcast_in_dim3A_886 = vector.broadcast %broadcast_in_dim3A_885 : f32 to vector<16xf32>
    %mul3A_887 = arith.constant 16 : i32
    %mul3A_888 = arith.muli %scan3A_884, %mul3A_887 : i32
    %swap3A_889 = arith.index_cast %mul3A_888 : i32 to index
    %swap3A_890 = tpu.vector_load %arg5[%swap3A_889] {strides = array<i32>} : memref<2048xf32, #tpu.memory_space<vmem>>, vector<16xf32>,
    %swap3A_891 = vector.shape_cast %swap3A_890 : vector<16xf32> to vector<16xf32>
    %swap3A_892 = vector.shape_cast %broadcast_in_dim3A_886 : vector<16xf32> to vector<16xf32>
    tpu.vector_store %arg5[%swap3A_889], %swap3A_892 {strides = array<i32>} : memref<2048xf32, #tpu.memory_space<vmem>>, vector<16xf32>,
    %scan3A_893 = arith.constant 0 : i32
    %scan3A_894 = arith.constant 86 : i32
    %broadcast_in_dim3A_895 = arith.constant 0.000000e+00 : f32
    %broadcast_in_dim3A_896 = vector.broadcast %broadcast_in_dim3A_895 : f32 to vector<16xf32>
    %mul3A_897 = arith.constant 16 : i32
    %mul3A_898 = arith.muli %scan3A_894, %mul3A_897 : i32
    %swap3A_899 = arith.index_cast %mul3A_898 : i32 to index
    %swap3A_900 = tpu.vector_load %arg5[%swap3A_899] {strides = array<i32>} : memref<2048xf32, #tpu.memory_space<vmem>>, vector<16xf32>,
    %swap3A_901 = vector.shape_cast %swap3A_900 : vector<16xf32> to vector<16xf32>
    %swap3A_902 = vector.shape_cast %broadcast_in_dim3A_896 : vector<16xf32> to vector<16xf32>
    tpu.vector_store %arg5[%swap3A_899], %swap3A_902 {strides = array<i32>} : memref<2048xf32, #tpu.memory_space<vmem>>, vector<16xf32>,
    %scan3A_903 = arith.constant 0 : i32
    %scan3A_904 = arith.constant 87 : i32
    %broadcast_in_dim3A_905 = arith.constant 0.000000e+00 : f32
    %broadcast_in_dim3A_906 = vector.broadcast %broadcast_in_dim3A_905 : f32 to vector<16xf32>
    %mul3A_907 = arith.constant 16 : i32
    %mul3A_908 = arith.muli %scan3A_904, %mul3A_907 : i32
    %swap3A_909 = arith.index_cast %mul3A_908 : i32 to index
    %swap3A_910 = tpu.vector_load %arg5[%swap3A_909] {strides = array<i32>} : memref<2048xf32, #tpu.memory_space<vmem>>, vector<16xf32>,
    %swap3A_911 = vector.shape_cast %swap3A_910 : vector<16xf32> to vector<16xf32>
    %swap3A_912 = vector.shape_cast %broadcast_in_dim3A_906 : vector<16xf32> to vector<16xf32>
    tpu.vector_store %arg5[%swap3A_909], %swap3A_912 {strides = array<i32>} : memref<2048xf32, #tpu.memory_space<vmem>>, vector<16xf32>,
    %scan3A_913 = arith.constant 0 : i32
    %scan3A_914 = arith.constant 88 : i32
    %broadcast_in_dim3A_915 = arith.constant 0.000000e+00 : f32
    %broadcast_in_dim3A_916 = vector.broadcast %broadcast_in_dim3A_915 : f32 to vector<16xf32>
    %mul3A_917 = arith.constant 16 : i32
    %mul3A_918 = arith.muli %scan3A_914, %mul3A_917 : i32
    %swap3A_919 = arith.index_cast %mul3A_918 : i32 to index
    %swap3A_920 = tpu.vector_load %arg5[%swap3A_919] {strides = array<i32>} : memref<2048xf32, #tpu.memory_space<vmem>>, vector<16xf32>,
    %swap3A_921 = vector.shape_cast %swap3A_920 : vector<16xf32> to vector<16xf32>
    %swap3A_922 = vector.shape_cast %broadcast_in_dim3A_916 : vector<16xf32> to vector<16xf32>
    tpu.vector_store %arg5[%swap3A_919], %swap3A_922 {strides = array<i32>} : memref<2048xf32, #tpu.memory_space<vmem>>, vector<16xf32>,
    %scan3A_923 = arith.constant 0 : i32
    %scan3A_924 = arith.constant 89 : i32
    %broadcast_in_dim3A_925 = arith.constant 0.000000e+00 : f32
    %broadcast_in_dim3A_926 = vector.broadcast %broadcast_in_dim3A_925 : f32 to vector<16xf32>
    %mul3A_927 = arith.constant 16 : i32
    %mul3A_928 = arith.muli %scan3A_924, %mul3A_927 : i32
    %swap3A_929 = arith.index_cast %mul3A_928 : i32 to index
    %swap3A_930 = tpu.vector_load %arg5[%swap3A_929] {strides = array<i32>} : memref<2048xf32, #tpu.memory_space<vmem>>, vector<16xf32>,
    %swap3A_931 = vector.shape_cast %swap3A_930 : vector<16xf32> to vector<16xf32>
    %swap3A_932 = vector.shape_cast %broadcast_in_dim3A_926 : vector<16xf32> to vector<16xf32>
    tpu.vector_store %arg5[%swap3A_929], %swap3A_932 {strides = array<i32>} : memref<2048xf32, #tpu.memory_space<vmem>>, vector<16xf32>,
    %scan3A_933 = arith.constant 0 : i32
    %scan3A_934 = arith.constant 90 : i32
    %broadcast_in_dim3A_935 = arith.constant 0.000000e+00 : f32
    %broadcast_in_dim3A_936 = vector.broadcast %broadcast_in_dim3A_935 : f32 to vector<16xf32>
    %mul3A_937 = arith.constant 16 : i32
    %mul3A_938 = arith.muli %scan3A_934, %mul3A_937 : i32
    %swap3A_939 = arith.index_cast %mul3A_938 : i32 to index
    %swap3A_940 = tpu.vector_load %arg5[%swap3A_939] {strides = array<i32>} : memref<2048xf32, #tpu.memory_space<vmem>>, vector<16xf32>,
    %swap3A_941 = vector.shape_cast %swap3A_940 : vector<16xf32> to vector<16xf32>
    %swap3A_942 = vector.shape_cast %broadcast_in_dim3A_936 : vector<16xf32> to vector<16xf32>
    tpu.vector_store %arg5[%swap3A_939], %swap3A_942 {strides = array<i32>} : memref<2048xf32, #tpu.memory_space<vmem>>, vector<16xf32>,
    %scan3A_943 = arith.constant 0 : i32
    %scan3A_944 = arith.constant 91 : i32
    %broadcast_in_dim3A_945 = arith.constant 0.000000e+00 : f32
    %broadcast_in_dim3A_946 = vector.broadcast %broadcast_in_dim3A_945 : f32 to vector<16xf32>
    %mul3A_947 = arith.constant 16 : i32
    %mul3A_948 = arith.muli %scan3A_944, %mul3A_947 : i32
    %swap3A_949 = arith.index_cast %mul3A_948 : i32 to index
    %swap3A_950 = tpu.vector_load %arg5[%swap3A_949] {strides = array<i32>} : memref<2048xf32, #tpu.memory_space<vmem>>, vector<16xf32>,
    %swap3A_951 = vector.shape_cast %swap3A_950 : vector<16xf32> to vector<16xf32>
    %swap3A_952 = vector.shape_cast %broadcast_in_dim3A_946 : vector<16xf32> to vector<16xf32>
    tpu.vector_store %arg5[%swap3A_949], %swap3A_952 {strides = array<i32>} : memref<2048xf32, #tpu.memory_space<vmem>>, vector<16xf32>,
    %scan3A_953 = arith.constant 0 : i32
    %scan3A_954 = arith.constant 92 : i32
    %broadcast_in_dim3A_955 = arith.constant 0.000000e+00 : f32
    %broadcast_in_dim3A_956 = vector.broadcast %broadcast_in_dim3A_955 : f32 to vector<16xf32>
    %mul3A_957 = arith.constant 16 : i32
    %mul3A_958 = arith.muli %scan3A_954, %mul3A_957 : i32
    %swap3A_959 = arith.index_cast %mul3A_958 : i32 to index
    %swap3A_960 = tpu.vector_load %arg5[%swap3A_959] {strides = array<i32>} : memref<2048xf32, #tpu.memory_space<vmem>>, vector<16xf32>,
    %swap3A_961 = vector.shape_cast %swap3A_960 : vector<16xf32> to vector<16xf32>
    %swap3A_962 = vector.shape_cast %broadcast_in_dim3A_956 : vector<16xf32> to vector<16xf32>
    tpu.vector_store %arg5[%swap3A_959], %swap3A_962 {strides = array<i32>} : memref<2048xf32, #tpu.memory_space<vmem>>, vector<16xf32>,
    %scan3A_963 = arith.constant 0 : i32
    %scan3A_964 = arith.constant 93 : i32
    %broadcast_in_dim3A_965 = arith.constant 0.000000e+00 : f32
    %broadcast_in_dim3A_966 = vector.broadcast %broadcast_in_dim3A_965 : f32 to vector<16xf32>
    %mul3A_967 = arith.constant 16 : i32
    %mul3A_968 = arith.muli %scan3A_964, %mul3A_967 : i32
    %swap3A_969 = arith.index_cast %mul3A_968 : i32 to index
    %swap3A_970 = tpu.vector_load %arg5[%swap3A_969] {strides = array<i32>} : memref<2048xf32, #tpu.memory_space<vmem>>, vector<16xf32>,
    %swap3A_971 = vector.shape_cast %swap3A_970 : vector<16xf32> to vector<16xf32>
    %swap3A_972 = vector.shape_cast %broadcast_in_dim3A_966 : vector<16xf32> to vector<16xf32>
    tpu.vector_store %arg5[%swap3A_969], %swap3A_972 {strides = array<i32>} : memref<2048xf32, #tpu.memory_space<vmem>>, vector<16xf32>,
    %scan3A_973 = arith.constant 0 : i32
    %scan3A_974 = arith.constant 94 : i32
    %broadcast_in_dim3A_975 = arith.constant 0.000000e+00 : f32
    %broadcast_in_dim3A_976 = vector.broadcast %broadcast_in_dim3A_975 : f32 to vector<16xf32>
    %mul3A_977 = arith.constant 16 : i32
    %mul3A_978 = arith.muli %scan3A_974, %mul3A_977 : i32
    %swap3A_979 = arith.index_cast %mul3A_978 : i32 to index
    %swap3A_980 = tpu.vector_load %arg5[%swap3A_979] {strides = array<i32>} : memref<2048xf32, #tpu.memory_space<vmem>>, vector<16xf32>,
    %swap3A_981 = vector.shape_cast %swap3A_980 : vector<16xf32> to vector<16xf32>
    %swap3A_982 = vector.shape_cast %broadcast_in_dim3A_976 : vector<16xf32> to vector<16xf32>
    tpu.vector_store %arg5[%swap3A_979], %swap3A_982 {strides = array<i32>} : memref<2048xf32, #tpu.memory_space<vmem>>, vector<16xf32>,
    %scan3A_983 = arith.constant 0 : i32
    %scan3A_984 = arith.constant 95 : i32
    %broadcast_in_dim3A_985 = arith.constant 0.000000e+00 : f32
    %broadcast_in_dim3A_986 = vector.broadcast %broadcast_in_dim3A_985 : f32 to vector<16xf32>
    %mul3A_987 = arith.constant 16 : i32
    %mul3A_988 = arith.muli %scan3A_984, %mul3A_987 : i32
    %swap3A_989 = arith.index_cast %mul3A_988 : i32 to index
    %swap3A_990 = tpu.vector_load %arg5[%swap3A_989] {strides = array<i32>} : memref<2048xf32, #tpu.memory_space<vmem>>, vector<16xf32>,
    %swap3A_991 = vector.shape_cast %swap3A_990 : vector<16xf32> to vector<16xf32>
    %swap3A_992 = vector.shape_cast %broadcast_in_dim3A_986 : vector<16xf32> to vector<16xf32>
    tpu.vector_store %arg5[%swap3A_989], %swap3A_992 {strides = array<i32>} : memref<2048xf32, #tpu.memory_space<vmem>>, vector<16xf32>,
    %scan3A_993 = arith.constant 0 : i32
    %scan3A_994 = arith.constant 96 : i32
    %broadcast_in_dim3A_995 = arith.constant 0.000000e+00 : f32
    %broadcast_in_dim3A_996 = vector.broadcast %broadcast_in_dim3A_995 : f32 to vector<16xf32>
    %mul3A_997 = arith.constant 16 : i32
    %mul3A_998 = arith.muli %scan3A_994, %mul3A_997 : i32
    %swap3A_999 = arith.index_cast %mul3A_998 : i32 to index
    %swap3A_1000 = tpu.vector_load %arg5[%swap3A_999] {strides = array<i32>} : memref<2048xf32, #tpu.memory_space<vmem>>, vector<16xf32>,
    %swap3A_1001 = vector.shape_cast %swap3A_1000 : vector<16xf32> to vector<16xf32>
    %swap3A_1002 = vector.shape_cast %broadcast_in_dim3A_996 : vector<16xf32> to vector<16xf32>
    tpu.vector_store %arg5[%swap3A_999], %swap3A_1002 {strides = array<i32>} : memref<2048xf32, #tpu.memory_space<vmem>>, vector<16xf32>,
    %scan3A_1003 = arith.constant 0 : i32
    %scan3A_1004 = arith.constant 97 : i32
    %broadcast_in_dim3A_1005 = arith.constant 0.000000e+00 : f32
    %broadcast_in_dim3A_1006 = vector.broadcast %broadcast_in_dim3A_1005 : f32 to vector<16xf32>
    %mul3A_1007 = arith.constant 16 : i32
    %mul3A_1008 = arith.muli %scan3A_1004, %mul3A_1007 : i32
    %swap3A_1009 = arith.index_cast %mul3A_1008 : i32 to index
    %swap3A_1010 = tpu.vector_load %arg5[%swap3A_1009] {strides = array<i32>} : memref<2048xf32, #tpu.memory_space<vmem>>, vector<16xf32>,
    %swap3A_1011 = vector.shape_cast %swap3A_1010 : vector<16xf32> to vector<16xf32>
    %swap3A_1012 = vector.shape_cast %broadcast_in_dim3A_1006 : vector<16xf32> to vector<16xf32>
    tpu.vector_store %arg5[%swap3A_1009], %swap3A_1012 {strides = array<i32>} : memref<2048xf32, #tpu.memory_space<vmem>>, vector<16xf32>,
    %scan3A_1013 = arith.constant 0 : i32
    %scan3A_1014 = arith.constant 98 : i32
    %broadcast_in_dim3A_1015 = arith.constant 0.000000e+00 : f32
    %broadcast_in_dim3A_1016 = vector.broadcast %broadcast_in_dim3A_1015 : f32 to vector<16xf32>
    %mul3A_1017 = arith.constant 16 : i32
    %mul3A_1018 = arith.muli %scan3A_1014, %mul3A_1017 : i32
    %swap3A_1019 = arith.index_cast %mul3A_1018 : i32 to index
    %swap3A_1020 = tpu.vector_load %arg5[%swap3A_1019] {strides = array<i32>} : memref<2048xf32, #tpu.memory_space<vmem>>, vector<16xf32>,
    %swap3A_1021 = vector.shape_cast %swap3A_1020 : vector<16xf32> to vector<16xf32>
    %swap3A_1022 = vector.shape_cast %broadcast_in_dim3A_1016 : vector<16xf32> to vector<16xf32>
    tpu.vector_store %arg5[%swap3A_1019], %swap3A_1022 {strides = array<i32>} : memref<2048xf32, #tpu.memory_space<vmem>>, vector<16xf32>,
    %scan3A_1023 = arith.constant 0 : i32
    %scan3A_1024 = arith.constant 99 : i32
    %broadcast_in_dim3A_1025 = arith.constant 0.000000e+00 : f32
    %broadcast_in_dim3A_1026 = vector.broadcast %broadcast_in_dim3A_1025 : f32 to vector<16xf32>
    %mul3A_1027 = arith.constant 16 : i32
    %mul3A_1028 = arith.muli %scan3A_1024, %mul3A_1027 : i32
    %swap3A_1029 = arith.index_cast %mul3A_1028 : i32 to index
    %swap3A_1030 = tpu.vector_load %arg5[%swap3A_1029] {strides = array<i32>} : memref<2048xf32, #tpu.memory_space<vmem>>, vector<16xf32>,
    %swap3A_1031 = vector.shape_cast %swap3A_1030 : vector<16xf32> to vector<16xf32>
    %swap3A_1032 = vector.shape_cast %broadcast_in_dim3A_1026 : vector<16xf32> to vector<16xf32>
    tpu.vector_store %arg5[%swap3A_1029], %swap3A_1032 {strides = array<i32>} : memref<2048xf32, #tpu.memory_space<vmem>>, vector<16xf32>,
    %scan3A_1033 = arith.constant 0 : i32
    %scan3A_1034 = arith.constant 100 : i32
    %broadcast_in_dim3A_1035 = arith.constant 0.000000e+00 : f32
    %broadcast_in_dim3A_1036 = vector.broadcast %broadcast_in_dim3A_1035 : f32 to vector<16xf32>
    %mul3A_1037 = arith.constant 16 : i32
    %mul3A_1038 = arith.muli %scan3A_1034, %mul3A_1037 : i32
    %swap3A_1039 = arith.index_cast %mul3A_1038 : i32 to index
    %swap3A_1040 = tpu.vector_load %arg5[%swap3A_1039] {strides = array<i32>} : memref<2048xf32, #tpu.memory_space<vmem>>, vector<16xf32>,
    %swap3A_1041 = vector.shape_cast %swap3A_1040 : vector<16xf32> to vector<16xf32>
    %swap3A_1042 = vector.shape_cast %broadcast_in_dim3A_1036 : vector<16xf32> to vector<16xf32>
    tpu.vector_store %arg5[%swap3A_1039], %swap3A_1042 {strides = array<i32>} : memref<2048xf32, #tpu.memory_space<vmem>>, vector<16xf32>,
    %scan3A_1043 = arith.constant 0 : i32
    %scan3A_1044 = arith.constant 101 : i32
    %broadcast_in_dim3A_1045 = arith.constant 0.000000e+00 : f32
    %broadcast_in_dim3A_1046 = vector.broadcast %broadcast_in_dim3A_1045 : f32 to vector<16xf32>
    %mul3A_1047 = arith.constant 16 : i32
    %mul3A_1048 = arith.muli %scan3A_1044, %mul3A_1047 : i32
    %swap3A_1049 = arith.index_cast %mul3A_1048 : i32 to index
    %swap3A_1050 = tpu.vector_load %arg5[%swap3A_1049] {strides = array<i32>} : memref<2048xf32, #tpu.memory_space<vmem>>, vector<16xf32>,
    %swap3A_1051 = vector.shape_cast %swap3A_1050 : vector<16xf32> to vector<16xf32>
    %swap3A_1052 = vector.shape_cast %broadcast_in_dim3A_1046 : vector<16xf32> to vector<16xf32>
    tpu.vector_store %arg5[%swap3A_1049], %swap3A_1052 {strides = array<i32>} : memref<2048xf32, #tpu.memory_space<vmem>>, vector<16xf32>,
    %scan3A_1053 = arith.constant 0 : i32
    %scan3A_1054 = arith.constant 102 : i32
    %broadcast_in_dim3A_1055 = arith.constant 0.000000e+00 : f32
    %broadcast_in_dim3A_1056 = vector.broadcast %broadcast_in_dim3A_1055 : f32 to vector<16xf32>
    %mul3A_1057 = arith.constant 16 : i32
    %mul3A_1058 = arith.muli %scan3A_1054, %mul3A_1057 : i32
    %swap3A_1059 = arith.index_cast %mul3A_1058 : i32 to index
    %swap3A_1060 = tpu.vector_load %arg5[%swap3A_1059] {strides = array<i32>} : memref<2048xf32, #tpu.memory_space<vmem>>, vector<16xf32>,
    %swap3A_1061 = vector.shape_cast %swap3A_1060 : vector<16xf32> to vector<16xf32>
    %swap3A_1062 = vector.shape_cast %broadcast_in_dim3A_1056 : vector<16xf32> to vector<16xf32>
    tpu.vector_store %arg5[%swap3A_1059], %swap3A_1062 {strides = array<i32>} : memref<2048xf32, #tpu.memory_space<vmem>>, vector<16xf32>,
    %scan3A_1063 = arith.constant 0 : i32
    %scan3A_1064 = arith.constant 103 : i32
    %broadcast_in_dim3A_1065 = arith.constant 0.000000e+00 : f32
    %broadcast_in_dim3A_1066 = vector.broadcast %broadcast_in_dim3A_1065 : f32 to vector<16xf32>
    %mul3A_1067 = arith.constant 16 : i32
    %mul3A_1068 = arith.muli %scan3A_1064, %mul3A_1067 : i32
    %swap3A_1069 = arith.index_cast %mul3A_1068 : i32 to index
    %swap3A_1070 = tpu.vector_load %arg5[%swap3A_1069] {strides = array<i32>} : memref<2048xf32, #tpu.memory_space<vmem>>, vector<16xf32>,
    %swap3A_1071 = vector.shape_cast %swap3A_1070 : vector<16xf32> to vector<16xf32>
    %swap3A_1072 = vector.shape_cast %broadcast_in_dim3A_1066 : vector<16xf32> to vector<16xf32>
    tpu.vector_store %arg5[%swap3A_1069], %swap3A_1072 {strides = array<i32>} : memref<2048xf32, #tpu.memory_space<vmem>>, vector<16xf32>,
    %scan3A_1073 = arith.constant 0 : i32
    %scan3A_1074 = arith.constant 104 : i32
    %broadcast_in_dim3A_1075 = arith.constant 0.000000e+00 : f32
    %broadcast_in_dim3A_1076 = vector.broadcast %broadcast_in_dim3A_1075 : f32 to vector<16xf32>
    %mul3A_1077 = arith.constant 16 : i32
    %mul3A_1078 = arith.muli %scan3A_1074, %mul3A_1077 : i32
    %swap3A_1079 = arith.index_cast %mul3A_1078 : i32 to index
    %swap3A_1080 = tpu.vector_load %arg5[%swap3A_1079] {strides = array<i32>} : memref<2048xf32, #tpu.memory_space<vmem>>, vector<16xf32>,
    %swap3A_1081 = vector.shape_cast %swap3A_1080 : vector<16xf32> to vector<16xf32>
    %swap3A_1082 = vector.shape_cast %broadcast_in_dim3A_1076 : vector<16xf32> to vector<16xf32>
    tpu.vector_store %arg5[%swap3A_1079], %swap3A_1082 {strides = array<i32>} : memref<2048xf32, #tpu.memory_space<vmem>>, vector<16xf32>,
    %scan3A_1083 = arith.constant 0 : i32
    %scan3A_1084 = arith.constant 105 : i32
    %broadcast_in_dim3A_1085 = arith.constant 0.000000e+00 : f32
    %broadcast_in_dim3A_1086 = vector.broadcast %broadcast_in_dim3A_1085 : f32 to vector<16xf32>
    %mul3A_1087 = arith.constant 16 : i32
    %mul3A_1088 = arith.muli %scan3A_1084, %mul3A_1087 : i32
    %swap3A_1089 = arith.index_cast %mul3A_1088 : i32 to index
    %swap3A_1090 = tpu.vector_load %arg5[%swap3A_1089] {strides = array<i32>} : memref<2048xf32, #tpu.memory_space<vmem>>, vector<16xf32>,
    %swap3A_1091 = vector.shape_cast %swap3A_1090 : vector<16xf32> to vector<16xf32>
    %swap3A_1092 = vector.shape_cast %broadcast_in_dim3A_1086 : vector<16xf32> to vector<16xf32>
    tpu.vector_store %arg5[%swap3A_1089], %swap3A_1092 {strides = array<i32>} : memref<2048xf32, #tpu.memory_space<vmem>>, vector<16xf32>,
    %scan3A_1093 = arith.constant 0 : i32
    %scan3A_1094 = arith.constant 106 : i32
    %broadcast_in_dim3A_1095 = arith.constant 0.000000e+00 : f32
    %broadcast_in_dim3A_1096 = vector.broadcast %broadcast_in_dim3A_1095 : f32 to vector<16xf32>
    %mul3A_1097 = arith.constant 16 : i32
    %mul3A_1098 = arith.muli %scan3A_1094, %mul3A_1097 : i32
    %swap3A_1099 = arith.index_cast %mul3A_1098 : i32 to index
    %swap3A_1100 = tpu.vector_load %arg5[%swap3A_1099] {strides = array<i32>} : memref<2048xf32, #tpu.memory_space<vmem>>, vector<16xf32>,
    %swap3A_1101 = vector.shape_cast %swap3A_1100 : vector<16xf32> to vector<16xf32>
    %swap3A_1102 = vector.shape_cast %broadcast_in_dim3A_1096 : vector<16xf32> to vector<16xf32>
    tpu.vector_store %arg5[%swap3A_1099], %swap3A_1102 {strides = array<i32>} : memref<2048xf32, #tpu.memory_space<vmem>>, vector<16xf32>,
    %scan3A_1103 = arith.constant 0 : i32
    %scan3A_1104 = arith.constant 107 : i32
    %broadcast_in_dim3A_1105 = arith.constant 0.000000e+00 : f32
    %broadcast_in_dim3A_1106 = vector.broadcast %broadcast_in_dim3A_1105 : f32 to vector<16xf32>
    %mul3A_1107 = arith.constant 16 : i32
    %mul3A_1108 = arith.muli %scan3A_1104, %mul3A_1107 : i32
    %swap3A_1109 = arith.index_cast %mul3A_1108 : i32 to index
    %swap3A_1110 = tpu.vector_load %arg5[%swap3A_1109] {strides = array<i32>} : memref<2048xf32, #tpu.memory_space<vmem>>, vector<16xf32>,
    %swap3A_1111 = vector.shape_cast %swap3A_1110 : vector<16xf32> to vector<16xf32>
    %swap3A_1112 = vector.shape_cast %broadcast_in_dim3A_1106 : vector<16xf32> to vector<16xf32>
    tpu.vector_store %arg5[%swap3A_1109], %swap3A_1112 {strides = array<i32>} : memref<2048xf32, #tpu.memory_space<vmem>>, vector<16xf32>,
    %scan3A_1113 = arith.constant 0 : i32
    %scan3A_1114 = arith.constant 108 : i32
    %broadcast_in_dim3A_1115 = arith.constant 0.000000e+00 : f32
    %broadcast_in_dim3A_1116 = vector.broadcast %broadcast_in_dim3A_1115 : f32 to vector<16xf32>
    %mul3A_1117 = arith.constant 16 : i32
    %mul3A_1118 = arith.muli %scan3A_1114, %mul3A_1117 : i32
    %swap3A_1119 = arith.index_cast %mul3A_1118 : i32 to index
    %swap3A_1120 = tpu.vector_load %arg5[%swap3A_1119] {strides = array<i32>} : memref<2048xf32, #tpu.memory_space<vmem>>, vector<16xf32>,
    %swap3A_1121 = vector.shape_cast %swap3A_1120 : vector<16xf32> to vector<16xf32>
    %swap3A_1122 = vector.shape_cast %broadcast_in_dim3A_1116 : vector<16xf32> to vector<16xf32>
    tpu.vector_store %arg5[%swap3A_1119], %swap3A_1122 {strides = array<i32>} : memref<2048xf32, #tpu.memory_space<vmem>>, vector<16xf32>,
    %scan3A_1123 = arith.constant 0 : i32
    %scan3A_1124 = arith.constant 109 : i32
    %broadcast_in_dim3A_1125 = arith.constant 0.000000e+00 : f32
    %broadcast_in_dim3A_1126 = vector.broadcast %broadcast_in_dim3A_1125 : f32 to vector<16xf32>
    %mul3A_1127 = arith.constant 16 : i32
    %mul3A_1128 = arith.muli %scan3A_1124, %mul3A_1127 : i32
    %swap3A_1129 = arith.index_cast %mul3A_1128 : i32 to index
    %swap3A_1130 = tpu.vector_load %arg5[%swap3A_1129] {strides = array<i32>} : memref<2048xf32, #tpu.memory_space<vmem>>, vector<16xf32>,
    %swap3A_1131 = vector.shape_cast %swap3A_1130 : vector<16xf32> to vector<16xf32>
    %swap3A_1132 = vector.shape_cast %broadcast_in_dim3A_1126 : vector<16xf32> to vector<16xf32>
    tpu.vector_store %arg5[%swap3A_1129], %swap3A_1132 {strides = array<i32>} : memref<2048xf32, #tpu.memory_space<vmem>>, vector<16xf32>,
    %scan3A_1133 = arith.constant 0 : i32
    %scan3A_1134 = arith.constant 110 : i32
    %broadcast_in_dim3A_1135 = arith.constant 0.000000e+00 : f32
    %broadcast_in_dim3A_1136 = vector.broadcast %broadcast_in_dim3A_1135 : f32 to vector<16xf32>
    %mul3A_1137 = arith.constant 16 : i32
    %mul3A_1138 = arith.muli %scan3A_1134, %mul3A_1137 : i32
    %swap3A_1139 = arith.index_cast %mul3A_1138 : i32 to index
    %swap3A_1140 = tpu.vector_load %arg5[%swap3A_1139] {strides = array<i32>} : memref<2048xf32, #tpu.memory_space<vmem>>, vector<16xf32>,
    %swap3A_1141 = vector.shape_cast %swap3A_1140 : vector<16xf32> to vector<16xf32>
    %swap3A_1142 = vector.shape_cast %broadcast_in_dim3A_1136 : vector<16xf32> to vector<16xf32>
    tpu.vector_store %arg5[%swap3A_1139], %swap3A_1142 {strides = array<i32>} : memref<2048xf32, #tpu.memory_space<vmem>>, vector<16xf32>,
    %scan3A_1143 = arith.constant 0 : i32
    %scan3A_1144 = arith.constant 111 : i32
    %broadcast_in_dim3A_1145 = arith.constant 0.000000e+00 : f32
    %broadcast_in_dim3A_1146 = vector.broadcast %broadcast_in_dim3A_1145 : f32 to vector<16xf32>
    %mul3A_1147 = arith.constant 16 : i32
    %mul3A_1148 = arith.muli %scan3A_1144, %mul3A_1147 : i32
    %swap3A_1149 = arith.index_cast %mul3A_1148 : i32 to index
    %swap3A_1150 = tpu.vector_load %arg5[%swap3A_1149] {strides = array<i32>} : memref<2048xf32, #tpu.memory_space<vmem>>, vector<16xf32>,
    %swap3A_1151 = vector.shape_cast %swap3A_1150 : vector<16xf32> to vector<16xf32>
    %swap3A_1152 = vector.shape_cast %broadcast_in_dim3A_1146 : vector<16xf32> to vector<16xf32>
    tpu.vector_store %arg5[%swap3A_1149], %swap3A_1152 {strides = array<i32>} : memref<2048xf32, #tpu.memory_space<vmem>>, vector<16xf32>,
    %scan3A_1153 = arith.constant 0 : i32
    %scan3A_1154 = arith.constant 112 : i32
    %broadcast_in_dim3A_1155 = arith.constant 0.000000e+00 : f32
    %broadcast_in_dim3A_1156 = vector.broadcast %broadcast_in_dim3A_1155 : f32 to vector<16xf32>
    %mul3A_1157 = arith.constant 16 : i32
    %mul3A_1158 = arith.muli %scan3A_1154, %mul3A_1157 : i32
    %swap3A_1159 = arith.index_cast %mul3A_1158 : i32 to index
    %swap3A_1160 = tpu.vector_load %arg5[%swap3A_1159] {strides = array<i32>} : memref<2048xf32, #tpu.memory_space<vmem>>, vector<16xf32>,
    %swap3A_1161 = vector.shape_cast %swap3A_1160 : vector<16xf32> to vector<16xf32>
    %swap3A_1162 = vector.shape_cast %broadcast_in_dim3A_1156 : vector<16xf32> to vector<16xf32>
    tpu.vector_store %arg5[%swap3A_1159], %swap3A_1162 {strides = array<i32>} : memref<2048xf32, #tpu.memory_space<vmem>>, vector<16xf32>,
    %scan3A_1163 = arith.constant 0 : i32
    %scan3A_1164 = arith.constant 113 : i32
    %broadcast_in_dim3A_1165 = arith.constant 0.000000e+00 : f32
    %broadcast_in_dim3A_1166 = vector.broadcast %broadcast_in_dim3A_1165 : f32 to vector<16xf32>
    %mul3A_1167 = arith.constant 16 : i32
    %mul3A_1168 = arith.muli %scan3A_1164, %mul3A_1167 : i32
    %swap3A_1169 = arith.index_cast %mul3A_1168 : i32 to index
    %swap3A_1170 = tpu.vector_load %arg5[%swap3A_1169] {strides = array<i32>} : memref<2048xf32, #tpu.memory_space<vmem>>, vector<16xf32>,
    %swap3A_1171 = vector.shape_cast %swap3A_1170 : vector<16xf32> to vector<16xf32>
    %swap3A_1172 = vector.shape_cast %broadcast_in_dim3A_1166 : vector<16xf32> to vector<16xf32>
    tpu.vector_store %arg5[%swap3A_1169], %swap3A_1172 {strides = array<i32>} : memref<2048xf32, #tpu.memory_space<vmem>>, vector<16xf32>,
    %scan3A_1173 = arith.constant 0 : i32
    %scan3A_1174 = arith.constant 114 : i32
    %broadcast_in_dim3A_1175 = arith.constant 0.000000e+00 : f32
    %broadcast_in_dim3A_1176 = vector.broadcast %broadcast_in_dim3A_1175 : f32 to vector<16xf32>
    %mul3A_1177 = arith.constant 16 : i32
    %mul3A_1178 = arith.muli %scan3A_1174, %mul3A_1177 : i32
    %swap3A_1179 = arith.index_cast %mul3A_1178 : i32 to index
    %swap3A_1180 = tpu.vector_load %arg5[%swap3A_1179] {strides = array<i32>} : memref<2048xf32, #tpu.memory_space<vmem>>, vector<16xf32>,
    %swap3A_1181 = vector.shape_cast %swap3A_1180 : vector<16xf32> to vector<16xf32>
    %swap3A_1182 = vector.shape_cast %broadcast_in_dim3A_1176 : vector<16xf32> to vector<16xf32>
    tpu.vector_store %arg5[%swap3A_1179], %swap3A_1182 {strides = array<i32>} : memref<2048xf32, #tpu.memory_space<vmem>>, vector<16xf32>,
    %scan3A_1183 = arith.constant 0 : i32
    %scan3A_1184 = arith.constant 115 : i32
    %broadcast_in_dim3A_1185 = arith.constant 0.000000e+00 : f32
    %broadcast_in_dim3A_1186 = vector.broadcast %broadcast_in_dim3A_1185 : f32 to vector<16xf32>
    %mul3A_1187 = arith.constant 16 : i32
    %mul3A_1188 = arith.muli %scan3A_1184, %mul3A_1187 : i32
    %swap3A_1189 = arith.index_cast %mul3A_1188 : i32 to index
    %swap3A_1190 = tpu.vector_load %arg5[%swap3A_1189] {strides = array<i32>} : memref<2048xf32, #tpu.memory_space<vmem>>, vector<16xf32>,
    %swap3A_1191 = vector.shape_cast %swap3A_1190 : vector<16xf32> to vector<16xf32>
    %swap3A_1192 = vector.shape_cast %broadcast_in_dim3A_1186 : vector<16xf32> to vector<16xf32>
    tpu.vector_store %arg5[%swap3A_1189], %swap3A_1192 {strides = array<i32>} : memref<2048xf32, #tpu.memory_space<vmem>>, vector<16xf32>,
    %scan3A_1193 = arith.constant 0 : i32
    %scan3A_1194 = arith.constant 116 : i32
    %broadcast_in_dim3A_1195 = arith.constant 0.000000e+00 : f32
    %broadcast_in_dim3A_1196 = vector.broadcast %broadcast_in_dim3A_1195 : f32 to vector<16xf32>
    %mul3A_1197 = arith.constant 16 : i32
    %mul3A_1198 = arith.muli %scan3A_1194, %mul3A_1197 : i32
    %swap3A_1199 = arith.index_cast %mul3A_1198 : i32 to index
    %swap3A_1200 = tpu.vector_load %arg5[%swap3A_1199] {strides = array<i32>} : memref<2048xf32, #tpu.memory_space<vmem>>, vector<16xf32>,
    %swap3A_1201 = vector.shape_cast %swap3A_1200 : vector<16xf32> to vector<16xf32>
    %swap3A_1202 = vector.shape_cast %broadcast_in_dim3A_1196 : vector<16xf32> to vector<16xf32>
    tpu.vector_store %arg5[%swap3A_1199], %swap3A_1202 {strides = array<i32>} : memref<2048xf32, #tpu.memory_space<vmem>>, vector<16xf32>,
    %scan3A_1203 = arith.constant 0 : i32
    %scan3A_1204 = arith.constant 117 : i32
    %broadcast_in_dim3A_1205 = arith.constant 0.000000e+00 : f32
    %broadcast_in_dim3A_1206 = vector.broadcast %broadcast_in_dim3A_1205 : f32 to vector<16xf32>
    %mul3A_1207 = arith.constant 16 : i32
    %mul3A_1208 = arith.muli %scan3A_1204, %mul3A_1207 : i32
    %swap3A_1209 = arith.index_cast %mul3A_1208 : i32 to index
    %swap3A_1210 = tpu.vector_load %arg5[%swap3A_1209] {strides = array<i32>} : memref<2048xf32, #tpu.memory_space<vmem>>, vector<16xf32>,
    %swap3A_1211 = vector.shape_cast %swap3A_1210 : vector<16xf32> to vector<16xf32>
    %swap3A_1212 = vector.shape_cast %broadcast_in_dim3A_1206 : vector<16xf32> to vector<16xf32>
    tpu.vector_store %arg5[%swap3A_1209], %swap3A_1212 {strides = array<i32>} : memref<2048xf32, #tpu.memory_space<vmem>>, vector<16xf32>,
    %scan3A_1213 = arith.constant 0 : i32
    %scan3A_1214 = arith.constant 118 : i32
    %broadcast_in_dim3A_1215 = arith.constant 0.000000e+00 : f32
    %broadcast_in_dim3A_1216 = vector.broadcast %broadcast_in_dim3A_1215 : f32 to vector<16xf32>
    %mul3A_1217 = arith.constant 16 : i32
    %mul3A_1218 = arith.muli %scan3A_1214, %mul3A_1217 : i32
    %swap3A_1219 = arith.index_cast %mul3A_1218 : i32 to index
    %swap3A_1220 = tpu.vector_load %arg5[%swap3A_1219] {strides = array<i32>} : memref<2048xf32, #tpu.memory_space<vmem>>, vector<16xf32>,
    %swap3A_1221 = vector.shape_cast %swap3A_1220 : vector<16xf32> to vector<16xf32>
    %swap3A_1222 = vector.shape_cast %broadcast_in_dim3A_1216 : vector<16xf32> to vector<16xf32>
    tpu.vector_store %arg5[%swap3A_1219], %swap3A_1222 {strides = array<i32>} : memref<2048xf32, #tpu.memory_space<vmem>>, vector<16xf32>,
    %scan3A_1223 = arith.constant 0 : i32
    %scan3A_1224 = arith.constant 119 : i32
    %broadcast_in_dim3A_1225 = arith.constant 0.000000e+00 : f32
    %broadcast_in_dim3A_1226 = vector.broadcast %broadcast_in_dim3A_1225 : f32 to vector<16xf32>
    %mul3A_1227 = arith.constant 16 : i32
    %mul3A_1228 = arith.muli %scan3A_1224, %mul3A_1227 : i32
    %swap3A_1229 = arith.index_cast %mul3A_1228 : i32 to index
    %swap3A_1230 = tpu.vector_load %arg5[%swap3A_1229] {strides = array<i32>} : memref<2048xf32, #tpu.memory_space<vmem>>, vector<16xf32>,
    %swap3A_1231 = vector.shape_cast %swap3A_1230 : vector<16xf32> to vector<16xf32>
    %swap3A_1232 = vector.shape_cast %broadcast_in_dim3A_1226 : vector<16xf32> to vector<16xf32>
    tpu.vector_store %arg5[%swap3A_1229], %swap3A_1232 {strides = array<i32>} : memref<2048xf32, #tpu.memory_space<vmem>>, vector<16xf32>,
    %scan3A_1233 = arith.constant 0 : i32
    %scan3A_1234 = arith.constant 120 : i32
    %broadcast_in_dim3A_1235 = arith.constant 0.000000e+00 : f32
    %broadcast_in_dim3A_1236 = vector.broadcast %broadcast_in_dim3A_1235 : f32 to vector<16xf32>
    %mul3A_1237 = arith.constant 16 : i32
    %mul3A_1238 = arith.muli %scan3A_1234, %mul3A_1237 : i32
    %swap3A_1239 = arith.index_cast %mul3A_1238 : i32 to index
    %swap3A_1240 = tpu.vector_load %arg5[%swap3A_1239] {strides = array<i32>} : memref<2048xf32, #tpu.memory_space<vmem>>, vector<16xf32>,
    %swap3A_1241 = vector.shape_cast %swap3A_1240 : vector<16xf32> to vector<16xf32>
    %swap3A_1242 = vector.shape_cast %broadcast_in_dim3A_1236 : vector<16xf32> to vector<16xf32>
    tpu.vector_store %arg5[%swap3A_1239], %swap3A_1242 {strides = array<i32>} : memref<2048xf32, #tpu.memory_space<vmem>>, vector<16xf32>,
    %scan3A_1243 = arith.constant 0 : i32
    %scan3A_1244 = arith.constant 121 : i32
    %broadcast_in_dim3A_1245 = arith.constant 0.000000e+00 : f32
    %broadcast_in_dim3A_1246 = vector.broadcast %broadcast_in_dim3A_1245 : f32 to vector<16xf32>
    %mul3A_1247 = arith.constant 16 : i32
    %mul3A_1248 = arith.muli %scan3A_1244, %mul3A_1247 : i32
    %swap3A_1249 = arith.index_cast %mul3A_1248 : i32 to index
    %swap3A_1250 = tpu.vector_load %arg5[%swap3A_1249] {strides = array<i32>} : memref<2048xf32, #tpu.memory_space<vmem>>, vector<16xf32>,
    %swap3A_1251 = vector.shape_cast %swap3A_1250 : vector<16xf32> to vector<16xf32>
    %swap3A_1252 = vector.shape_cast %broadcast_in_dim3A_1246 : vector<16xf32> to vector<16xf32>
    tpu.vector_store %arg5[%swap3A_1249], %swap3A_1252 {strides = array<i32>} : memref<2048xf32, #tpu.memory_space<vmem>>, vector<16xf32>,
    %scan3A_1253 = arith.constant 0 : i32
    %scan3A_1254 = arith.constant 122 : i32
    %broadcast_in_dim3A_1255 = arith.constant 0.000000e+00 : f32
    %broadcast_in_dim3A_1256 = vector.broadcast %broadcast_in_dim3A_1255 : f32 to vector<16xf32>
    %mul3A_1257 = arith.constant 16 : i32
    %mul3A_1258 = arith.muli %scan3A_1254, %mul3A_1257 : i32
    %swap3A_1259 = arith.index_cast %mul3A_1258 : i32 to index
    %swap3A_1260 = tpu.vector_load %arg5[%swap3A_1259] {strides = array<i32>} : memref<2048xf32, #tpu.memory_space<vmem>>, vector<16xf32>,
    %swap3A_1261 = vector.shape_cast %swap3A_1260 : vector<16xf32> to vector<16xf32>
    %swap3A_1262 = vector.shape_cast %broadcast_in_dim3A_1256 : vector<16xf32> to vector<16xf32>
    tpu.vector_store %arg5[%swap3A_1259], %swap3A_1262 {strides = array<i32>} : memref<2048xf32, #tpu.memory_space<vmem>>, vector<16xf32>,
    %scan3A_1263 = arith.constant 0 : i32
    %scan3A_1264 = arith.constant 123 : i32
    %broadcast_in_dim3A_1265 = arith.constant 0.000000e+00 : f32
    %broadcast_in_dim3A_1266 = vector.broadcast %broadcast_in_dim3A_1265 : f32 to vector<16xf32>
    %mul3A_1267 = arith.constant 16 : i32
    %mul3A_1268 = arith.muli %scan3A_1264, %mul3A_1267 : i32
    %swap3A_1269 = arith.index_cast %mul3A_1268 : i32 to index
    %swap3A_1270 = tpu.vector_load %arg5[%swap3A_1269] {strides = array<i32>} : memref<2048xf32, #tpu.memory_space<vmem>>, vector<16xf32>,
    %swap3A_1271 = vector.shape_cast %swap3A_1270 : vector<16xf32> to vector<16xf32>
    %swap3A_1272 = vector.shape_cast %broadcast_in_dim3A_1266 : vector<16xf32> to vector<16xf32>
    tpu.vector_store %arg5[%swap3A_1269], %swap3A_1272 {strides = array<i32>} : memref<2048xf32, #tpu.memory_space<vmem>>, vector<16xf32>,
    %scan3A_1273 = arith.constant 0 : i32
    %scan3A_1274 = arith.constant 124 : i32
    %broadcast_in_dim3A_1275 = arith.constant 0.000000e+00 : f32
    %broadcast_in_dim3A_1276 = vector.broadcast %broadcast_in_dim3A_1275 : f32 to vector<16xf32>
    %mul3A_1277 = arith.constant 16 : i32
    %mul3A_1278 = arith.muli %scan3A_1274, %mul3A_1277 : i32
    %swap3A_1279 = arith.index_cast %mul3A_1278 : i32 to index
    %swap3A_1280 = tpu.vector_load %arg5[%swap3A_1279] {strides = array<i32>} : memref<2048xf32, #tpu.memory_space<vmem>>, vector<16xf32>,
    %swap3A_1281 = vector.shape_cast %swap3A_1280 : vector<16xf32> to vector<16xf32>
    %swap3A_1282 = vector.shape_cast %broadcast_in_dim3A_1276 : vector<16xf32> to vector<16xf32>
    tpu.vector_store %arg5[%swap3A_1279], %swap3A_1282 {strides = array<i32>} : memref<2048xf32, #tpu.memory_space<vmem>>, vector<16xf32>,
    %scan3A_1283 = arith.constant 0 : i32
    %scan3A_1284 = arith.constant 125 : i32
    %broadcast_in_dim3A_1285 = arith.constant 0.000000e+00 : f32
    %broadcast_in_dim3A_1286 = vector.broadcast %broadcast_in_dim3A_1285 : f32 to vector<16xf32>
    %mul3A_1287 = arith.constant 16 : i32
    %mul3A_1288 = arith.muli %scan3A_1284, %mul3A_1287 : i32
    %swap3A_1289 = arith.index_cast %mul3A_1288 : i32 to index
    %swap3A_1290 = tpu.vector_load %arg5[%swap3A_1289] {strides = array<i32>} : memref<2048xf32, #tpu.memory_space<vmem>>, vector<16xf32>,
    %swap3A_1291 = vector.shape_cast %swap3A_1290 : vector<16xf32> to vector<16xf32>
    %swap3A_1292 = vector.shape_cast %broadcast_in_dim3A_1286 : vector<16xf32> to vector<16xf32>
    tpu.vector_store %arg5[%swap3A_1289], %swap3A_1292 {strides = array<i32>} : memref<2048xf32, #tpu.memory_space<vmem>>, vector<16xf32>,
    %scan3A_1293 = arith.constant 0 : i32
    %scan3A_1294 = arith.constant 126 : i32
    %broadcast_in_dim3A_1295 = arith.constant 0.000000e+00 : f32
    %broadcast_in_dim3A_1296 = vector.broadcast %broadcast_in_dim3A_1295 : f32 to vector<16xf32>
    %mul3A_1297 = arith.constant 16 : i32
    %mul3A_1298 = arith.muli %scan3A_1294, %mul3A_1297 : i32
    %swap3A_1299 = arith.index_cast %mul3A_1298 : i32 to index
    %swap3A_1300 = tpu.vector_load %arg5[%swap3A_1299] {strides = array<i32>} : memref<2048xf32, #tpu.memory_space<vmem>>, vector<16xf32>,
    %swap3A_1301 = vector.shape_cast %swap3A_1300 : vector<16xf32> to vector<16xf32>
    %swap3A_1302 = vector.shape_cast %broadcast_in_dim3A_1296 : vector<16xf32> to vector<16xf32>
    tpu.vector_store %arg5[%swap3A_1299], %swap3A_1302 {strides = array<i32>} : memref<2048xf32, #tpu.memory_space<vmem>>, vector<16xf32>,
    %scan3A_1303 = arith.constant 0 : i32
    %scan3A_1304 = arith.constant 127 : i32
    %broadcast_in_dim3A_1305 = arith.constant 0.000000e+00 : f32
    %broadcast_in_dim3A_1306 = vector.broadcast %broadcast_in_dim3A_1305 : f32 to vector<16xf32>
    %mul3A_1307 = arith.constant 16 : i32
    %mul3A_1308 = arith.muli %scan3A_1304, %mul3A_1307 : i32
    %swap3A_1309 = arith.index_cast %mul3A_1308 : i32 to index
    %swap3A_1310 = tpu.vector_load %arg5[%swap3A_1309] {strides = array<i32>} : memref<2048xf32, #tpu.memory_space<vmem>>, vector<16xf32>,
    %swap3A_1311 = vector.shape_cast %swap3A_1310 : vector<16xf32> to vector<16xf32>
    %swap3A_1312 = vector.shape_cast %broadcast_in_dim3A_1306 : vector<16xf32> to vector<16xf32>
    tpu.vector_store %arg5[%swap3A_1309], %swap3A_1312 {strides = array<i32>} : memref<2048xf32, #tpu.memory_space<vmem>>, vector<16xf32>,
    %scan3A_1313 = arith.constant 0 : i32
    %scan3A_1314 = arith.constant 128 : i32
    %add3A_1315 = arith.constant 0 : i32
    %add3A_1316 = arith.addi %add3A_35, %add3A_1315 : i32
    %dma_start3A = arith.constant 0 : i32
    %dma_start3A_1317 = arith.constant 0 : i32
    %dma_start3A_1318 = arith.constant 0 : i32
    %dma_start3A_1319 = tpu.memref_slice %arg4[%dma_start3A, %dma_start3A_1317, %dma_start3A_1318] : memref<2x16x2048xf32, #tpu.memory_space<vmem>> -> memref<1x16x2048xf32, #tpu.memory_space<vmem>>
    %dma_start3A_1320 = tpu.memref_squeeze %dma_start3A_1319 : memref<1x16x2048xf32, #tpu.memory_space<vmem>> -> memref<16x2048xf32, #tpu.memory_space<vmem>>
    %dma_start3A_1321 = arith.constant 0 : i32
    %dma_start3A_1322 = tpu.memref_slice %arg2[%add3A_1316, %dma_start3A_1321] : memref<16384x2048xf32, #tpu.memory_space<hbm>> -> memref<16x2048xf32, #tpu.memory_space<hbm>>
    %dma_start3A_1323 = arith.constant 0 : i32
    %dma_start3A_1324 = arith.constant 0 : i32
    %dma_start3A_1325 = tpu.memref_slice %arg4[%dma_start3A, %dma_start3A_1323, %dma_start3A_1324] : memref<2x16x2048xf32, #tpu.memory_space<vmem>> -> memref<1x16x2048xf32, #tpu.memory_space<vmem>>
    %dma_start3A_1326 = tpu.memref_squeeze %dma_start3A_1325 : memref<1x16x2048xf32, #tpu.memory_space<vmem>> -> memref<16x2048xf32, #tpu.memory_space<vmem>>
    %dma_start3A_1327 = arith.constant 0 : i32
    %dma_start3A_1328 = tpu.memref_slice %arg2[%add3A_1316, %dma_start3A_1327] : memref<16384x2048xf32, #tpu.memory_space<hbm>> -> memref<16x2048xf32, #tpu.memory_space<hbm>>
    tpu.enqueue_dma source(%dma_start3A_1328 : memref<16x2048xf32, #tpu.memory_space<hbm>>) target(%dma_start3A_1326 : memref<16x2048xf32, #tpu.memory_space<vmem>>) target_semaphore(%arg6 : memref<!tpu.dma_semaphore, #tpu.memory_space<semaphore_mem>>)
    %add3A_1329 = arith.constant 16 : i32
    %add3A_1330 = arith.addi %add3A_35, %add3A_1329 : i32
    %dma_start3A_1331 = arith.constant 1 : i32
    %dma_start3A_1332 = arith.constant 0 : i32
    %dma_start3A_1333 = arith.constant 0 : i32
    %dma_start3A_1334 = tpu.memref_slice %arg4[%dma_start3A_1331, %dma_start3A_1332, %dma_start3A_1333] : memref<2x16x2048xf32, #tpu.memory_space<vmem>> -> memref<1x16x2048xf32, #tpu.memory_space<vmem>>
    %dma_start3A_1335 = tpu.memref_squeeze %dma_start3A_1334 : memref<1x16x2048xf32, #tpu.memory_space<vmem>> -> memref<16x2048xf32, #tpu.memory_space<vmem>>
    %dma_start3A_1336 = arith.constant 0 : i32
    %dma_start3A_1337 = tpu.memref_slice %arg2[%add3A_1330, %dma_start3A_1336] : memref<16384x2048xf32, #tpu.memory_space<hbm>> -> memref<16x2048xf32, #tpu.memory_space<hbm>>
    %dma_start3A_1338 = arith.constant 0 : i32
    %dma_start3A_1339 = arith.constant 0 : i32
    %dma_start3A_1340 = tpu.memref_slice %arg4[%dma_start3A_1331, %dma_start3A_1338, %dma_start3A_1339] : memref<2x16x2048xf32, #tpu.memory_space<vmem>> -> memref<1x16x2048xf32, #tpu.memory_space<vmem>>
    %dma_start3A_1341 = tpu.memref_squeeze %dma_start3A_1340 : memref<1x16x2048xf32, #tpu.memory_space<vmem>> -> memref<16x2048xf32, #tpu.memory_space<vmem>>
    %dma_start3A_1342 = arith.constant 0 : i32
    %dma_start3A_1343 = tpu.memref_slice %arg2[%add3A_1330, %dma_start3A_1342] : memref<16384x2048xf32, #tpu.memory_space<hbm>> -> memref<16x2048xf32, #tpu.memory_space<hbm>>
    tpu.enqueue_dma source(%dma_start3A_1343 : memref<16x2048xf32, #tpu.memory_space<hbm>>) target(%dma_start3A_1341 : memref<16x2048xf32, #tpu.memory_space<vmem>>) target_semaphore(%arg7 : memref<!tpu.dma_semaphore, #tpu.memory_space<semaphore_mem>>)
    %scan3A_1344 = arith.constant 0 : i32
    %scan3A_1345 = arith.constant 0 : i32
    %mul3A_1346 = arith.constant 2 : i32
    %mul3A_1347 = arith.muli %scan3A_1345, %mul3A_1346 : i32
    %add3A_1348 = arith.constant 0 : i32
    %add3A_1349 = arith.addi %mul3A_1347, %add3A_1348 : i32
    %mul3A_1350 = arith.constant 16 : i32
    %mul3A_1351 = arith.muli %add3A_1349, %mul3A_1350 : i32
    %add3A_1352 = arith.addi %add3A_35, %mul3A_1351 : i32
    %dma_wait3A = arith.constant 0 : i32
    %dma_wait3A_1353 = arith.constant 0 : i32
    %dma_wait3A_1354 = arith.constant 0 : i32
    %dma_wait3A_1355 = tpu.memref_slice %arg4[%dma_wait3A, %dma_wait3A_1353, %dma_wait3A_1354] : memref<2x16x2048xf32, #tpu.memory_space<vmem>> -> memref<1x16x2048xf32, #tpu.memory_space<vmem>>
    %dma_wait3A_1356 = tpu.memref_squeeze %dma_wait3A_1355 : memref<1x16x2048xf32, #tpu.memory_space<vmem>> -> memref<16x2048xf32, #tpu.memory_space<vmem>>
    %dma_wait3A_1357 = arith.constant 0 : i32
    %dma_wait3A_1358 = tpu.memref_slice %arg2[%add3A_1352, %dma_wait3A_1357] : memref<16384x2048xf32, #tpu.memory_space<hbm>> -> memref<16x2048xf32, #tpu.memory_space<hbm>>
    %dma_wait3A_1359 = arith.constant 0 : i32
    %dma_wait3A_1360 = arith.constant 0 : i32
    %dma_wait3A_1361 = tpu.memref_slice %arg4[%dma_wait3A, %dma_wait3A_1359, %dma_wait3A_1360] : memref<2x16x2048xf32, #tpu.memory_space<vmem>> -> memref<1x16x2048xf32, #tpu.memory_space<vmem>>
    %dma_wait3A_1362 = tpu.memref_squeeze %dma_wait3A_1361 : memref<1x16x2048xf32, #tpu.memory_space<vmem>> -> memref<16x2048xf32, #tpu.memory_space<vmem>>
    %dma_wait3A_1363 = arith.constant 0 : i32
    %dma_wait3A_1364 = tpu.memref_slice %arg2[%add3A_1352, %dma_wait3A_1363] : memref<16384x2048xf32, #tpu.memory_space<hbm>> -> memref<16x2048xf32, #tpu.memory_space<hbm>>
    tpu.wait_dma2 semaphore(%arg6 : memref<!tpu.dma_semaphore, #tpu.memory_space<semaphore_mem>>) src(%dma_wait3A_1364 : memref<16x2048xf32, #tpu.memory_space<hbm>>) dst(%dma_wait3A_1362 : memref<16x2048xf32, #tpu.memory_space<vmem>>)
    %add3A_1365 = arith.constant 2 : i32
    %add3A_1366 = arith.addi %add3A_1349, %add3A_1365 : i32
    %lt3A_1367 = arith.constant 2 : i32
    %lt3A_1368 = arith.cmpi slt, %add3A_1366, %lt3A_1367 : i32
    %convert_element_type3A = arith.extui %lt3A_1368 : i1 to i32
    %cond3A = arith.constant 0 : i32
    %cond3A_1369 = arith.cmpi ne, %convert_element_type3A, %cond3A : i32
    scf.if %cond3A_1369 {
      %add3A_1413 = arith.constant 2 : i32
      %add3A_1414 = arith.addi %add3A_1349, %add3A_1413 : i32
      %mul3A_1415 = arith.constant 16 : i32
      %mul3A_1416 = arith.muli %add3A_1414, %mul3A_1415 : i32
      %add3A_1417 = arith.addi %add3A_35, %mul3A_1416 : i32
      %dma_start3A_1418 = arith.constant 0 : i32
      %dma_start3A_1419 = arith.constant 0 : i32
      %dma_start3A_1420 = arith.constant 0 : i32
      %dma_start3A_1421 = tpu.memref_slice %arg4[%dma_start3A_1418, %dma_start3A_1419, %dma_start3A_1420] : memref<2x16x2048xf32, #tpu.memory_space<vmem>> -> memref<1x16x2048xf32, #tpu.memory_space<vmem>>
      %dma_start3A_1422 = tpu.memref_squeeze %dma_start3A_1421 : memref<1x16x2048xf32, #tpu.memory_space<vmem>> -> memref<16x2048xf32, #tpu.memory_space<vmem>>
      %dma_start3A_1423 = arith.constant 0 : i32
      %dma_start3A_1424 = tpu.memref_slice %arg2[%add3A_1417, %dma_start3A_1423] : memref<16384x2048xf32, #tpu.memory_space<hbm>> -> memref<16x2048xf32, #tpu.memory_space<hbm>>
      %dma_start3A_1425 = arith.constant 0 : i32
      %dma_start3A_1426 = arith.constant 0 : i32
      %dma_start3A_1427 = tpu.memref_slice %arg4[%dma_start3A_1418, %dma_start3A_1425, %dma_start3A_1426] : memref<2x16x2048xf32, #tpu.memory_space<vmem>> -> memref<1x16x2048xf32, #tpu.memory_space<vmem>>
      %dma_start3A_1428 = tpu.memref_squeeze %dma_start3A_1427 : memref<1x16x2048xf32, #tpu.memory_space<vmem>> -> memref<16x2048xf32, #tpu.memory_space<vmem>>
      %dma_start3A_1429 = arith.constant 0 : i32
      %dma_start3A_1430 = tpu.memref_slice %arg2[%add3A_1417, %dma_start3A_1429] : memref<16384x2048xf32, #tpu.memory_space<hbm>> -> memref<16x2048xf32, #tpu.memory_space<hbm>>
      tpu.enqueue_dma source(%dma_start3A_1430 : memref<16x2048xf32, #tpu.memory_space<hbm>>) target(%dma_start3A_1428 : memref<16x2048xf32, #tpu.memory_space<vmem>>) target_semaphore(%arg6 : memref<!tpu.dma_semaphore, #tpu.memory_space<semaphore_mem>>)
    } else {
    }
    %scan3A_1370 = arith.constant 0 : i32
    %scan3A_1371 = arith.constant 0 : i32
    %scan3A_1372 = arith.constant 128 : i32
    %scan3A_1373 = arith.addi %scan3A_1371, %scan3A_1372 : i32
    %scan3A_1374 = arith.constant 4 : i32
    %scan3A_1375 = scf.for %scan3A_1413 = %scan3A_1371 to %scan3A_1373 step %scan3A_1374 iter_args(%scan3A_1414 = %scan3A_1370) -> (i32)  : i32 {
      %mul3A_1415 = arith.constant 16 : i32
      %mul3A_1416 = arith.muli %scan3A_1413, %mul3A_1415 : i32
      %get3A = arith.constant 0 : i32
      %get3A_1417 = arith.constant 0 : i32
      %get3A_1418 = arith.index_cast %get3A : i32 to index
      %get3A_1419 = arith.index_cast %get3A_1417 : i32 to index
      %get3A_1420 = arith.index_cast %mul3A_1416 : i32 to index
      %get3A_1421 = tpu.vector_load %arg4[%get3A_1418, %get3A_1419, %get3A_1420] {strides = array<i32>} : memref<2x16x2048xf32, #tpu.memory_space<vmem>>, vector<1x1x16xf32>,
      %get3A_1422 = vector.shape_cast %get3A_1421 : vector<1x1x16xf32> to vector<16xf32>
      %get3A_1423 = arith.constant 0 : i32
      %get3A_1424 = arith.constant 1 : i32
      %get3A_1425 = arith.index_cast %get3A_1423 : i32 to index
      %get3A_1426 = arith.index_cast %get3A_1424 : i32 to index
      %get3A_1427 = arith.index_cast %mul3A_1416 : i32 to index
      %get3A_1428 = tpu.vector_load %arg4[%get3A_1425, %get3A_1426, %get3A_1427] {strides = array<i32>} : memref<2x16x2048xf32, #tpu.memory_space<vmem>>, vector<1x1x16xf32>,
      %get3A_1429 = vector.shape_cast %get3A_1428 : vector<1x1x16xf32> to vector<16xf32>
      %get3A_1430 = arith.constant 0 : i32
      %get3A_1431 = arith.constant 2 : i32
      %get3A_1432 = arith.index_cast %get3A_1430 : i32 to index
      %get3A_1433 = arith.index_cast %get3A_1431 : i32 to index
      %get3A_1434 = arith.index_cast %mul3A_1416 : i32 to index
      %get3A_1435 = tpu.vector_load %arg4[%get3A_1432, %get3A_1433, %get3A_1434] {strides = array<i32>} : memref<2x16x2048xf32, #tpu.memory_space<vmem>>, vector<1x1x16xf32>,
      %get3A_1436 = vector.shape_cast %get3A_1435 : vector<1x1x16xf32> to vector<16xf32>
      %get3A_1437 = arith.constant 0 : i32
      %get3A_1438 = arith.constant 3 : i32
      %get3A_1439 = arith.index_cast %get3A_1437 : i32 to index
      %get3A_1440 = arith.index_cast %get3A_1438 : i32 to index
      %get3A_1441 = arith.index_cast %mul3A_1416 : i32 to index
      %get3A_1442 = tpu.vector_load %arg4[%get3A_1439, %get3A_1440, %get3A_1441] {strides = array<i32>} : memref<2x16x2048xf32, #tpu.memory_space<vmem>>, vector<1x1x16xf32>,
      %get3A_1443 = vector.shape_cast %get3A_1442 : vector<1x1x16xf32> to vector<16xf32>
      %get3A_1444 = arith.constant 0 : i32
      %get3A_1445 = arith.constant 4 : i32
      %get3A_1446 = arith.index_cast %get3A_1444 : i32 to index
      %get3A_1447 = arith.index_cast %get3A_1445 : i32 to index
      %get3A_1448 = arith.index_cast %mul3A_1416 : i32 to index
      %get3A_1449 = tpu.vector_load %arg4[%get3A_1446, %get3A_1447, %get3A_1448] {strides = array<i32>} : memref<2x16x2048xf32, #tpu.memory_space<vmem>>, vector<1x1x16xf32>,
      %get3A_1450 = vector.shape_cast %get3A_1449 : vector<1x1x16xf32> to vector<16xf32>
      %get3A_1451 = arith.constant 0 : i32
      %get3A_1452 = arith.constant 5 : i32
      %get3A_1453 = arith.index_cast %get3A_1451 : i32 to index
      %get3A_1454 = arith.index_cast %get3A_1452 : i32 to index
      %get3A_1455 = arith.index_cast %mul3A_1416 : i32 to index
      %get3A_1456 = tpu.vector_load %arg4[%get3A_1453, %get3A_1454, %get3A_1455] {strides = array<i32>} : memref<2x16x2048xf32, #tpu.memory_space<vmem>>, vector<1x1x16xf32>,
      %get3A_1457 = vector.shape_cast %get3A_1456 : vector<1x1x16xf32> to vector<16xf32>
      %get3A_1458 = arith.constant 0 : i32
      %get3A_1459 = arith.constant 6 : i32
      %get3A_1460 = arith.index_cast %get3A_1458 : i32 to index
      %get3A_1461 = arith.index_cast %get3A_1459 : i32 to index
      %get3A_1462 = arith.index_cast %mul3A_1416 : i32 to index
      %get3A_1463 = tpu.vector_load %arg4[%get3A_1460, %get3A_1461, %get3A_1462] {strides = array<i32>} : memref<2x16x2048xf32, #tpu.memory_space<vmem>>, vector<1x1x16xf32>,
      %get3A_1464 = vector.shape_cast %get3A_1463 : vector<1x1x16xf32> to vector<16xf32>
      %get3A_1465 = arith.constant 0 : i32
      %get3A_1466 = arith.constant 7 : i32
      %get3A_1467 = arith.index_cast %get3A_1465 : i32 to index
      %get3A_1468 = arith.index_cast %get3A_1466 : i32 to index
      %get3A_1469 = arith.index_cast %mul3A_1416 : i32 to index
      %get3A_1470 = tpu.vector_load %arg4[%get3A_1467, %get3A_1468, %get3A_1469] {strides = array<i32>} : memref<2x16x2048xf32, #tpu.memory_space<vmem>>, vector<1x1x16xf32>,
      %get3A_1471 = vector.shape_cast %get3A_1470 : vector<1x1x16xf32> to vector<16xf32>
      %get3A_1472 = arith.constant 0 : i32
      %get3A_1473 = arith.constant 8 : i32
      %get3A_1474 = arith.index_cast %get3A_1472 : i32 to index
      %get3A_1475 = arith.index_cast %get3A_1473 : i32 to index
      %get3A_1476 = arith.index_cast %mul3A_1416 : i32 to index
      %get3A_1477 = tpu.vector_load %arg4[%get3A_1474, %get3A_1475, %get3A_1476] {strides = array<i32>} : memref<2x16x2048xf32, #tpu.memory_space<vmem>>, vector<1x1x16xf32>,
      %get3A_1478 = vector.shape_cast %get3A_1477 : vector<1x1x16xf32> to vector<16xf32>
      %get3A_1479 = arith.constant 0 : i32
      %get3A_1480 = arith.constant 9 : i32
      %get3A_1481 = arith.index_cast %get3A_1479 : i32 to index
      %get3A_1482 = arith.index_cast %get3A_1480 : i32 to index
      %get3A_1483 = arith.index_cast %mul3A_1416 : i32 to index
      %get3A_1484 = tpu.vector_load %arg4[%get3A_1481, %get3A_1482, %get3A_1483] {strides = array<i32>} : memref<2x16x2048xf32, #tpu.memory_space<vmem>>, vector<1x1x16xf32>,
      %get3A_1485 = vector.shape_cast %get3A_1484 : vector<1x1x16xf32> to vector<16xf32>
      %get3A_1486 = arith.constant 0 : i32
      %get3A_1487 = arith.constant 10 : i32
      %get3A_1488 = arith.index_cast %get3A_1486 : i32 to index
      %get3A_1489 = arith.index_cast %get3A_1487 : i32 to index
      %get3A_1490 = arith.index_cast %mul3A_1416 : i32 to index
      %get3A_1491 = tpu.vector_load %arg4[%get3A_1488, %get3A_1489, %get3A_1490] {strides = array<i32>} : memref<2x16x2048xf32, #tpu.memory_space<vmem>>, vector<1x1x16xf32>,
      %get3A_1492 = vector.shape_cast %get3A_1491 : vector<1x1x16xf32> to vector<16xf32>
      %get3A_1493 = arith.constant 0 : i32
      %get3A_1494 = arith.constant 11 : i32
      %get3A_1495 = arith.index_cast %get3A_1493 : i32 to index
      %get3A_1496 = arith.index_cast %get3A_1494 : i32 to index
      %get3A_1497 = arith.index_cast %mul3A_1416 : i32 to index
      %get3A_1498 = tpu.vector_load %arg4[%get3A_1495, %get3A_1496, %get3A_1497] {strides = array<i32>} : memref<2x16x2048xf32, #tpu.memory_space<vmem>>, vector<1x1x16xf32>,
      %get3A_1499 = vector.shape_cast %get3A_1498 : vector<1x1x16xf32> to vector<16xf32>
      %get3A_1500 = arith.constant 0 : i32
      %get3A_1501 = arith.constant 12 : i32
      %get3A_1502 = arith.index_cast %get3A_1500 : i32 to index
      %get3A_1503 = arith.index_cast %get3A_1501 : i32 to index
      %get3A_1504 = arith.index_cast %mul3A_1416 : i32 to index
      %get3A_1505 = tpu.vector_load %arg4[%get3A_1502, %get3A_1503, %get3A_1504] {strides = array<i32>} : memref<2x16x2048xf32, #tpu.memory_space<vmem>>, vector<1x1x16xf32>,
      %get3A_1506 = vector.shape_cast %get3A_1505 : vector<1x1x16xf32> to vector<16xf32>
      %get3A_1507 = arith.constant 0 : i32
      %get3A_1508 = arith.constant 13 : i32
      %get3A_1509 = arith.index_cast %get3A_1507 : i32 to index
      %get3A_1510 = arith.index_cast %get3A_1508 : i32 to index
      %get3A_1511 = arith.index_cast %mul3A_1416 : i32 to index
      %get3A_1512 = tpu.vector_load %arg4[%get3A_1509, %get3A_1510, %get3A_1511] {strides = array<i32>} : memref<2x16x2048xf32, #tpu.memory_space<vmem>>, vector<1x1x16xf32>,
      %get3A_1513 = vector.shape_cast %get3A_1512 : vector<1x1x16xf32> to vector<16xf32>
      %get3A_1514 = arith.constant 0 : i32
      %get3A_1515 = arith.constant 14 : i32
      %get3A_1516 = arith.index_cast %get3A_1514 : i32 to index
      %get3A_1517 = arith.index_cast %get3A_1515 : i32 to index
      %get3A_1518 = arith.index_cast %mul3A_1416 : i32 to index
      %get3A_1519 = tpu.vector_load %arg4[%get3A_1516, %get3A_1517, %get3A_1518] {strides = array<i32>} : memref<2x16x2048xf32, #tpu.memory_space<vmem>>, vector<1x1x16xf32>,
      %get3A_1520 = vector.shape_cast %get3A_1519 : vector<1x1x16xf32> to vector<16xf32>
      %get3A_1521 = arith.constant 0 : i32
      %get3A_1522 = arith.constant 15 : i32
      %get3A_1523 = arith.index_cast %get3A_1521 : i32 to index
      %get3A_1524 = arith.index_cast %get3A_1522 : i32 to index
      %get3A_1525 = arith.index_cast %mul3A_1416 : i32 to index
      %get3A_1526 = tpu.vector_load %arg4[%get3A_1523, %get3A_1524, %get3A_1525] {strides = array<i32>} : memref<2x16x2048xf32, #tpu.memory_space<vmem>>, vector<1x1x16xf32>,
      %get3A_1527 = vector.shape_cast %get3A_1526 : vector<1x1x16xf32> to vector<16xf32>
      %add3A_1528 = arith.addf %get3A_1422, %get3A_1429 : vector<16xf32>
      %add3A_1529 = arith.addf %get3A_1436, %get3A_1443 : vector<16xf32>
      %add3A_1530 = arith.addf %get3A_1450, %get3A_1457 : vector<16xf32>
      %add3A_1531 = arith.addf %get3A_1464, %get3A_1471 : vector<16xf32>
      %add3A_1532 = arith.addf %get3A_1478, %get3A_1485 : vector<16xf32>
      %add3A_1533 = arith.addf %get3A_1492, %get3A_1499 : vector<16xf32>
      %add3A_1534 = arith.addf %get3A_1506, %get3A_1513 : vector<16xf32>
      %add3A_1535 = arith.addf %get3A_1520, %get3A_1527 : vector<16xf32>
      %add3A_1536 = arith.addf %add3A_1528, %add3A_1529 : vector<16xf32>
      %add3A_1537 = arith.addf %add3A_1530, %add3A_1531 : vector<16xf32>
      %add3A_1538 = arith.addf %add3A_1532, %add3A_1533 : vector<16xf32>
      %add3A_1539 = arith.addf %add3A_1534, %add3A_1535 : vector<16xf32>
      %add3A_1540 = arith.addf %add3A_1536, %add3A_1537 : vector<16xf32>
      %add3A_1541 = arith.addf %add3A_1538, %add3A_1539 : vector<16xf32>
      %add3A_1542 = arith.addf %add3A_1540, %add3A_1541 : vector<16xf32>
      %get3A_1543 = arith.index_cast %mul3A_1416 : i32 to index
      %get3A_1544 = tpu.vector_load %arg5[%get3A_1543] {strides = array<i32>} : memref<2048xf32, #tpu.memory_space<vmem>>, vector<16xf32>,
      %get3A_1545 = vector.shape_cast %get3A_1544 : vector<16xf32> to vector<16xf32>
      %add3A_1546 = arith.addf %get3A_1545, %add3A_1542 : vector<16xf32>
      %swap3A_1547 = arith.index_cast %mul3A_1416 : i32 to index
      %swap3A_1548 = tpu.vector_load %arg5[%swap3A_1547] {strides = array<i32>} : memref<2048xf32, #tpu.memory_space<vmem>>, vector<16xf32>,
      %swap3A_1549 = vector.shape_cast %swap3A_1548 : vector<16xf32> to vector<16xf32>
      %swap3A_1550 = vector.shape_cast %add3A_1546 : vector<16xf32> to vector<16xf32>
      tpu.vector_store %arg5[%swap3A_1547], %swap3A_1550 {strides = array<i32>} : memref<2048xf32, #tpu.memory_space<vmem>>, vector<16xf32>,
      %scan3A_1551 = arith.constant 0 : i32
      %scan3A_1552 = arith.constant 1 : i32
      %scan3A_1553 = arith.addi %scan3A_1413, %scan3A_1552 : i32
      %mul3A_1554 = arith.constant 16 : i32
      %mul3A_1555 = arith.muli %scan3A_1553, %mul3A_1554 : i32
      %get3A_1556 = arith.constant 0 : i32
      %get3A_1557 = arith.constant 0 : i32
      %get3A_1558 = arith.index_cast %get3A_1556 : i32 to index
      %get3A_1559 = arith.index_cast %get3A_1557 : i32 to index
      %get3A_1560 = arith.index_cast %mul3A_1555 : i32 to index
      %get3A_1561 = tpu.vector_load %arg4[%get3A_1558, %get3A_1559, %get3A_1560] {strides = array<i32>} : memref<2x16x2048xf32, #tpu.memory_space<vmem>>, vector<1x1x16xf32>,
      %get3A_1562 = vector.shape_cast %get3A_1561 : vector<1x1x16xf32> to vector<16xf32>
      %get3A_1563 = arith.constant 0 : i32
      %get3A_1564 = arith.constant 1 : i32
      %get3A_1565 = arith.index_cast %get3A_1563 : i32 to index
      %get3A_1566 = arith.index_cast %get3A_1564 : i32 to index
      %get3A_1567 = arith.index_cast %mul3A_1555 : i32 to index
      %get3A_1568 = tpu.vector_load %arg4[%get3A_1565, %get3A_1566, %get3A_1567] {strides = array<i32>} : memref<2x16x2048xf32, #tpu.memory_space<vmem>>, vector<1x1x16xf32>,
      %get3A_1569 = vector.shape_cast %get3A_1568 : vector<1x1x16xf32> to vector<16xf32>
      %get3A_1570 = arith.constant 0 : i32
      %get3A_1571 = arith.constant 2 : i32
      %get3A_1572 = arith.index_cast %get3A_1570 : i32 to index
      %get3A_1573 = arith.index_cast %get3A_1571 : i32 to index
      %get3A_1574 = arith.index_cast %mul3A_1555 : i32 to index
      %get3A_1575 = tpu.vector_load %arg4[%get3A_1572, %get3A_1573, %get3A_1574] {strides = array<i32>} : memref<2x16x2048xf32, #tpu.memory_space<vmem>>, vector<1x1x16xf32>,
      %get3A_1576 = vector.shape_cast %get3A_1575 : vector<1x1x16xf32> to vector<16xf32>
      %get3A_1577 = arith.constant 0 : i32
      %get3A_1578 = arith.constant 3 : i32
      %get3A_1579 = arith.index_cast %get3A_1577 : i32 to index
      %get3A_1580 = arith.index_cast %get3A_1578 : i32 to index
      %get3A_1581 = arith.index_cast %mul3A_1555 : i32 to index
      %get3A_1582 = tpu.vector_load %arg4[%get3A_1579, %get3A_1580, %get3A_1581] {strides = array<i32>} : memref<2x16x2048xf32, #tpu.memory_space<vmem>>, vector<1x1x16xf32>,
      %get3A_1583 = vector.shape_cast %get3A_1582 : vector<1x1x16xf32> to vector<16xf32>
      %get3A_1584 = arith.constant 0 : i32
      %get3A_1585 = arith.constant 4 : i32
      %get3A_1586 = arith.index_cast %get3A_1584 : i32 to index
      %get3A_1587 = arith.index_cast %get3A_1585 : i32 to index
      %get3A_1588 = arith.index_cast %mul3A_1555 : i32 to index
      %get3A_1589 = tpu.vector_load %arg4[%get3A_1586, %get3A_1587, %get3A_1588] {strides = array<i32>} : memref<2x16x2048xf32, #tpu.memory_space<vmem>>, vector<1x1x16xf32>,
      %get3A_1590 = vector.shape_cast %get3A_1589 : vector<1x1x16xf32> to vector<16xf32>
      %get3A_1591 = arith.constant 0 : i32
      %get3A_1592 = arith.constant 5 : i32
      %get3A_1593 = arith.index_cast %get3A_1591 : i32 to index
      %get3A_1594 = arith.index_cast %get3A_1592 : i32 to index
      %get3A_1595 = arith.index_cast %mul3A_1555 : i32 to index
      %get3A_1596 = tpu.vector_load %arg4[%get3A_1593, %get3A_1594, %get3A_1595] {strides = array<i32>} : memref<2x16x2048xf32, #tpu.memory_space<vmem>>, vector<1x1x16xf32>,
      %get3A_1597 = vector.shape_cast %get3A_1596 : vector<1x1x16xf32> to vector<16xf32>
      %get3A_1598 = arith.constant 0 : i32
      %get3A_1599 = arith.constant 6 : i32
      %get3A_1600 = arith.index_cast %get3A_1598 : i32 to index
      %get3A_1601 = arith.index_cast %get3A_1599 : i32 to index
      %get3A_1602 = arith.index_cast %mul3A_1555 : i32 to index
      %get3A_1603 = tpu.vector_load %arg4[%get3A_1600, %get3A_1601, %get3A_1602] {strides = array<i32>} : memref<2x16x2048xf32, #tpu.memory_space<vmem>>, vector<1x1x16xf32>,
      %get3A_1604 = vector.shape_cast %get3A_1603 : vector<1x1x16xf32> to vector<16xf32>
      %get3A_1605 = arith.constant 0 : i32
      %get3A_1606 = arith.constant 7 : i32
      %get3A_1607 = arith.index_cast %get3A_1605 : i32 to index
      %get3A_1608 = arith.index_cast %get3A_1606 : i32 to index
      %get3A_1609 = arith.index_cast %mul3A_1555 : i32 to index
      %get3A_1610 = tpu.vector_load %arg4[%get3A_1607, %get3A_1608, %get3A_1609] {strides = array<i32>} : memref<2x16x2048xf32, #tpu.memory_space<vmem>>, vector<1x1x16xf32>,
      %get3A_1611 = vector.shape_cast %get3A_1610 : vector<1x1x16xf32> to vector<16xf32>
      %get3A_1612 = arith.constant 0 : i32
      %get3A_1613 = arith.constant 8 : i32
      %get3A_1614 = arith.index_cast %get3A_1612 : i32 to index
      %get3A_1615 = arith.index_cast %get3A_1613 : i32 to index
      %get3A_1616 = arith.index_cast %mul3A_1555 : i32 to index
      %get3A_1617 = tpu.vector_load %arg4[%get3A_1614, %get3A_1615, %get3A_1616] {strides = array<i32>} : memref<2x16x2048xf32, #tpu.memory_space<vmem>>, vector<1x1x16xf32>,
      %get3A_1618 = vector.shape_cast %get3A_1617 : vector<1x1x16xf32> to vector<16xf32>
      %get3A_1619 = arith.constant 0 : i32
      %get3A_1620 = arith.constant 9 : i32
      %get3A_1621 = arith.index_cast %get3A_1619 : i32 to index
      %get3A_1622 = arith.index_cast %get3A_1620 : i32 to index
      %get3A_1623 = arith.index_cast %mul3A_1555 : i32 to index
      %get3A_1624 = tpu.vector_load %arg4[%get3A_1621, %get3A_1622, %get3A_1623] {strides = array<i32>} : memref<2x16x2048xf32, #tpu.memory_space<vmem>>, vector<1x1x16xf32>,
      %get3A_1625 = vector.shape_cast %get3A_1624 : vector<1x1x16xf32> to vector<16xf32>
      %get3A_1626 = arith.constant 0 : i32
      %get3A_1627 = arith.constant 10 : i32
      %get3A_1628 = arith.index_cast %get3A_1626 : i32 to index
      %get3A_1629 = arith.index_cast %get3A_1627 : i32 to index
      %get3A_1630 = arith.index_cast %mul3A_1555 : i32 to index
      %get3A_1631 = tpu.vector_load %arg4[%get3A_1628, %get3A_1629, %get3A_1630] {strides = array<i32>} : memref<2x16x2048xf32, #tpu.memory_space<vmem>>, vector<1x1x16xf32>,
      %get3A_1632 = vector.shape_cast %get3A_1631 : vector<1x1x16xf32> to vector<16xf32>
      %get3A_1633 = arith.constant 0 : i32
      %get3A_1634 = arith.constant 11 : i32
      %get3A_1635 = arith.index_cast %get3A_1633 : i32 to index
      %get3A_1636 = arith.index_cast %get3A_1634 : i32 to index
      %get3A_1637 = arith.index_cast %mul3A_1555 : i32 to index
      %get3A_1638 = tpu.vector_load %arg4[%get3A_1635, %get3A_1636, %get3A_1637] {strides = array<i32>} : memref<2x16x2048xf32, #tpu.memory_space<vmem>>, vector<1x1x16xf32>,
      %get3A_1639 = vector.shape_cast %get3A_1638 : vector<1x1x16xf32> to vector<16xf32>
      %get3A_1640 = arith.constant 0 : i32
      %get3A_1641 = arith.constant 12 : i32
      %get3A_1642 = arith.index_cast %get3A_1640 : i32 to index
      %get3A_1643 = arith.index_cast %get3A_1641 : i32 to index
      %get3A_1644 = arith.index_cast %mul3A_1555 : i32 to index
      %get3A_1645 = tpu.vector_load %arg4[%get3A_1642, %get3A_1643, %get3A_1644] {strides = array<i32>} : memref<2x16x2048xf32, #tpu.memory_space<vmem>>, vector<1x1x16xf32>,
      %get3A_1646 = vector.shape_cast %get3A_1645 : vector<1x1x16xf32> to vector<16xf32>
      %get3A_1647 = arith.constant 0 : i32
      %get3A_1648 = arith.constant 13 : i32
      %get3A_1649 = arith.index_cast %get3A_1647 : i32 to index
      %get3A_1650 = arith.index_cast %get3A_1648 : i32 to index
      %get3A_1651 = arith.index_cast %mul3A_1555 : i32 to index
      %get3A_1652 = tpu.vector_load %arg4[%get3A_1649, %get3A_1650, %get3A_1651] {strides = array<i32>} : memref<2x16x2048xf32, #tpu.memory_space<vmem>>, vector<1x1x16xf32>,
      %get3A_1653 = vector.shape_cast %get3A_1652 : vector<1x1x16xf32> to vector<16xf32>
      %get3A_1654 = arith.constant 0 : i32
      %get3A_1655 = arith.constant 14 : i32
      %get3A_1656 = arith.index_cast %get3A_1654 : i32 to index
      %get3A_1657 = arith.index_cast %get3A_1655 : i32 to index
      %get3A_1658 = arith.index_cast %mul3A_1555 : i32 to index
      %get3A_1659 = tpu.vector_load %arg4[%get3A_1656, %get3A_1657, %get3A_1658] {strides = array<i32>} : memref<2x16x2048xf32, #tpu.memory_space<vmem>>, vector<1x1x16xf32>,
      %get3A_1660 = vector.shape_cast %get3A_1659 : vector<1x1x16xf32> to vector<16xf32>
      %get3A_1661 = arith.constant 0 : i32
      %get3A_1662 = arith.constant 15 : i32
      %get3A_1663 = arith.index_cast %get3A_1661 : i32 to index
      %get3A_1664 = arith.index_cast %get3A_1662 : i32 to index
      %get3A_1665 = arith.index_cast %mul3A_1555 : i32 to index
      %get3A_1666 = tpu.vector_load %arg4[%get3A_1663, %get3A_1664, %get3A_1665] {strides = array<i32>} : memref<2x16x2048xf32, #tpu.memory_space<vmem>>, vector<1x1x16xf32>,
      %get3A_1667 = vector.shape_cast %get3A_1666 : vector<1x1x16xf32> to vector<16xf32>
      %add3A_1668 = arith.addf %get3A_1562, %get3A_1569 : vector<16xf32>
      %add3A_1669 = arith.addf %get3A_1576, %get3A_1583 : vector<16xf32>
      %add3A_1670 = arith.addf %get3A_1590, %get3A_1597 : vector<16xf32>
      %add3A_1671 = arith.addf %get3A_1604, %get3A_1611 : vector<16xf32>
      %add3A_1672 = arith.addf %get3A_1618, %get3A_1625 : vector<16xf32>
      %add3A_1673 = arith.addf %get3A_1632, %get3A_1639 : vector<16xf32>
      %add3A_1674 = arith.addf %get3A_1646, %get3A_1653 : vector<16xf32>
      %add3A_1675 = arith.addf %get3A_1660, %get3A_1667 : vector<16xf32>
      %add3A_1676 = arith.addf %add3A_1668, %add3A_1669 : vector<16xf32>
      %add3A_1677 = arith.addf %add3A_1670, %add3A_1671 : vector<16xf32>
      %add3A_1678 = arith.addf %add3A_1672, %add3A_1673 : vector<16xf32>
      %add3A_1679 = arith.addf %add3A_1674, %add3A_1675 : vector<16xf32>
      %add3A_1680 = arith.addf %add3A_1676, %add3A_1677 : vector<16xf32>
      %add3A_1681 = arith.addf %add3A_1678, %add3A_1679 : vector<16xf32>
      %add3A_1682 = arith.addf %add3A_1680, %add3A_1681 : vector<16xf32>
      %get3A_1683 = arith.index_cast %mul3A_1555 : i32 to index
      %get3A_1684 = tpu.vector_load %arg5[%get3A_1683] {strides = array<i32>} : memref<2048xf32, #tpu.memory_space<vmem>>, vector<16xf32>,
      %get3A_1685 = vector.shape_cast %get3A_1684 : vector<16xf32> to vector<16xf32>
      %add3A_1686 = arith.addf %get3A_1685, %add3A_1682 : vector<16xf32>
      %swap3A_1687 = arith.index_cast %mul3A_1555 : i32 to index
      %swap3A_1688 = tpu.vector_load %arg5[%swap3A_1687] {strides = array<i32>} : memref<2048xf32, #tpu.memory_space<vmem>>, vector<16xf32>,
      %swap3A_1689 = vector.shape_cast %swap3A_1688 : vector<16xf32> to vector<16xf32>
      %swap3A_1690 = vector.shape_cast %add3A_1686 : vector<16xf32> to vector<16xf32>
      tpu.vector_store %arg5[%swap3A_1687], %swap3A_1690 {strides = array<i32>} : memref<2048xf32, #tpu.memory_space<vmem>>, vector<16xf32>,
      %scan3A_1691 = arith.constant 0 : i32
      %scan3A_1692 = arith.constant 2 : i32
      %scan3A_1693 = arith.addi %scan3A_1413, %scan3A_1692 : i32
      %mul3A_1694 = arith.constant 16 : i32
      %mul3A_1695 = arith.muli %scan3A_1693, %mul3A_1694 : i32
      %get3A_1696 = arith.constant 0 : i32
      %get3A_1697 = arith.constant 0 : i32
      %get3A_1698 = arith.index_cast %get3A_1696 : i32 to index
      %get3A_1699 = arith.index_cast %get3A_1697 : i32 to index
      %get3A_1700 = arith.index_cast %mul3A_1695 : i32 to index
      %get3A_1701 = tpu.vector_load %arg4[%get3A_1698, %get3A_1699, %get3A_1700] {strides = array<i32>} : memref<2x16x2048xf32, #tpu.memory_space<vmem>>, vector<1x1x16xf32>,
      %get3A_1702 = vector.shape_cast %get3A_1701 : vector<1x1x16xf32> to vector<16xf32>
      %get3A_1703 = arith.constant 0 : i32
      %get3A_1704 = arith.constant 1 : i32
      %get3A_1705 = arith.index_cast %get3A_1703 : i32 to index
      %get3A_1706 = arith.index_cast %get3A_1704 : i32 to index
      %get3A_1707 = arith.index_cast %mul3A_1695 : i32 to index
      %get3A_1708 = tpu.vector_load %arg4[%get3A_1705, %get3A_1706, %get3A_1707] {strides = array<i32>} : memref<2x16x2048xf32, #tpu.memory_space<vmem>>, vector<1x1x16xf32>,
      %get3A_1709 = vector.shape_cast %get3A_1708 : vector<1x1x16xf32> to vector<16xf32>
      %get3A_1710 = arith.constant 0 : i32
      %get3A_1711 = arith.constant 2 : i32
      %get3A_1712 = arith.index_cast %get3A_1710 : i32 to index
      %get3A_1713 = arith.index_cast %get3A_1711 : i32 to index
      %get3A_1714 = arith.index_cast %mul3A_1695 : i32 to index
      %get3A_1715 = tpu.vector_load %arg4[%get3A_1712, %get3A_1713, %get3A_1714] {strides = array<i32>} : memref<2x16x2048xf32, #tpu.memory_space<vmem>>, vector<1x1x16xf32>,
      %get3A_1716 = vector.shape_cast %get3A_1715 : vector<1x1x16xf32> to vector<16xf32>
      %get3A_1717 = arith.constant 0 : i32
      %get3A_1718 = arith.constant 3 : i32
      %get3A_1719 = arith.index_cast %get3A_1717 : i32 to index
      %get3A_1720 = arith.index_cast %get3A_1718 : i32 to index
      %get3A_1721 = arith.index_cast %mul3A_1695 : i32 to index
      %get3A_1722 = tpu.vector_load %arg4[%get3A_1719, %get3A_1720, %get3A_1721] {strides = array<i32>} : memref<2x16x2048xf32, #tpu.memory_space<vmem>>, vector<1x1x16xf32>,
      %get3A_1723 = vector.shape_cast %get3A_1722 : vector<1x1x16xf32> to vector<16xf32>
      %get3A_1724 = arith.constant 0 : i32
      %get3A_1725 = arith.constant 4 : i32
      %get3A_1726 = arith.index_cast %get3A_1724 : i32 to index
      %get3A_1727 = arith.index_cast %get3A_1725 : i32 to index
      %get3A_1728 = arith.index_cast %mul3A_1695 : i32 to index
      %get3A_1729 = tpu.vector_load %arg4[%get3A_1726, %get3A_1727, %get3A_1728] {strides = array<i32>} : memref<2x16x2048xf32, #tpu.memory_space<vmem>>, vector<1x1x16xf32>,
      %get3A_1730 = vector.shape_cast %get3A_1729 : vector<1x1x16xf32> to vector<16xf32>
      %get3A_1731 = arith.constant 0 : i32
      %get3A_1732 = arith.constant 5 : i32
      %get3A_1733 = arith.index_cast %get3A_1731 : i32 to index
      %get3A_1734 = arith.index_cast %get3A_1732 : i32 to index
      %get3A_1735 = arith.index_cast %mul3A_1695 : i32 to index
      %get3A_1736 = tpu.vector_load %arg4[%get3A_1733, %get3A_1734, %get3A_1735] {strides = array<i32>} : memref<2x16x2048xf32, #tpu.memory_space<vmem>>, vector<1x1x16xf32>,
      %get3A_1737 = vector.shape_cast %get3A_1736 : vector<1x1x16xf32> to vector<16xf32>
      %get3A_1738 = arith.constant 0 : i32
      %get3A_1739 = arith.constant 6 : i32
      %get3A_1740 = arith.index_cast %get3A_1738 : i32 to index
      %get3A_1741 = arith.index_cast %get3A_1739 : i32 to index
      %get3A_1742 = arith.index_cast %mul3A_1695 : i32 to index
      %get3A_1743 = tpu.vector_load %arg4[%get3A_1740, %get3A_1741, %get3A_1742] {strides = array<i32>} : memref<2x16x2048xf32, #tpu.memory_space<vmem>>, vector<1x1x16xf32>,
      %get3A_1744 = vector.shape_cast %get3A_1743 : vector<1x1x16xf32> to vector<16xf32>
      %get3A_1745 = arith.constant 0 : i32
      %get3A_1746 = arith.constant 7 : i32
      %get3A_1747 = arith.index_cast %get3A_1745 : i32 to index
      %get3A_1748 = arith.index_cast %get3A_1746 : i32 to index
      %get3A_1749 = arith.index_cast %mul3A_1695 : i32 to index
      %get3A_1750 = tpu.vector_load %arg4[%get3A_1747, %get3A_1748, %get3A_1749] {strides = array<i32>} : memref<2x16x2048xf32, #tpu.memory_space<vmem>>, vector<1x1x16xf32>,
      %get3A_1751 = vector.shape_cast %get3A_1750 : vector<1x1x16xf32> to vector<16xf32>
      %get3A_1752 = arith.constant 0 : i32
      %get3A_1753 = arith.constant 8 : i32
      %get3A_1754 = arith.index_cast %get3A_1752 : i32 to index
      %get3A_1755 = arith.index_cast %get3A_1753 : i32 to index
      %get3A_1756 = arith.index_cast %mul3A_1695 : i32 to index
      %get3A_1757 = tpu.vector_load %arg4[%get3A_1754, %get3A_1755, %get3A_1756] {strides = array<i32>} : memref<2x16x2048xf32, #tpu.memory_space<vmem>>, vector<1x1x16xf32>,
      %get3A_1758 = vector.shape_cast %get3A_1757 : vector<1x1x16xf32> to vector<16xf32>
      %get3A_1759 = arith.constant 0 : i32
      %get3A_1760 = arith.constant 9 : i32
      %get3A_1761 = arith.index_cast %get3A_1759 : i32 to index
      %get3A_1762 = arith.index_cast %get3A_1760 : i32 to index
      %get3A_1763 = arith.index_cast %mul3A_1695 : i32 to index
      %get3A_1764 = tpu.vector_load %arg4[%get3A_1761, %get3A_1762, %get3A_1763] {strides = array<i32>} : memref<2x16x2048xf32, #tpu.memory_space<vmem>>, vector<1x1x16xf32>,
      %get3A_1765 = vector.shape_cast %get3A_1764 : vector<1x1x16xf32> to vector<16xf32>
      %get3A_1766 = arith.constant 0 : i32
      %get3A_1767 = arith.constant 10 : i32
      %get3A_1768 = arith.index_cast %get3A_1766 : i32 to index
      %get3A_1769 = arith.index_cast %get3A_1767 : i32 to index
      %get3A_1770 = arith.index_cast %mul3A_1695 : i32 to index
      %get3A_1771 = tpu.vector_load %arg4[%get3A_1768, %get3A_1769, %get3A_1770] {strides = array<i32>} : memref<2x16x2048xf32, #tpu.memory_space<vmem>>, vector<1x1x16xf32>,
      %get3A_1772 = vector.shape_cast %get3A_1771 : vector<1x1x16xf32> to vector<16xf32>
      %get3A_1773 = arith.constant 0 : i32
      %get3A_1774 = arith.constant 11 : i32
      %get3A_1775 = arith.index_cast %get3A_1773 : i32 to index
      %get3A_1776 = arith.index_cast %get3A_1774 : i32 to index
      %get3A_1777 = arith.index_cast %mul3A_1695 : i32 to index
      %get3A_1778 = tpu.vector_load %arg4[%get3A_1775, %get3A_1776, %get3A_1777] {strides = array<i32>} : memref<2x16x2048xf32, #tpu.memory_space<vmem>>, vector<1x1x16xf32>,
      %get3A_1779 = vector.shape_cast %get3A_1778 : vector<1x1x16xf32> to vector<16xf32>
      %get3A_1780 = arith.constant 0 : i32
      %get3A_1781 = arith.constant 12 : i32
      %get3A_1782 = arith.index_cast %get3A_1780 : i32 to index
      %get3A_1783 = arith.index_cast %get3A_1781 : i32 to index
      %get3A_1784 = arith.index_cast %mul3A_1695 : i32 to index
      %get3A_1785 = tpu.vector_load %arg4[%get3A_1782, %get3A_1783, %get3A_1784] {strides = array<i32>} : memref<2x16x2048xf32, #tpu.memory_space<vmem>>, vector<1x1x16xf32>,
      %get3A_1786 = vector.shape_cast %get3A_1785 : vector<1x1x16xf32> to vector<16xf32>
      %get3A_1787 = arith.constant 0 : i32
      %get3A_1788 = arith.constant 13 : i32
      %get3A_1789 = arith.index_cast %get3A_1787 : i32 to index
      %get3A_1790 = arith.index_cast %get3A_1788 : i32 to index
      %get3A_1791 = arith.index_cast %mul3A_1695 : i32 to index
      %get3A_1792 = tpu.vector_load %arg4[%get3A_1789, %get3A_1790, %get3A_1791] {strides = array<i32>} : memref<2x16x2048xf32, #tpu.memory_space<vmem>>, vector<1x1x16xf32>,
      %get3A_1793 = vector.shape_cast %get3A_1792 : vector<1x1x16xf32> to vector<16xf32>
      %get3A_1794 = arith.constant 0 : i32
      %get3A_1795 = arith.constant 14 : i32
      %get3A_1796 = arith.index_cast %get3A_1794 : i32 to index
      %get3A_1797 = arith.index_cast %get3A_1795 : i32 to index
      %get3A_1798 = arith.index_cast %mul3A_1695 : i32 to index
      %get3A_1799 = tpu.vector_load %arg4[%get3A_1796, %get3A_1797, %get3A_1798] {strides = array<i32>} : memref<2x16x2048xf32, #tpu.memory_space<vmem>>, vector<1x1x16xf32>,
      %get3A_1800 = vector.shape_cast %get3A_1799 : vector<1x1x16xf32> to vector<16xf32>
      %get3A_1801 = arith.constant 0 : i32
      %get3A_1802 = arith.constant 15 : i32
      %get3A_1803 = arith.index_cast %get3A_1801 : i32 to index
      %get3A_1804 = arith.index_cast %get3A_1802 : i32 to index
      %get3A_1805 = arith.index_cast %mul3A_1695 : i32 to index
      %get3A_1806 = tpu.vector_load %arg4[%get3A_1803, %get3A_1804, %get3A_1805] {strides = array<i32>} : memref<2x16x2048xf32, #tpu.memory_space<vmem>>, vector<1x1x16xf32>,
      %get3A_1807 = vector.shape_cast %get3A_1806 : vector<1x1x16xf32> to vector<16xf32>
      %add3A_1808 = arith.addf %get3A_1702, %get3A_1709 : vector<16xf32>
      %add3A_1809 = arith.addf %get3A_1716, %get3A_1723 : vector<16xf32>
      %add3A_1810 = arith.addf %get3A_1730, %get3A_1737 : vector<16xf32>
      %add3A_1811 = arith.addf %get3A_1744, %get3A_1751 : vector<16xf32>
      %add3A_1812 = arith.addf %get3A_1758, %get3A_1765 : vector<16xf32>
      %add3A_1813 = arith.addf %get3A_1772, %get3A_1779 : vector<16xf32>
      %add3A_1814 = arith.addf %get3A_1786, %get3A_1793 : vector<16xf32>
      %add3A_1815 = arith.addf %get3A_1800, %get3A_1807 : vector<16xf32>
      %add3A_1816 = arith.addf %add3A_1808, %add3A_1809 : vector<16xf32>
      %add3A_1817 = arith.addf %add3A_1810, %add3A_1811 : vector<16xf32>
      %add3A_1818 = arith.addf %add3A_1812, %add3A_1813 : vector<16xf32>
      %add3A_1819 = arith.addf %add3A_1814, %add3A_1815 : vector<16xf32>
      %add3A_1820 = arith.addf %add3A_1816, %add3A_1817 : vector<16xf32>
      %add3A_1821 = arith.addf %add3A_1818, %add3A_1819 : vector<16xf32>
      %add3A_1822 = arith.addf %add3A_1820, %add3A_1821 : vector<16xf32>
      %get3A_1823 = arith.index_cast %mul3A_1695 : i32 to index
      %get3A_1824 = tpu.vector_load %arg5[%get3A_1823] {strides = array<i32>} : memref<2048xf32, #tpu.memory_space<vmem>>, vector<16xf32>,
      %get3A_1825 = vector.shape_cast %get3A_1824 : vector<16xf32> to vector<16xf32>
      %add3A_1826 = arith.addf %get3A_1825, %add3A_1822 : vector<16xf32>
      %swap3A_1827 = arith.index_cast %mul3A_1695 : i32 to index
      %swap3A_1828 = tpu.vector_load %arg5[%swap3A_1827] {strides = array<i32>} : memref<2048xf32, #tpu.memory_space<vmem>>, vector<16xf32>,
      %swap3A_1829 = vector.shape_cast %swap3A_1828 : vector<16xf32> to vector<16xf32>
      %swap3A_1830 = vector.shape_cast %add3A_1826 : vector<16xf32> to vector<16xf32>
      tpu.vector_store %arg5[%swap3A_1827], %swap3A_1830 {strides = array<i32>} : memref<2048xf32, #tpu.memory_space<vmem>>, vector<16xf32>,
      %scan3A_1831 = arith.constant 0 : i32
      %scan3A_1832 = arith.constant 3 : i32
      %scan3A_1833 = arith.addi %scan3A_1413, %scan3A_1832 : i32
      %mul3A_1834 = arith.constant 16 : i32
      %mul3A_1835 = arith.muli %scan3A_1833, %mul3A_1834 : i32
      %get3A_1836 = arith.constant 0 : i32
      %get3A_1837 = arith.constant 0 : i32
      %get3A_1838 = arith.index_cast %get3A_1836 : i32 to index
      %get3A_1839 = arith.index_cast %get3A_1837 : i32 to index
      %get3A_1840 = arith.index_cast %mul3A_1835 : i32 to index
      %get3A_1841 = tpu.vector_load %arg4[%get3A_1838, %get3A_1839, %get3A_1840] {strides = array<i32>} : memref<2x16x2048xf32, #tpu.memory_space<vmem>>, vector<1x1x16xf32>,
      %get3A_1842 = vector.shape_cast %get3A_1841 : vector<1x1x16xf32> to vector<16xf32>
      %get3A_1843 = arith.constant 0 : i32
      %get3A_1844 = arith.constant 1 : i32
      %get3A_1845 = arith.index_cast %get3A_1843 : i32 to index
      %get3A_1846 = arith.index_cast %get3A_1844 : i32 to index
      %get3A_1847 = arith.index_cast %mul3A_1835 : i32 to index
      %get3A_1848 = tpu.vector_load %arg4[%get3A_1845, %get3A_1846, %get3A_1847] {strides = array<i32>} : memref<2x16x2048xf32, #tpu.memory_space<vmem>>, vector<1x1x16xf32>,
      %get3A_1849 = vector.shape_cast %get3A_1848 : vector<1x1x16xf32> to vector<16xf32>
      %get3A_1850 = arith.constant 0 : i32
      %get3A_1851 = arith.constant 2 : i32
      %get3A_1852 = arith.index_cast %get3A_1850 : i32 to index
      %get3A_1853 = arith.index_cast %get3A_1851 : i32 to index
      %get3A_1854 = arith.index_cast %mul3A_1835 : i32 to index
      %get3A_1855 = tpu.vector_load %arg4[%get3A_1852, %get3A_1853, %get3A_1854] {strides = array<i32>} : memref<2x16x2048xf32, #tpu.memory_space<vmem>>, vector<1x1x16xf32>,
      %get3A_1856 = vector.shape_cast %get3A_1855 : vector<1x1x16xf32> to vector<16xf32>
      %get3A_1857 = arith.constant 0 : i32
      %get3A_1858 = arith.constant 3 : i32
      %get3A_1859 = arith.index_cast %get3A_1857 : i32 to index
      %get3A_1860 = arith.index_cast %get3A_1858 : i32 to index
      %get3A_1861 = arith.index_cast %mul3A_1835 : i32 to index
      %get3A_1862 = tpu.vector_load %arg4[%get3A_1859, %get3A_1860, %get3A_1861] {strides = array<i32>} : memref<2x16x2048xf32, #tpu.memory_space<vmem>>, vector<1x1x16xf32>,
      %get3A_1863 = vector.shape_cast %get3A_1862 : vector<1x1x16xf32> to vector<16xf32>
      %get3A_1864 = arith.constant 0 : i32
      %get3A_1865 = arith.constant 4 : i32
      %get3A_1866 = arith.index_cast %get3A_1864 : i32 to index
      %get3A_1867 = arith.index_cast %get3A_1865 : i32 to index
      %get3A_1868 = arith.index_cast %mul3A_1835 : i32 to index
      %get3A_1869 = tpu.vector_load %arg4[%get3A_1866, %get3A_1867, %get3A_1868] {strides = array<i32>} : memref<2x16x2048xf32, #tpu.memory_space<vmem>>, vector<1x1x16xf32>,
      %get3A_1870 = vector.shape_cast %get3A_1869 : vector<1x1x16xf32> to vector<16xf32>
      %get3A_1871 = arith.constant 0 : i32
      %get3A_1872 = arith.constant 5 : i32
      %get3A_1873 = arith.index_cast %get3A_1871 : i32 to index
      %get3A_1874 = arith.index_cast %get3A_1872 : i32 to index
      %get3A_1875 = arith.index_cast %mul3A_1835 : i32 to index
      %get3A_1876 = tpu.vector_load %arg4[%get3A_1873, %get3A_1874, %get3A_1875] {strides = array<i32>} : memref<2x16x2048xf32, #tpu.memory_space<vmem>>, vector<1x1x16xf32>,
      %get3A_1877 = vector.shape_cast %get3A_1876 : vector<1x1x16xf32> to vector<16xf32>
      %get3A_1878 = arith.constant 0 : i32
      %get3A_1879 = arith.constant 6 : i32
      %get3A_1880 = arith.index_cast %get3A_1878 : i32 to index
      %get3A_1881 = arith.index_cast %get3A_1879 : i32 to index
      %get3A_1882 = arith.index_cast %mul3A_1835 : i32 to index
      %get3A_1883 = tpu.vector_load %arg4[%get3A_1880, %get3A_1881, %get3A_1882] {strides = array<i32>} : memref<2x16x2048xf32, #tpu.memory_space<vmem>>, vector<1x1x16xf32>,
      %get3A_1884 = vector.shape_cast %get3A_1883 : vector<1x1x16xf32> to vector<16xf32>
      %get3A_1885 = arith.constant 0 : i32
      %get3A_1886 = arith.constant 7 : i32
      %get3A_1887 = arith.index_cast %get3A_1885 : i32 to index
      %get3A_1888 = arith.index_cast %get3A_1886 : i32 to index
      %get3A_1889 = arith.index_cast %mul3A_1835 : i32 to index
      %get3A_1890 = tpu.vector_load %arg4[%get3A_1887, %get3A_1888, %get3A_1889] {strides = array<i32>} : memref<2x16x2048xf32, #tpu.memory_space<vmem>>, vector<1x1x16xf32>,
      %get3A_1891 = vector.shape_cast %get3A_1890 : vector<1x1x16xf32> to vector<16xf32>
      %get3A_1892 = arith.constant 0 : i32
      %get3A_1893 = arith.constant 8 : i32
      %get3A_1894 = arith.index_cast %get3A_1892 : i32 to index
      %get3A_1895 = arith.index_cast %get3A_1893 : i32 to index
      %get3A_1896 = arith.index_cast %mul3A_1835 : i32 to index
      %get3A_1897 = tpu.vector_load %arg4[%get3A_1894, %get3A_1895, %get3A_1896] {strides = array<i32>} : memref<2x16x2048xf32, #tpu.memory_space<vmem>>, vector<1x1x16xf32>,
      %get3A_1898 = vector.shape_cast %get3A_1897 : vector<1x1x16xf32> to vector<16xf32>
      %get3A_1899 = arith.constant 0 : i32
      %get3A_1900 = arith.constant 9 : i32
      %get3A_1901 = arith.index_cast %get3A_1899 : i32 to index
      %get3A_1902 = arith.index_cast %get3A_1900 : i32 to index
      %get3A_1903 = arith.index_cast %mul3A_1835 : i32 to index
      %get3A_1904 = tpu.vector_load %arg4[%get3A_1901, %get3A_1902, %get3A_1903] {strides = array<i32>} : memref<2x16x2048xf32, #tpu.memory_space<vmem>>, vector<1x1x16xf32>,
      %get3A_1905 = vector.shape_cast %get3A_1904 : vector<1x1x16xf32> to vector<16xf32>
      %get3A_1906 = arith.constant 0 : i32
      %get3A_1907 = arith.constant 10 : i32
      %get3A_1908 = arith.index_cast %get3A_1906 : i32 to index
      %get3A_1909 = arith.index_cast %get3A_1907 : i32 to index
      %get3A_1910 = arith.index_cast %mul3A_1835 : i32 to index
      %get3A_1911 = tpu.vector_load %arg4[%get3A_1908, %get3A_1909, %get3A_1910] {strides = array<i32>} : memref<2x16x2048xf32, #tpu.memory_space<vmem>>, vector<1x1x16xf32>,
      %get3A_1912 = vector.shape_cast %get3A_1911 : vector<1x1x16xf32> to vector<16xf32>
      %get3A_1913 = arith.constant 0 : i32
      %get3A_1914 = arith.constant 11 : i32
      %get3A_1915 = arith.index_cast %get3A_1913 : i32 to index
      %get3A_1916 = arith.index_cast %get3A_1914 : i32 to index
      %get3A_1917 = arith.index_cast %mul3A_1835 : i32 to index
      %get3A_1918 = tpu.vector_load %arg4[%get3A_1915, %get3A_1916, %get3A_1917] {strides = array<i32>} : memref<2x16x2048xf32, #tpu.memory_space<vmem>>, vector<1x1x16xf32>,
      %get3A_1919 = vector.shape_cast %get3A_1918 : vector<1x1x16xf32> to vector<16xf32>
      %get3A_1920 = arith.constant 0 : i32
      %get3A_1921 = arith.constant 12 : i32
      %get3A_1922 = arith.index_cast %get3A_1920 : i32 to index
      %get3A_1923 = arith.index_cast %get3A_1921 : i32 to index
      %get3A_1924 = arith.index_cast %mul3A_1835 : i32 to index
      %get3A_1925 = tpu.vector_load %arg4[%get3A_1922, %get3A_1923, %get3A_1924] {strides = array<i32>} : memref<2x16x2048xf32, #tpu.memory_space<vmem>>, vector<1x1x16xf32>,
      %get3A_1926 = vector.shape_cast %get3A_1925 : vector<1x1x16xf32> to vector<16xf32>
      %get3A_1927 = arith.constant 0 : i32
      %get3A_1928 = arith.constant 13 : i32
      %get3A_1929 = arith.index_cast %get3A_1927 : i32 to index
      %get3A_1930 = arith.index_cast %get3A_1928 : i32 to index
      %get3A_1931 = arith.index_cast %mul3A_1835 : i32 to index
      %get3A_1932 = tpu.vector_load %arg4[%get3A_1929, %get3A_1930, %get3A_1931] {strides = array<i32>} : memref<2x16x2048xf32, #tpu.memory_space<vmem>>, vector<1x1x16xf32>,
      %get3A_1933 = vector.shape_cast %get3A_1932 : vector<1x1x16xf32> to vector<16xf32>
      %get3A_1934 = arith.constant 0 : i32
      %get3A_1935 = arith.constant 14 : i32
      %get3A_1936 = arith.index_cast %get3A_1934 : i32 to index
      %get3A_1937 = arith.index_cast %get3A_1935 : i32 to index
      %get3A_1938 = arith.index_cast %mul3A_1835 : i32 to index
      %get3A_1939 = tpu.vector_load %arg4[%get3A_1936, %get3A_1937, %get3A_1938] {strides = array<i32>} : memref<2x16x2048xf32, #tpu.memory_space<vmem>>, vector<1x1x16xf32>,
      %get3A_1940 = vector.shape_cast %get3A_1939 : vector<1x1x16xf32> to vector<16xf32>
      %get3A_1941 = arith.constant 0 : i32
      %get3A_1942 = arith.constant 15 : i32
      %get3A_1943 = arith.index_cast %get3A_1941 : i32 to index
      %get3A_1944 = arith.index_cast %get3A_1942 : i32 to index
      %get3A_1945 = arith.index_cast %mul3A_1835 : i32 to index
      %get3A_1946 = tpu.vector_load %arg4[%get3A_1943, %get3A_1944, %get3A_1945] {strides = array<i32>} : memref<2x16x2048xf32, #tpu.memory_space<vmem>>, vector<1x1x16xf32>,
      %get3A_1947 = vector.shape_cast %get3A_1946 : vector<1x1x16xf32> to vector<16xf32>
      %add3A_1948 = arith.addf %get3A_1842, %get3A_1849 : vector<16xf32>
      %add3A_1949 = arith.addf %get3A_1856, %get3A_1863 : vector<16xf32>
      %add3A_1950 = arith.addf %get3A_1870, %get3A_1877 : vector<16xf32>
      %add3A_1951 = arith.addf %get3A_1884, %get3A_1891 : vector<16xf32>
      %add3A_1952 = arith.addf %get3A_1898, %get3A_1905 : vector<16xf32>
      %add3A_1953 = arith.addf %get3A_1912, %get3A_1919 : vector<16xf32>
      %add3A_1954 = arith.addf %get3A_1926, %get3A_1933 : vector<16xf32>
      %add3A_1955 = arith.addf %get3A_1940, %get3A_1947 : vector<16xf32>
      %add3A_1956 = arith.addf %add3A_1948, %add3A_1949 : vector<16xf32>
      %add3A_1957 = arith.addf %add3A_1950, %add3A_1951 : vector<16xf32>
      %add3A_1958 = arith.addf %add3A_1952, %add3A_1953 : vector<16xf32>
      %add3A_1959 = arith.addf %add3A_1954, %add3A_1955 : vector<16xf32>
      %add3A_1960 = arith.addf %add3A_1956, %add3A_1957 : vector<16xf32>
      %add3A_1961 = arith.addf %add3A_1958, %add3A_1959 : vector<16xf32>
      %add3A_1962 = arith.addf %add3A_1960, %add3A_1961 : vector<16xf32>
      %get3A_1963 = arith.index_cast %mul3A_1835 : i32 to index
      %get3A_1964 = tpu.vector_load %arg5[%get3A_1963] {strides = array<i32>} : memref<2048xf32, #tpu.memory_space<vmem>>, vector<16xf32>,
      %get3A_1965 = vector.shape_cast %get3A_1964 : vector<16xf32> to vector<16xf32>
      %add3A_1966 = arith.addf %get3A_1965, %add3A_1962 : vector<16xf32>
      %swap3A_1967 = arith.index_cast %mul3A_1835 : i32 to index
      %swap3A_1968 = tpu.vector_load %arg5[%swap3A_1967] {strides = array<i32>} : memref<2048xf32, #tpu.memory_space<vmem>>, vector<16xf32>,
      %swap3A_1969 = vector.shape_cast %swap3A_1968 : vector<16xf32> to vector<16xf32>
      %swap3A_1970 = vector.shape_cast %add3A_1966 : vector<16xf32> to vector<16xf32>
      tpu.vector_store %arg5[%swap3A_1967], %swap3A_1970 {strides = array<i32>} : memref<2048xf32, #tpu.memory_space<vmem>>, vector<16xf32>,
      %scan3A_1971 = arith.constant 0 : i32
      scf.yield %scan3A_1971 : i32
    }
    %scan3A_1376 = arith.constant 128 : i32
    %mul3A_1377 = arith.constant 2 : i32
    %mul3A_1378 = arith.muli %scan3A_1345, %mul3A_1377 : i32
    %add3A_1379 = arith.constant 1 : i32
    %add3A_1380 = arith.addi %mul3A_1378, %add3A_1379 : i32
    %mul3A_1381 = arith.constant 16 : i32
    %mul3A_1382 = arith.muli %add3A_1380, %mul3A_1381 : i32
    %add3A_1383 = arith.addi %add3A_35, %mul3A_1382 : i32
    %dma_wait3A_1384 = arith.constant 1 : i32
    %dma_wait3A_1385 = arith.constant 0 : i32
    %dma_wait3A_1386 = arith.constant 0 : i32
    %dma_wait3A_1387 = tpu.memref_slice %arg4[%dma_wait3A_1384, %dma_wait3A_1385, %dma_wait3A_1386] : memref<2x16x2048xf32, #tpu.memory_space<vmem>> -> memref<1x16x2048xf32, #tpu.memory_space<vmem>>
    %dma_wait3A_1388 = tpu.memref_squeeze %dma_wait3A_1387 : memref<1x16x2048xf32, #tpu.memory_space<vmem>> -> memref<16x2048xf32, #tpu.memory_space<vmem>>
    %dma_wait3A_1389 = arith.constant 0 : i32
    %dma_wait3A_1390 = tpu.memref_slice %arg2[%add3A_1383, %dma_wait3A_1389] : memref<16384x2048xf32, #tpu.memory_space<hbm>> -> memref<16x2048xf32, #tpu.memory_space<hbm>>
    %dma_wait3A_1391 = arith.constant 0 : i32
    %dma_wait3A_1392 = arith.constant 0 : i32
    %dma_wait3A_1393 = tpu.memref_slice %arg4[%dma_wait3A_1384, %dma_wait3A_1391, %dma_wait3A_1392] : memref<2x16x2048xf32, #tpu.memory_space<vmem>> -> memref<1x16x2048xf32, #tpu.memory_space<vmem>>
    %dma_wait3A_1394 = tpu.memref_squeeze %dma_wait3A_1393 : memref<1x16x2048xf32, #tpu.memory_space<vmem>> -> memref<16x2048xf32, #tpu.memory_space<vmem>>
    %dma_wait3A_1395 = arith.constant 0 : i32
    %dma_wait3A_1396 = tpu.memref_slice %arg2[%add3A_1383, %dma_wait3A_1395] : memref<16384x2048xf32, #tpu.memory_space<hbm>> -> memref<16x2048xf32, #tpu.memory_space<hbm>>
    tpu.wait_dma2 semaphore(%arg7 : memref<!tpu.dma_semaphore, #tpu.memory_space<semaphore_mem>>) src(%dma_wait3A_1396 : memref<16x2048xf32, #tpu.memory_space<hbm>>) dst(%dma_wait3A_1394 : memref<16x2048xf32, #tpu.memory_space<vmem>>)
    %add3A_1397 = arith.constant 2 : i32
    %add3A_1398 = arith.addi %add3A_1380, %add3A_1397 : i32
    %lt3A_1399 = arith.constant 2 : i32
    %lt3A_1400 = arith.cmpi slt, %add3A_1398, %lt3A_1399 : i32
    %convert_element_type3A_1401 = arith.extui %lt3A_1400 : i1 to i32
    %cond3A_1402 = arith.constant 0 : i32
    %cond3A_1403 = arith.cmpi ne, %convert_element_type3A_1401, %cond3A_1402 : i32
    scf.if %cond3A_1403 {
      %add3A_1413 = arith.constant 2 : i32
      %add3A_1414 = arith.addi %add3A_1380, %add3A_1413 : i32
      %mul3A_1415 = arith.constant 16 : i32
      %mul3A_1416 = arith.muli %add3A_1414, %mul3A_1415 : i32
      %add3A_1417 = arith.addi %add3A_35, %mul3A_1416 : i32
      %dma_start3A_1418 = arith.constant 1 : i32
      %dma_start3A_1419 = arith.constant 0 : i32
      %dma_start3A_1420 = arith.constant 0 : i32
      %dma_start3A_1421 = tpu.memref_slice %arg4[%dma_start3A_1418, %dma_start3A_1419, %dma_start3A_1420] : memref<2x16x2048xf32, #tpu.memory_space<vmem>> -> memref<1x16x2048xf32, #tpu.memory_space<vmem>>
      %dma_start3A_1422 = tpu.memref_squeeze %dma_start3A_1421 : memref<1x16x2048xf32, #tpu.memory_space<vmem>> -> memref<16x2048xf32, #tpu.memory_space<vmem>>
      %dma_start3A_1423 = arith.constant 0 : i32
      %dma_start3A_1424 = tpu.memref_slice %arg2[%add3A_1417, %dma_start3A_1423] : memref<16384x2048xf32, #tpu.memory_space<hbm>> -> memref<16x2048xf32, #tpu.memory_space<hbm>>
      %dma_start3A_1425 = arith.constant 0 : i32
      %dma_start3A_1426 = arith.constant 0 : i32
      %dma_start3A_1427 = tpu.memref_slice %arg4[%dma_start3A_1418, %dma_start3A_1425, %dma_start3A_1426] : memref<2x16x2048xf32, #tpu.memory_space<vmem>> -> memref<1x16x2048xf32, #tpu.memory_space<vmem>>
      %dma_start3A_1428 = tpu.memref_squeeze %dma_start3A_1427 : memref<1x16x2048xf32, #tpu.memory_space<vmem>> -> memref<16x2048xf32, #tpu.memory_space<vmem>>
      %dma_start3A_1429 = arith.constant 0 : i32
      %dma_start3A_1430 = tpu.memref_slice %arg2[%add3A_1417, %dma_start3A_1429] : memref<16384x2048xf32, #tpu.memory_space<hbm>> -> memref<16x2048xf32, #tpu.memory_space<hbm>>
      tpu.enqueue_dma source(%dma_start3A_1430 : memref<16x2048xf32, #tpu.memory_space<hbm>>) target(%dma_start3A_1428 : memref<16x2048xf32, #tpu.memory_space<vmem>>) target_semaphore(%arg7 : memref<!tpu.dma_semaphore, #tpu.memory_space<semaphore_mem>>)
    } else {
    }
    %scan3A_1404 = arith.constant 0 : i32
    %scan3A_1405 = arith.constant 0 : i32
    %scan3A_1406 = arith.constant 128 : i32
    %scan3A_1407 = arith.addi %scan3A_1405, %scan3A_1406 : i32
    %scan3A_1408 = arith.constant 4 : i32
    %scan3A_1409 = scf.for %scan3A_1413 = %scan3A_1405 to %scan3A_1407 step %scan3A_1408 iter_args(%scan3A_1414 = %scan3A_1404) -> (i32)  : i32 {
      %mul3A_1415 = arith.constant 16 : i32
      %mul3A_1416 = arith.muli %scan3A_1413, %mul3A_1415 : i32
      %get3A = arith.constant 1 : i32
      %get3A_1417 = arith.constant 0 : i32
      %get3A_1418 = arith.index_cast %get3A : i32 to index
      %get3A_1419 = arith.index_cast %get3A_1417 : i32 to index
      %get3A_1420 = arith.index_cast %mul3A_1416 : i32 to index
      %get3A_1421 = tpu.vector_load %arg4[%get3A_1418, %get3A_1419, %get3A_1420] {strides = array<i32>} : memref<2x16x2048xf32, #tpu.memory_space<vmem>>, vector<1x1x16xf32>,
      %get3A_1422 = vector.shape_cast %get3A_1421 : vector<1x1x16xf32> to vector<16xf32>
      %get3A_1423 = arith.constant 1 : i32
      %get3A_1424 = arith.constant 1 : i32
      %get3A_1425 = arith.index_cast %get3A_1423 : i32 to index
      %get3A_1426 = arith.index_cast %get3A_1424 : i32 to index
      %get3A_1427 = arith.index_cast %mul3A_1416 : i32 to index
      %get3A_1428 = tpu.vector_load %arg4[%get3A_1425, %get3A_1426, %get3A_1427] {strides = array<i32>} : memref<2x16x2048xf32, #tpu.memory_space<vmem>>, vector<1x1x16xf32>,
      %get3A_1429 = vector.shape_cast %get3A_1428 : vector<1x1x16xf32> to vector<16xf32>
      %get3A_1430 = arith.constant 1 : i32
      %get3A_1431 = arith.constant 2 : i32
      %get3A_1432 = arith.index_cast %get3A_1430 : i32 to index
      %get3A_1433 = arith.index_cast %get3A_1431 : i32 to index
      %get3A_1434 = arith.index_cast %mul3A_1416 : i32 to index
      %get3A_1435 = tpu.vector_load %arg4[%get3A_1432, %get3A_1433, %get3A_1434] {strides = array<i32>} : memref<2x16x2048xf32, #tpu.memory_space<vmem>>, vector<1x1x16xf32>,
      %get3A_1436 = vector.shape_cast %get3A_1435 : vector<1x1x16xf32> to vector<16xf32>
      %get3A_1437 = arith.constant 1 : i32
      %get3A_1438 = arith.constant 3 : i32
      %get3A_1439 = arith.index_cast %get3A_1437 : i32 to index
      %get3A_1440 = arith.index_cast %get3A_1438 : i32 to index
      %get3A_1441 = arith.index_cast %mul3A_1416 : i32 to index
      %get3A_1442 = tpu.vector_load %arg4[%get3A_1439, %get3A_1440, %get3A_1441] {strides = array<i32>} : memref<2x16x2048xf32, #tpu.memory_space<vmem>>, vector<1x1x16xf32>,
      %get3A_1443 = vector.shape_cast %get3A_1442 : vector<1x1x16xf32> to vector<16xf32>
      %get3A_1444 = arith.constant 1 : i32
      %get3A_1445 = arith.constant 4 : i32
      %get3A_1446 = arith.index_cast %get3A_1444 : i32 to index
      %get3A_1447 = arith.index_cast %get3A_1445 : i32 to index
      %get3A_1448 = arith.index_cast %mul3A_1416 : i32 to index
      %get3A_1449 = tpu.vector_load %arg4[%get3A_1446, %get3A_1447, %get3A_1448] {strides = array<i32>} : memref<2x16x2048xf32, #tpu.memory_space<vmem>>, vector<1x1x16xf32>,
      %get3A_1450 = vector.shape_cast %get3A_1449 : vector<1x1x16xf32> to vector<16xf32>
      %get3A_1451 = arith.constant 1 : i32
      %get3A_1452 = arith.constant 5 : i32
      %get3A_1453 = arith.index_cast %get3A_1451 : i32 to index
      %get3A_1454 = arith.index_cast %get3A_1452 : i32 to index
      %get3A_1455 = arith.index_cast %mul3A_1416 : i32 to index
      %get3A_1456 = tpu.vector_load %arg4[%get3A_1453, %get3A_1454, %get3A_1455] {strides = array<i32>} : memref<2x16x2048xf32, #tpu.memory_space<vmem>>, vector<1x1x16xf32>,
      %get3A_1457 = vector.shape_cast %get3A_1456 : vector<1x1x16xf32> to vector<16xf32>
      %get3A_1458 = arith.constant 1 : i32
      %get3A_1459 = arith.constant 6 : i32
      %get3A_1460 = arith.index_cast %get3A_1458 : i32 to index
      %get3A_1461 = arith.index_cast %get3A_1459 : i32 to index
      %get3A_1462 = arith.index_cast %mul3A_1416 : i32 to index
      %get3A_1463 = tpu.vector_load %arg4[%get3A_1460, %get3A_1461, %get3A_1462] {strides = array<i32>} : memref<2x16x2048xf32, #tpu.memory_space<vmem>>, vector<1x1x16xf32>,
      %get3A_1464 = vector.shape_cast %get3A_1463 : vector<1x1x16xf32> to vector<16xf32>
      %get3A_1465 = arith.constant 1 : i32
      %get3A_1466 = arith.constant 7 : i32
      %get3A_1467 = arith.index_cast %get3A_1465 : i32 to index
      %get3A_1468 = arith.index_cast %get3A_1466 : i32 to index
      %get3A_1469 = arith.index_cast %mul3A_1416 : i32 to index
      %get3A_1470 = tpu.vector_load %arg4[%get3A_1467, %get3A_1468, %get3A_1469] {strides = array<i32>} : memref<2x16x2048xf32, #tpu.memory_space<vmem>>, vector<1x1x16xf32>,
      %get3A_1471 = vector.shape_cast %get3A_1470 : vector<1x1x16xf32> to vector<16xf32>
      %get3A_1472 = arith.constant 1 : i32
      %get3A_1473 = arith.constant 8 : i32
      %get3A_1474 = arith.index_cast %get3A_1472 : i32 to index
      %get3A_1475 = arith.index_cast %get3A_1473 : i32 to index
      %get3A_1476 = arith.index_cast %mul3A_1416 : i32 to index
      %get3A_1477 = tpu.vector_load %arg4[%get3A_1474, %get3A_1475, %get3A_1476] {strides = array<i32>} : memref<2x16x2048xf32, #tpu.memory_space<vmem>>, vector<1x1x16xf32>,
      %get3A_1478 = vector.shape_cast %get3A_1477 : vector<1x1x16xf32> to vector<16xf32>
      %get3A_1479 = arith.constant 1 : i32
      %get3A_1480 = arith.constant 9 : i32
      %get3A_1481 = arith.index_cast %get3A_1479 : i32 to index
      %get3A_1482 = arith.index_cast %get3A_1480 : i32 to index
      %get3A_1483 = arith.index_cast %mul3A_1416 : i32 to index
      %get3A_1484 = tpu.vector_load %arg4[%get3A_1481, %get3A_1482, %get3A_1483] {strides = array<i32>} : memref<2x16x2048xf32, #tpu.memory_space<vmem>>, vector<1x1x16xf32>,
      %get3A_1485 = vector.shape_cast %get3A_1484 : vector<1x1x16xf32> to vector<16xf32>
      %get3A_1486 = arith.constant 1 : i32
      %get3A_1487 = arith.constant 10 : i32
      %get3A_1488 = arith.index_cast %get3A_1486 : i32 to index
      %get3A_1489 = arith.index_cast %get3A_1487 : i32 to index
      %get3A_1490 = arith.index_cast %mul3A_1416 : i32 to index
      %get3A_1491 = tpu.vector_load %arg4[%get3A_1488, %get3A_1489, %get3A_1490] {strides = array<i32>} : memref<2x16x2048xf32, #tpu.memory_space<vmem>>, vector<1x1x16xf32>,
      %get3A_1492 = vector.shape_cast %get3A_1491 : vector<1x1x16xf32> to vector<16xf32>
      %get3A_1493 = arith.constant 1 : i32
      %get3A_1494 = arith.constant 11 : i32
      %get3A_1495 = arith.index_cast %get3A_1493 : i32 to index
      %get3A_1496 = arith.index_cast %get3A_1494 : i32 to index
      %get3A_1497 = arith.index_cast %mul3A_1416 : i32 to index
      %get3A_1498 = tpu.vector_load %arg4[%get3A_1495, %get3A_1496, %get3A_1497] {strides = array<i32>} : memref<2x16x2048xf32, #tpu.memory_space<vmem>>, vector<1x1x16xf32>,
      %get3A_1499 = vector.shape_cast %get3A_1498 : vector<1x1x16xf32> to vector<16xf32>
      %get3A_1500 = arith.constant 1 : i32
      %get3A_1501 = arith.constant 12 : i32
      %get3A_1502 = arith.index_cast %get3A_1500 : i32 to index
      %get3A_1503 = arith.index_cast %get3A_1501 : i32 to index
      %get3A_1504 = arith.index_cast %mul3A_1416 : i32 to index
      %get3A_1505 = tpu.vector_load %arg4[%get3A_1502, %get3A_1503, %get3A_1504] {strides = array<i32>} : memref<2x16x2048xf32, #tpu.memory_space<vmem>>, vector<1x1x16xf32>,
      %get3A_1506 = vector.shape_cast %get3A_1505 : vector<1x1x16xf32> to vector<16xf32>
      %get3A_1507 = arith.constant 1 : i32
      %get3A_1508 = arith.constant 13 : i32
      %get3A_1509 = arith.index_cast %get3A_1507 : i32 to index
      %get3A_1510 = arith.index_cast %get3A_1508 : i32 to index
      %get3A_1511 = arith.index_cast %mul3A_1416 : i32 to index
      %get3A_1512 = tpu.vector_load %arg4[%get3A_1509, %get3A_1510, %get3A_1511] {strides = array<i32>} : memref<2x16x2048xf32, #tpu.memory_space<vmem>>, vector<1x1x16xf32>,
      %get3A_1513 = vector.shape_cast %get3A_1512 : vector<1x1x16xf32> to vector<16xf32>
      %get3A_1514 = arith.constant 1 : i32
      %get3A_1515 = arith.constant 14 : i32
      %get3A_1516 = arith.index_cast %get3A_1514 : i32 to index
      %get3A_1517 = arith.index_cast %get3A_1515 : i32 to index
      %get3A_1518 = arith.index_cast %mul3A_1416 : i32 to index
      %get3A_1519 = tpu.vector_load %arg4[%get3A_1516, %get3A_1517, %get3A_1518] {strides = array<i32>} : memref<2x16x2048xf32, #tpu.memory_space<vmem>>, vector<1x1x16xf32>,
      %get3A_1520 = vector.shape_cast %get3A_1519 : vector<1x1x16xf32> to vector<16xf32>
      %get3A_1521 = arith.constant 1 : i32
      %get3A_1522 = arith.constant 15 : i32
      %get3A_1523 = arith.index_cast %get3A_1521 : i32 to index
      %get3A_1524 = arith.index_cast %get3A_1522 : i32 to index
      %get3A_1525 = arith.index_cast %mul3A_1416 : i32 to index
      %get3A_1526 = tpu.vector_load %arg4[%get3A_1523, %get3A_1524, %get3A_1525] {strides = array<i32>} : memref<2x16x2048xf32, #tpu.memory_space<vmem>>, vector<1x1x16xf32>,
      %get3A_1527 = vector.shape_cast %get3A_1526 : vector<1x1x16xf32> to vector<16xf32>
      %add3A_1528 = arith.addf %get3A_1422, %get3A_1429 : vector<16xf32>
      %add3A_1529 = arith.addf %get3A_1436, %get3A_1443 : vector<16xf32>
      %add3A_1530 = arith.addf %get3A_1450, %get3A_1457 : vector<16xf32>
      %add3A_1531 = arith.addf %get3A_1464, %get3A_1471 : vector<16xf32>
      %add3A_1532 = arith.addf %get3A_1478, %get3A_1485 : vector<16xf32>
      %add3A_1533 = arith.addf %get3A_1492, %get3A_1499 : vector<16xf32>
      %add3A_1534 = arith.addf %get3A_1506, %get3A_1513 : vector<16xf32>
      %add3A_1535 = arith.addf %get3A_1520, %get3A_1527 : vector<16xf32>
      %add3A_1536 = arith.addf %add3A_1528, %add3A_1529 : vector<16xf32>
      %add3A_1537 = arith.addf %add3A_1530, %add3A_1531 : vector<16xf32>
      %add3A_1538 = arith.addf %add3A_1532, %add3A_1533 : vector<16xf32>
      %add3A_1539 = arith.addf %add3A_1534, %add3A_1535 : vector<16xf32>
      %add3A_1540 = arith.addf %add3A_1536, %add3A_1537 : vector<16xf32>
      %add3A_1541 = arith.addf %add3A_1538, %add3A_1539 : vector<16xf32>
      %add3A_1542 = arith.addf %add3A_1540, %add3A_1541 : vector<16xf32>
      %get3A_1543 = arith.index_cast %mul3A_1416 : i32 to index
      %get3A_1544 = tpu.vector_load %arg5[%get3A_1543] {strides = array<i32>} : memref<2048xf32, #tpu.memory_space<vmem>>, vector<16xf32>,
      %get3A_1545 = vector.shape_cast %get3A_1544 : vector<16xf32> to vector<16xf32>
      %add3A_1546 = arith.addf %get3A_1545, %add3A_1542 : vector<16xf32>
      %swap3A_1547 = arith.index_cast %mul3A_1416 : i32 to index
      %swap3A_1548 = tpu.vector_load %arg5[%swap3A_1547] {strides = array<i32>} : memref<2048xf32, #tpu.memory_space<vmem>>, vector<16xf32>,
      %swap3A_1549 = vector.shape_cast %swap3A_1548 : vector<16xf32> to vector<16xf32>
      %swap3A_1550 = vector.shape_cast %add3A_1546 : vector<16xf32> to vector<16xf32>
      tpu.vector_store %arg5[%swap3A_1547], %swap3A_1550 {strides = array<i32>} : memref<2048xf32, #tpu.memory_space<vmem>>, vector<16xf32>,
      %scan3A_1551 = arith.constant 0 : i32
      %scan3A_1552 = arith.constant 1 : i32
      %scan3A_1553 = arith.addi %scan3A_1413, %scan3A_1552 : i32
      %mul3A_1554 = arith.constant 16 : i32
      %mul3A_1555 = arith.muli %scan3A_1553, %mul3A_1554 : i32
      %get3A_1556 = arith.constant 1 : i32
      %get3A_1557 = arith.constant 0 : i32
      %get3A_1558 = arith.index_cast %get3A_1556 : i32 to index
      %get3A_1559 = arith.index_cast %get3A_1557 : i32 to index
      %get3A_1560 = arith.index_cast %mul3A_1555 : i32 to index
      %get3A_1561 = tpu.vector_load %arg4[%get3A_1558, %get3A_1559, %get3A_1560] {strides = array<i32>} : memref<2x16x2048xf32, #tpu.memory_space<vmem>>, vector<1x1x16xf32>,
      %get3A_1562 = vector.shape_cast %get3A_1561 : vector<1x1x16xf32> to vector<16xf32>
      %get3A_1563 = arith.constant 1 : i32
      %get3A_1564 = arith.constant 1 : i32
      %get3A_1565 = arith.index_cast %get3A_1563 : i32 to index
      %get3A_1566 = arith.index_cast %get3A_1564 : i32 to index
      %get3A_1567 = arith.index_cast %mul3A_1555 : i32 to index
      %get3A_1568 = tpu.vector_load %arg4[%get3A_1565, %get3A_1566, %get3A_1567] {strides = array<i32>} : memref<2x16x2048xf32, #tpu.memory_space<vmem>>, vector<1x1x16xf32>,
      %get3A_1569 = vector.shape_cast %get3A_1568 : vector<1x1x16xf32> to vector<16xf32>
      %get3A_1570 = arith.constant 1 : i32
      %get3A_1571 = arith.constant 2 : i32
      %get3A_1572 = arith.index_cast %get3A_1570 : i32 to index
      %get3A_1573 = arith.index_cast %get3A_1571 : i32 to index
      %get3A_1574 = arith.index_cast %mul3A_1555 : i32 to index
      %get3A_1575 = tpu.vector_load %arg4[%get3A_1572, %get3A_1573, %get3A_1574] {strides = array<i32>} : memref<2x16x2048xf32, #tpu.memory_space<vmem>>, vector<1x1x16xf32>,
      %get3A_1576 = vector.shape_cast %get3A_1575 : vector<1x1x16xf32> to vector<16xf32>
      %get3A_1577 = arith.constant 1 : i32
      %get3A_1578 = arith.constant 3 : i32
      %get3A_1579 = arith.index_cast %get3A_1577 : i32 to index
      %get3A_1580 = arith.index_cast %get3A_1578 : i32 to index
      %get3A_1581 = arith.index_cast %mul3A_1555 : i32 to index
      %get3A_1582 = tpu.vector_load %arg4[%get3A_1579, %get3A_1580, %get3A_1581] {strides = array<i32>} : memref<2x16x2048xf32, #tpu.memory_space<vmem>>, vector<1x1x16xf32>,
      %get3A_1583 = vector.shape_cast %get3A_1582 : vector<1x1x16xf32> to vector<16xf32>
      %get3A_1584 = arith.constant 1 : i32
      %get3A_1585 = arith.constant 4 : i32
      %get3A_1586 = arith.index_cast %get3A_1584 : i32 to index
      %get3A_1587 = arith.index_cast %get3A_1585 : i32 to index
      %get3A_1588 = arith.index_cast %mul3A_1555 : i32 to index
      %get3A_1589 = tpu.vector_load %arg4[%get3A_1586, %get3A_1587, %get3A_1588] {strides = array<i32>} : memref<2x16x2048xf32, #tpu.memory_space<vmem>>, vector<1x1x16xf32>,
      %get3A_1590 = vector.shape_cast %get3A_1589 : vector<1x1x16xf32> to vector<16xf32>
      %get3A_1591 = arith.constant 1 : i32
      %get3A_1592 = arith.constant 5 : i32
      %get3A_1593 = arith.index_cast %get3A_1591 : i32 to index
      %get3A_1594 = arith.index_cast %get3A_1592 : i32 to index
      %get3A_1595 = arith.index_cast %mul3A_1555 : i32 to index
      %get3A_1596 = tpu.vector_load %arg4[%get3A_1593, %get3A_1594, %get3A_1595] {strides = array<i32>} : memref<2x16x2048xf32, #tpu.memory_space<vmem>>, vector<1x1x16xf32>,
      %get3A_1597 = vector.shape_cast %get3A_1596 : vector<1x1x16xf32> to vector<16xf32>
      %get3A_1598 = arith.constant 1 : i32
      %get3A_1599 = arith.constant 6 : i32
      %get3A_1600 = arith.index_cast %get3A_1598 : i32 to index
      %get3A_1601 = arith.index_cast %get3A_1599 : i32 to index
      %get3A_1602 = arith.index_cast %mul3A_1555 : i32 to index
      %get3A_1603 = tpu.vector_load %arg4[%get3A_1600, %get3A_1601, %get3A_1602] {strides = array<i32>} : memref<2x16x2048xf32, #tpu.memory_space<vmem>>, vector<1x1x16xf32>,
      %get3A_1604 = vector.shape_cast %get3A_1603 : vector<1x1x16xf32> to vector<16xf32>
      %get3A_1605 = arith.constant 1 : i32
      %get3A_1606 = arith.constant 7 : i32
      %get3A_1607 = arith.index_cast %get3A_1605 : i32 to index
      %get3A_1608 = arith.index_cast %get3A_1606 : i32 to index
      %get3A_1609 = arith.index_cast %mul3A_1555 : i32 to index
      %get3A_1610 = tpu.vector_load %arg4[%get3A_1607, %get3A_1608, %get3A_1609] {strides = array<i32>} : memref<2x16x2048xf32, #tpu.memory_space<vmem>>, vector<1x1x16xf32>,
      %get3A_1611 = vector.shape_cast %get3A_1610 : vector<1x1x16xf32> to vector<16xf32>
      %get3A_1612 = arith.constant 1 : i32
      %get3A_1613 = arith.constant 8 : i32
      %get3A_1614 = arith.index_cast %get3A_1612 : i32 to index
      %get3A_1615 = arith.index_cast %get3A_1613 : i32 to index
      %get3A_1616 = arith.index_cast %mul3A_1555 : i32 to index
      %get3A_1617 = tpu.vector_load %arg4[%get3A_1614, %get3A_1615, %get3A_1616] {strides = array<i32>} : memref<2x16x2048xf32, #tpu.memory_space<vmem>>, vector<1x1x16xf32>,
      %get3A_1618 = vector.shape_cast %get3A_1617 : vector<1x1x16xf32> to vector<16xf32>
      %get3A_1619 = arith.constant 1 : i32
      %get3A_1620 = arith.constant 9 : i32
      %get3A_1621 = arith.index_cast %get3A_1619 : i32 to index
      %get3A_1622 = arith.index_cast %get3A_1620 : i32 to index
      %get3A_1623 = arith.index_cast %mul3A_1555 : i32 to index
      %get3A_1624 = tpu.vector_load %arg4[%get3A_1621, %get3A_1622, %get3A_1623] {strides = array<i32>} : memref<2x16x2048xf32, #tpu.memory_space<vmem>>, vector<1x1x16xf32>,
      %get3A_1625 = vector.shape_cast %get3A_1624 : vector<1x1x16xf32> to vector<16xf32>
      %get3A_1626 = arith.constant 1 : i32
      %get3A_1627 = arith.constant 10 : i32
      %get3A_1628 = arith.index_cast %get3A_1626 : i32 to index
      %get3A_1629 = arith.index_cast %get3A_1627 : i32 to index
      %get3A_1630 = arith.index_cast %mul3A_1555 : i32 to index
      %get3A_1631 = tpu.vector_load %arg4[%get3A_1628, %get3A_1629, %get3A_1630] {strides = array<i32>} : memref<2x16x2048xf32, #tpu.memory_space<vmem>>, vector<1x1x16xf32>,
      %get3A_1632 = vector.shape_cast %get3A_1631 : vector<1x1x16xf32> to vector<16xf32>
      %get3A_1633 = arith.constant 1 : i32
      %get3A_1634 = arith.constant 11 : i32
      %get3A_1635 = arith.index_cast %get3A_1633 : i32 to index
      %get3A_1636 = arith.index_cast %get3A_1634 : i32 to index
      %get3A_1637 = arith.index_cast %mul3A_1555 : i32 to index
      %get3A_1638 = tpu.vector_load %arg4[%get3A_1635, %get3A_1636, %get3A_1637] {strides = array<i32>} : memref<2x16x2048xf32, #tpu.memory_space<vmem>>, vector<1x1x16xf32>,
      %get3A_1639 = vector.shape_cast %get3A_1638 : vector<1x1x16xf32> to vector<16xf32>
      %get3A_1640 = arith.constant 1 : i32
      %get3A_1641 = arith.constant 12 : i32
      %get3A_1642 = arith.index_cast %get3A_1640 : i32 to index
      %get3A_1643 = arith.index_cast %get3A_1641 : i32 to index
      %get3A_1644 = arith.index_cast %mul3A_1555 : i32 to index
      %get3A_1645 = tpu.vector_load %arg4[%get3A_1642, %get3A_1643, %get3A_1644] {strides = array<i32>} : memref<2x16x2048xf32, #tpu.memory_space<vmem>>, vector<1x1x16xf32>,
      %get3A_1646 = vector.shape_cast %get3A_1645 : vector<1x1x16xf32> to vector<16xf32>
      %get3A_1647 = arith.constant 1 : i32
      %get3A_1648 = arith.constant 13 : i32
      %get3A_1649 = arith.index_cast %get3A_1647 : i32 to index
      %get3A_1650 = arith.index_cast %get3A_1648 : i32 to index
      %get3A_1651 = arith.index_cast %mul3A_1555 : i32 to index
      %get3A_1652 = tpu.vector_load %arg4[%get3A_1649, %get3A_1650, %get3A_1651] {strides = array<i32>} : memref<2x16x2048xf32, #tpu.memory_space<vmem>>, vector<1x1x16xf32>,
      %get3A_1653 = vector.shape_cast %get3A_1652 : vector<1x1x16xf32> to vector<16xf32>
      %get3A_1654 = arith.constant 1 : i32
      %get3A_1655 = arith.constant 14 : i32
      %get3A_1656 = arith.index_cast %get3A_1654 : i32 to index
      %get3A_1657 = arith.index_cast %get3A_1655 : i32 to index
      %get3A_1658 = arith.index_cast %mul3A_1555 : i32 to index
      %get3A_1659 = tpu.vector_load %arg4[%get3A_1656, %get3A_1657, %get3A_1658] {strides = array<i32>} : memref<2x16x2048xf32, #tpu.memory_space<vmem>>, vector<1x1x16xf32>,
      %get3A_1660 = vector.shape_cast %get3A_1659 : vector<1x1x16xf32> to vector<16xf32>
      %get3A_1661 = arith.constant 1 : i32
      %get3A_1662 = arith.constant 15 : i32
      %get3A_1663 = arith.index_cast %get3A_1661 : i32 to index
      %get3A_1664 = arith.index_cast %get3A_1662 : i32 to index
      %get3A_1665 = arith.index_cast %mul3A_1555 : i32 to index
      %get3A_1666 = tpu.vector_load %arg4[%get3A_1663, %get3A_1664, %get3A_1665] {strides = array<i32>} : memref<2x16x2048xf32, #tpu.memory_space<vmem>>, vector<1x1x16xf32>,
      %get3A_1667 = vector.shape_cast %get3A_1666 : vector<1x1x16xf32> to vector<16xf32>
      %add3A_1668 = arith.addf %get3A_1562, %get3A_1569 : vector<16xf32>
      %add3A_1669 = arith.addf %get3A_1576, %get3A_1583 : vector<16xf32>
      %add3A_1670 = arith.addf %get3A_1590, %get3A_1597 : vector<16xf32>
      %add3A_1671 = arith.addf %get3A_1604, %get3A_1611 : vector<16xf32>
      %add3A_1672 = arith.addf %get3A_1618, %get3A_1625 : vector<16xf32>
      %add3A_1673 = arith.addf %get3A_1632, %get3A_1639 : vector<16xf32>
      %add3A_1674 = arith.addf %get3A_1646, %get3A_1653 : vector<16xf32>
      %add3A_1675 = arith.addf %get3A_1660, %get3A_1667 : vector<16xf32>
      %add3A_1676 = arith.addf %add3A_1668, %add3A_1669 : vector<16xf32>
      %add3A_1677 = arith.addf %add3A_1670, %add3A_1671 : vector<16xf32>
      %add3A_1678 = arith.addf %add3A_1672, %add3A_1673 : vector<16xf32>
      %add3A_1679 = arith.addf %add3A_1674, %add3A_1675 : vector<16xf32>
      %add3A_1680 = arith.addf %add3A_1676, %add3A_1677 : vector<16xf32>
      %add3A_1681 = arith.addf %add3A_1678, %add3A_1679 : vector<16xf32>
      %add3A_1682 = arith.addf %add3A_1680, %add3A_1681 : vector<16xf32>
      %get3A_1683 = arith.index_cast %mul3A_1555 : i32 to index
      %get3A_1684 = tpu.vector_load %arg5[%get3A_1683] {strides = array<i32>} : memref<2048xf32, #tpu.memory_space<vmem>>, vector<16xf32>,
      %get3A_1685 = vector.shape_cast %get3A_1684 : vector<16xf32> to vector<16xf32>
      %add3A_1686 = arith.addf %get3A_1685, %add3A_1682 : vector<16xf32>
      %swap3A_1687 = arith.index_cast %mul3A_1555 : i32 to index
      %swap3A_1688 = tpu.vector_load %arg5[%swap3A_1687] {strides = array<i32>} : memref<2048xf32, #tpu.memory_space<vmem>>, vector<16xf32>,
      %swap3A_1689 = vector.shape_cast %swap3A_1688 : vector<16xf32> to vector<16xf32>
      %swap3A_1690 = vector.shape_cast %add3A_1686 : vector<16xf32> to vector<16xf32>
      tpu.vector_store %arg5[%swap3A_1687], %swap3A_1690 {strides = array<i32>} : memref<2048xf32, #tpu.memory_space<vmem>>, vector<16xf32>,
      %scan3A_1691 = arith.constant 0 : i32
      %scan3A_1692 = arith.constant 2 : i32
      %scan3A_1693 = arith.addi %scan3A_1413, %scan3A_1692 : i32
      %mul3A_1694 = arith.constant 16 : i32
      %mul3A_1695 = arith.muli %scan3A_1693, %mul3A_1694 : i32
      %get3A_1696 = arith.constant 1 : i32
      %get3A_1697 = arith.constant 0 : i32
      %get3A_1698 = arith.index_cast %get3A_1696 : i32 to index
      %get3A_1699 = arith.index_cast %get3A_1697 : i32 to index
      %get3A_1700 = arith.index_cast %mul3A_1695 : i32 to index
      %get3A_1701 = tpu.vector_load %arg4[%get3A_1698, %get3A_1699, %get3A_1700] {strides = array<i32>} : memref<2x16x2048xf32, #tpu.memory_space<vmem>>, vector<1x1x16xf32>,
      %get3A_1702 = vector.shape_cast %get3A_1701 : vector<1x1x16xf32> to vector<16xf32>
      %get3A_1703 = arith.constant 1 : i32
      %get3A_1704 = arith.constant 1 : i32
      %get3A_1705 = arith.index_cast %get3A_1703 : i32 to index
      %get3A_1706 = arith.index_cast %get3A_1704 : i32 to index
      %get3A_1707 = arith.index_cast %mul3A_1695 : i32 to index
      %get3A_1708 = tpu.vector_load %arg4[%get3A_1705, %get3A_1706, %get3A_1707] {strides = array<i32>} : memref<2x16x2048xf32, #tpu.memory_space<vmem>>, vector<1x1x16xf32>,
      %get3A_1709 = vector.shape_cast %get3A_1708 : vector<1x1x16xf32> to vector<16xf32>
      %get3A_1710 = arith.constant 1 : i32
      %get3A_1711 = arith.constant 2 : i32
      %get3A_1712 = arith.index_cast %get3A_1710 : i32 to index
      %get3A_1713 = arith.index_cast %get3A_1711 : i32 to index
      %get3A_1714 = arith.index_cast %mul3A_1695 : i32 to index
      %get3A_1715 = tpu.vector_load %arg4[%get3A_1712, %get3A_1713, %get3A_1714] {strides = array<i32>} : memref<2x16x2048xf32, #tpu.memory_space<vmem>>, vector<1x1x16xf32>,
      %get3A_1716 = vector.shape_cast %get3A_1715 : vector<1x1x16xf32> to vector<16xf32>
      %get3A_1717 = arith.constant 1 : i32
      %get3A_1718 = arith.constant 3 : i32
      %get3A_1719 = arith.index_cast %get3A_1717 : i32 to index
      %get3A_1720 = arith.index_cast %get3A_1718 : i32 to index
      %get3A_1721 = arith.index_cast %mul3A_1695 : i32 to index
      %get3A_1722 = tpu.vector_load %arg4[%get3A_1719, %get3A_1720, %get3A_1721] {strides = array<i32>} : memref<2x16x2048xf32, #tpu.memory_space<vmem>>, vector<1x1x16xf32>,
      %get3A_1723 = vector.shape_cast %get3A_1722 : vector<1x1x16xf32> to vector<16xf32>
      %get3A_1724 = arith.constant 1 : i32
      %get3A_1725 = arith.constant 4 : i32
      %get3A_1726 = arith.index_cast %get3A_1724 : i32 to index
      %get3A_1727 = arith.index_cast %get3A_1725 : i32 to index
      %get3A_1728 = arith.index_cast %mul3A_1695 : i32 to index
      %get3A_1729 = tpu.vector_load %arg4[%get3A_1726, %get3A_1727, %get3A_1728] {strides = array<i32>} : memref<2x16x2048xf32, #tpu.memory_space<vmem>>, vector<1x1x16xf32>,
      %get3A_1730 = vector.shape_cast %get3A_1729 : vector<1x1x16xf32> to vector<16xf32>
      %get3A_1731 = arith.constant 1 : i32
      %get3A_1732 = arith.constant 5 : i32
      %get3A_1733 = arith.index_cast %get3A_1731 : i32 to index
      %get3A_1734 = arith.index_cast %get3A_1732 : i32 to index
      %get3A_1735 = arith.index_cast %mul3A_1695 : i32 to index
      %get3A_1736 = tpu.vector_load %arg4[%get3A_1733, %get3A_1734, %get3A_1735] {strides = array<i32>} : memref<2x16x2048xf32, #tpu.memory_space<vmem>>, vector<1x1x16xf32>,
      %get3A_1737 = vector.shape_cast %get3A_1736 : vector<1x1x16xf32> to vector<16xf32>
      %get3A_1738 = arith.constant 1 : i32
      %get3A_1739 = arith.constant 6 : i32
      %get3A_1740 = arith.index_cast %get3A_1738 : i32 to index
      %get3A_1741 = arith.index_cast %get3A_1739 : i32 to index
      %get3A_1742 = arith.index_cast %mul3A_1695 : i32 to index
      %get3A_1743 = tpu.vector_load %arg4[%get3A_1740, %get3A_1741, %get3A_1742] {strides = array<i32>} : memref<2x16x2048xf32, #tpu.memory_space<vmem>>, vector<1x1x16xf32>,
      %get3A_1744 = vector.shape_cast %get3A_1743 : vector<1x1x16xf32> to vector<16xf32>
      %get3A_1745 = arith.constant 1 : i32
      %get3A_1746 = arith.constant 7 : i32
      %get3A_1747 = arith.index_cast %get3A_1745 : i32 to index
      %get3A_1748 = arith.index_cast %get3A_1746 : i32 to index
      %get3A_1749 = arith.index_cast %mul3A_1695 : i32 to index
      %get3A_1750 = tpu.vector_load %arg4[%get3A_1747, %get3A_1748, %get3A_1749] {strides = array<i32>} : memref<2x16x2048xf32, #tpu.memory_space<vmem>>, vector<1x1x16xf32>,
      %get3A_1751 = vector.shape_cast %get3A_1750 : vector<1x1x16xf32> to vector<16xf32>
      %get3A_1752 = arith.constant 1 : i32
      %get3A_1753 = arith.constant 8 : i32
      %get3A_1754 = arith.index_cast %get3A_1752 : i32 to index
      %get3A_1755 = arith.index_cast %get3A_1753 : i32 to index
      %get3A_1756 = arith.index_cast %mul3A_1695 : i32 to index
      %get3A_1757 = tpu.vector_load %arg4[%get3A_1754, %get3A_1755, %get3A_1756] {strides = array<i32>} : memref<2x16x2048xf32, #tpu.memory_space<vmem>>, vector<1x1x16xf32>,
      %get3A_1758 = vector.shape_cast %get3A_1757 : vector<1x1x16xf32> to vector<16xf32>
      %get3A_1759 = arith.constant 1 : i32
      %get3A_1760 = arith.constant 9 : i32
      %get3A_1761 = arith.index_cast %get3A_1759 : i32 to index
      %get3A_1762 = arith.index_cast %get3A_1760 : i32 to index
      %get3A_1763 = arith.index_cast %mul3A_1695 : i32 to index
      %get3A_1764 = tpu.vector_load %arg4[%get3A_1761, %get3A_1762, %get3A_1763] {strides = array<i32>} : memref<2x16x2048xf32, #tpu.memory_space<vmem>>, vector<1x1x16xf32>,
      %get3A_1765 = vector.shape_cast %get3A_1764 : vector<1x1x16xf32> to vector<16xf32>
      %get3A_1766 = arith.constant 1 : i32
      %get3A_1767 = arith.constant 10 : i32
      %get3A_1768 = arith.index_cast %get3A_1766 : i32 to index
      %get3A_1769 = arith.index_cast %get3A_1767 : i32 to index
      %get3A_1770 = arith.index_cast %mul3A_1695 : i32 to index
      %get3A_1771 = tpu.vector_load %arg4[%get3A_1768, %get3A_1769, %get3A_1770] {strides = array<i32>} : memref<2x16x2048xf32, #tpu.memory_space<vmem>>, vector<1x1x16xf32>,
      %get3A_1772 = vector.shape_cast %get3A_1771 : vector<1x1x16xf32> to vector<16xf32>
      %get3A_1773 = arith.constant 1 : i32
      %get3A_1774 = arith.constant 11 : i32
      %get3A_1775 = arith.index_cast %get3A_1773 : i32 to index
      %get3A_1776 = arith.index_cast %get3A_1774 : i32 to index
      %get3A_1777 = arith.index_cast %mul3A_1695 : i32 to index
      %get3A_1778 = tpu.vector_load %arg4[%get3A_1775, %get3A_1776, %get3A_1777] {strides = array<i32>} : memref<2x16x2048xf32, #tpu.memory_space<vmem>>, vector<1x1x16xf32>,
      %get3A_1779 = vector.shape_cast %get3A_1778 : vector<1x1x16xf32> to vector<16xf32>
      %get3A_1780 = arith.constant 1 : i32
      %get3A_1781 = arith.constant 12 : i32
      %get3A_1782 = arith.index_cast %get3A_1780 : i32 to index
      %get3A_1783 = arith.index_cast %get3A_1781 : i32 to index
      %get3A_1784 = arith.index_cast %mul3A_1695 : i32 to index
      %get3A_1785 = tpu.vector_load %arg4[%get3A_1782, %get3A_1783, %get3A_1784] {strides = array<i32>} : memref<2x16x2048xf32, #tpu.memory_space<vmem>>, vector<1x1x16xf32>,
      %get3A_1786 = vector.shape_cast %get3A_1785 : vector<1x1x16xf32> to vector<16xf32>
      %get3A_1787 = arith.constant 1 : i32
      %get3A_1788 = arith.constant 13 : i32
      %get3A_1789 = arith.index_cast %get3A_1787 : i32 to index
      %get3A_1790 = arith.index_cast %get3A_1788 : i32 to index
      %get3A_1791 = arith.index_cast %mul3A_1695 : i32 to index
      %get3A_1792 = tpu.vector_load %arg4[%get3A_1789, %get3A_1790, %get3A_1791] {strides = array<i32>} : memref<2x16x2048xf32, #tpu.memory_space<vmem>>, vector<1x1x16xf32>,
      %get3A_1793 = vector.shape_cast %get3A_1792 : vector<1x1x16xf32> to vector<16xf32>
      %get3A_1794 = arith.constant 1 : i32
      %get3A_1795 = arith.constant 14 : i32
      %get3A_1796 = arith.index_cast %get3A_1794 : i32 to index
      %get3A_1797 = arith.index_cast %get3A_1795 : i32 to index
      %get3A_1798 = arith.index_cast %mul3A_1695 : i32 to index
      %get3A_1799 = tpu.vector_load %arg4[%get3A_1796, %get3A_1797, %get3A_1798] {strides = array<i32>} : memref<2x16x2048xf32, #tpu.memory_space<vmem>>, vector<1x1x16xf32>,
      %get3A_1800 = vector.shape_cast %get3A_1799 : vector<1x1x16xf32> to vector<16xf32>
      %get3A_1801 = arith.constant 1 : i32
      %get3A_1802 = arith.constant 15 : i32
      %get3A_1803 = arith.index_cast %get3A_1801 : i32 to index
      %get3A_1804 = arith.index_cast %get3A_1802 : i32 to index
      %get3A_1805 = arith.index_cast %mul3A_1695 : i32 to index
      %get3A_1806 = tpu.vector_load %arg4[%get3A_1803, %get3A_1804, %get3A_1805] {strides = array<i32>} : memref<2x16x2048xf32, #tpu.memory_space<vmem>>, vector<1x1x16xf32>,
      %get3A_1807 = vector.shape_cast %get3A_1806 : vector<1x1x16xf32> to vector<16xf32>
      %add3A_1808 = arith.addf %get3A_1702, %get3A_1709 : vector<16xf32>
      %add3A_1809 = arith.addf %get3A_1716, %get3A_1723 : vector<16xf32>
      %add3A_1810 = arith.addf %get3A_1730, %get3A_1737 : vector<16xf32>
      %add3A_1811 = arith.addf %get3A_1744, %get3A_1751 : vector<16xf32>
      %add3A_1812 = arith.addf %get3A_1758, %get3A_1765 : vector<16xf32>
      %add3A_1813 = arith.addf %get3A_1772, %get3A_1779 : vector<16xf32>
      %add3A_1814 = arith.addf %get3A_1786, %get3A_1793 : vector<16xf32>
      %add3A_1815 = arith.addf %get3A_1800, %get3A_1807 : vector<16xf32>
      %add3A_1816 = arith.addf %add3A_1808, %add3A_1809 : vector<16xf32>
      %add3A_1817 = arith.addf %add3A_1810, %add3A_1811 : vector<16xf32>
      %add3A_1818 = arith.addf %add3A_1812, %add3A_1813 : vector<16xf32>
      %add3A_1819 = arith.addf %add3A_1814, %add3A_1815 : vector<16xf32>
      %add3A_1820 = arith.addf %add3A_1816, %add3A_1817 : vector<16xf32>
      %add3A_1821 = arith.addf %add3A_1818, %add3A_1819 : vector<16xf32>
      %add3A_1822 = arith.addf %add3A_1820, %add3A_1821 : vector<16xf32>
      %get3A_1823 = arith.index_cast %mul3A_1695 : i32 to index
      %get3A_1824 = tpu.vector_load %arg5[%get3A_1823] {strides = array<i32>} : memref<2048xf32, #tpu.memory_space<vmem>>, vector<16xf32>,
      %get3A_1825 = vector.shape_cast %get3A_1824 : vector<16xf32> to vector<16xf32>
      %add3A_1826 = arith.addf %get3A_1825, %add3A_1822 : vector<16xf32>
      %swap3A_1827 = arith.index_cast %mul3A_1695 : i32 to index
      %swap3A_1828 = tpu.vector_load %arg5[%swap3A_1827] {strides = array<i32>} : memref<2048xf32, #tpu.memory_space<vmem>>, vector<16xf32>,
      %swap3A_1829 = vector.shape_cast %swap3A_1828 : vector<16xf32> to vector<16xf32>
      %swap3A_1830 = vector.shape_cast %add3A_1826 : vector<16xf32> to vector<16xf32>
      tpu.vector_store %arg5[%swap3A_1827], %swap3A_1830 {strides = array<i32>} : memref<2048xf32, #tpu.memory_space<vmem>>, vector<16xf32>,
      %scan3A_1831 = arith.constant 0 : i32
      %scan3A_1832 = arith.constant 3 : i32
      %scan3A_1833 = arith.addi %scan3A_1413, %scan3A_1832 : i32
      %mul3A_1834 = arith.constant 16 : i32
      %mul3A_1835 = arith.muli %scan3A_1833, %mul3A_1834 : i32
      %get3A_1836 = arith.constant 1 : i32
      %get3A_1837 = arith.constant 0 : i32
      %get3A_1838 = arith.index_cast %get3A_1836 : i32 to index
      %get3A_1839 = arith.index_cast %get3A_1837 : i32 to index
      %get3A_1840 = arith.index_cast %mul3A_1835 : i32 to index
      %get3A_1841 = tpu.vector_load %arg4[%get3A_1838, %get3A_1839, %get3A_1840] {strides = array<i32>} : memref<2x16x2048xf32, #tpu.memory_space<vmem>>, vector<1x1x16xf32>,
      %get3A_1842 = vector.shape_cast %get3A_1841 : vector<1x1x16xf32> to vector<16xf32>
      %get3A_1843 = arith.constant 1 : i32
      %get3A_1844 = arith.constant 1 : i32
      %get3A_1845 = arith.index_cast %get3A_1843 : i32 to index
      %get3A_1846 = arith.index_cast %get3A_1844 : i32 to index
      %get3A_1847 = arith.index_cast %mul3A_1835 : i32 to index
      %get3A_1848 = tpu.vector_load %arg4[%get3A_1845, %get3A_1846, %get3A_1847] {strides = array<i32>} : memref<2x16x2048xf32, #tpu.memory_space<vmem>>, vector<1x1x16xf32>,
      %get3A_1849 = vector.shape_cast %get3A_1848 : vector<1x1x16xf32> to vector<16xf32>
      %get3A_1850 = arith.constant 1 : i32
      %get3A_1851 = arith.constant 2 : i32
      %get3A_1852 = arith.index_cast %get3A_1850 : i32 to index
      %get3A_1853 = arith.index_cast %get3A_1851 : i32 to index
      %get3A_1854 = arith.index_cast %mul3A_1835 : i32 to index
      %get3A_1855 = tpu.vector_load %arg4[%get3A_1852, %get3A_1853, %get3A_1854] {strides = array<i32>} : memref<2x16x2048xf32, #tpu.memory_space<vmem>>, vector<1x1x16xf32>,
      %get3A_1856 = vector.shape_cast %get3A_1855 : vector<1x1x16xf32> to vector<16xf32>
      %get3A_1857 = arith.constant 1 : i32
      %get3A_1858 = arith.constant 3 : i32
      %get3A_1859 = arith.index_cast %get3A_1857 : i32 to index
      %get3A_1860 = arith.index_cast %get3A_1858 : i32 to index
      %get3A_1861 = arith.index_cast %mul3A_1835 : i32 to index
      %get3A_1862 = tpu.vector_load %arg4[%get3A_1859, %get3A_1860, %get3A_1861] {strides = array<i32>} : memref<2x16x2048xf32, #tpu.memory_space<vmem>>, vector<1x1x16xf32>,
      %get3A_1863 = vector.shape_cast %get3A_1862 : vector<1x1x16xf32> to vector<16xf32>
      %get3A_1864 = arith.constant 1 : i32
      %get3A_1865 = arith.constant 4 : i32
      %get3A_1866 = arith.index_cast %get3A_1864 : i32 to index
      %get3A_1867 = arith.index_cast %get3A_1865 : i32 to index
      %get3A_1868 = arith.index_cast %mul3A_1835 : i32 to index
      %get3A_1869 = tpu.vector_load %arg4[%get3A_1866, %get3A_1867, %get3A_1868] {strides = array<i32>} : memref<2x16x2048xf32, #tpu.memory_space<vmem>>, vector<1x1x16xf32>,
      %get3A_1870 = vector.shape_cast %get3A_1869 : vector<1x1x16xf32> to vector<16xf32>
      %get3A_1871 = arith.constant 1 : i32
      %get3A_1872 = arith.constant 5 : i32
      %get3A_1873 = arith.index_cast %get3A_1871 : i32 to index
      %get3A_1874 = arith.index_cast %get3A_1872 : i32 to index
      %get3A_1875 = arith.index_cast %mul3A_1835 : i32 to index
      %get3A_1876 = tpu.vector_load %arg4[%get3A_1873, %get3A_1874, %get3A_1875] {strides = array<i32>} : memref<2x16x2048xf32, #tpu.memory_space<vmem>>, vector<1x1x16xf32>,
      %get3A_1877 = vector.shape_cast %get3A_1876 : vector<1x1x16xf32> to vector<16xf32>
      %get3A_1878 = arith.constant 1 : i32
      %get3A_1879 = arith.constant 6 : i32
      %get3A_1880 = arith.index_cast %get3A_1878 : i32 to index
      %get3A_1881 = arith.index_cast %get3A_1879 : i32 to index
      %get3A_1882 = arith.index_cast %mul3A_1835 : i32 to index
      %get3A_1883 = tpu.vector_load %arg4[%get3A_1880, %get3A_1881, %get3A_1882] {strides = array<i32>} : memref<2x16x2048xf32, #tpu.memory_space<vmem>>, vector<1x1x16xf32>,
      %get3A_1884 = vector.shape_cast %get3A_1883 : vector<1x1x16xf32> to vector<16xf32>
      %get3A_1885 = arith.constant 1 : i32
      %get3A_1886 = arith.constant 7 : i32
      %get3A_1887 = arith.index_cast %get3A_1885 : i32 to index
      %get3A_1888 = arith.index_cast %get3A_1886 : i32 to index
      %get3A_1889 = arith.index_cast %mul3A_1835 : i32 to index
      %get3A_1890 = tpu.vector_load %arg4[%get3A_1887, %get3A_1888, %get3A_1889] {strides = array<i32>} : memref<2x16x2048xf32, #tpu.memory_space<vmem>>, vector<1x1x16xf32>,
      %get3A_1891 = vector.shape_cast %get3A_1890 : vector<1x1x16xf32> to vector<16xf32>
      %get3A_1892 = arith.constant 1 : i32
      %get3A_1893 = arith.constant 8 : i32
      %get3A_1894 = arith.index_cast %get3A_1892 : i32 to index
      %get3A_1895 = arith.index_cast %get3A_1893 : i32 to index
      %get3A_1896 = arith.index_cast %mul3A_1835 : i32 to index
      %get3A_1897 = tpu.vector_load %arg4[%get3A_1894, %get3A_1895, %get3A_1896] {strides = array<i32>} : memref<2x16x2048xf32, #tpu.memory_space<vmem>>, vector<1x1x16xf32>,
      %get3A_1898 = vector.shape_cast %get3A_1897 : vector<1x1x16xf32> to vector<16xf32>
      %get3A_1899 = arith.constant 1 : i32
      %get3A_1900 = arith.constant 9 : i32
      %get3A_1901 = arith.index_cast %get3A_1899 : i32 to index
      %get3A_1902 = arith.index_cast %get3A_1900 : i32 to index
      %get3A_1903 = arith.index_cast %mul3A_1835 : i32 to index
      %get3A_1904 = tpu.vector_load %arg4[%get3A_1901, %get3A_1902, %get3A_1903] {strides = array<i32>} : memref<2x16x2048xf32, #tpu.memory_space<vmem>>, vector<1x1x16xf32>,
      %get3A_1905 = vector.shape_cast %get3A_1904 : vector<1x1x16xf32> to vector<16xf32>
      %get3A_1906 = arith.constant 1 : i32
      %get3A_1907 = arith.constant 10 : i32
      %get3A_1908 = arith.index_cast %get3A_1906 : i32 to index
      %get3A_1909 = arith.index_cast %get3A_1907 : i32 to index
      %get3A_1910 = arith.index_cast %mul3A_1835 : i32 to index
      %get3A_1911 = tpu.vector_load %arg4[%get3A_1908, %get3A_1909, %get3A_1910] {strides = array<i32>} : memref<2x16x2048xf32, #tpu.memory_space<vmem>>, vector<1x1x16xf32>,
      %get3A_1912 = vector.shape_cast %get3A_1911 : vector<1x1x16xf32> to vector<16xf32>
      %get3A_1913 = arith.constant 1 : i32
      %get3A_1914 = arith.constant 11 : i32
      %get3A_1915 = arith.index_cast %get3A_1913 : i32 to index
      %get3A_1916 = arith.index_cast %get3A_1914 : i32 to index
      %get3A_1917 = arith.index_cast %mul3A_1835 : i32 to index
      %get3A_1918 = tpu.vector_load %arg4[%get3A_1915, %get3A_1916, %get3A_1917] {strides = array<i32>} : memref<2x16x2048xf32, #tpu.memory_space<vmem>>, vector<1x1x16xf32>,
      %get3A_1919 = vector.shape_cast %get3A_1918 : vector<1x1x16xf32> to vector<16xf32>
      %get3A_1920 = arith.constant 1 : i32
      %get3A_1921 = arith.constant 12 : i32
      %get3A_1922 = arith.index_cast %get3A_1920 : i32 to index
      %get3A_1923 = arith.index_cast %get3A_1921 : i32 to index
      %get3A_1924 = arith.index_cast %mul3A_1835 : i32 to index
      %get3A_1925 = tpu.vector_load %arg4[%get3A_1922, %get3A_1923, %get3A_1924] {strides = array<i32>} : memref<2x16x2048xf32, #tpu.memory_space<vmem>>, vector<1x1x16xf32>,
      %get3A_1926 = vector.shape_cast %get3A_1925 : vector<1x1x16xf32> to vector<16xf32>
      %get3A_1927 = arith.constant 1 : i32
      %get3A_1928 = arith.constant 13 : i32
      %get3A_1929 = arith.index_cast %get3A_1927 : i32 to index
      %get3A_1930 = arith.index_cast %get3A_1928 : i32 to index
      %get3A_1931 = arith.index_cast %mul3A_1835 : i32 to index
      %get3A_1932 = tpu.vector_load %arg4[%get3A_1929, %get3A_1930, %get3A_1931] {strides = array<i32>} : memref<2x16x2048xf32, #tpu.memory_space<vmem>>, vector<1x1x16xf32>,
      %get3A_1933 = vector.shape_cast %get3A_1932 : vector<1x1x16xf32> to vector<16xf32>
      %get3A_1934 = arith.constant 1 : i32
      %get3A_1935 = arith.constant 14 : i32
      %get3A_1936 = arith.index_cast %get3A_1934 : i32 to index
      %get3A_1937 = arith.index_cast %get3A_1935 : i32 to index
      %get3A_1938 = arith.index_cast %mul3A_1835 : i32 to index
      %get3A_1939 = tpu.vector_load %arg4[%get3A_1936, %get3A_1937, %get3A_1938] {strides = array<i32>} : memref<2x16x2048xf32, #tpu.memory_space<vmem>>, vector<1x1x16xf32>,
      %get3A_1940 = vector.shape_cast %get3A_1939 : vector<1x1x16xf32> to vector<16xf32>
      %get3A_1941 = arith.constant 1 : i32
      %get3A_1942 = arith.constant 15 : i32
      %get3A_1943 = arith.index_cast %get3A_1941 : i32 to index
      %get3A_1944 = arith.index_cast %get3A_1942 : i32 to index
      %get3A_1945 = arith.index_cast %mul3A_1835 : i32 to index
      %get3A_1946 = tpu.vector_load %arg4[%get3A_1943, %get3A_1944, %get3A_1945] {strides = array<i32>} : memref<2x16x2048xf32, #tpu.memory_space<vmem>>, vector<1x1x16xf32>,
      %get3A_1947 = vector.shape_cast %get3A_1946 : vector<1x1x16xf32> to vector<16xf32>
      %add3A_1948 = arith.addf %get3A_1842, %get3A_1849 : vector<16xf32>
      %add3A_1949 = arith.addf %get3A_1856, %get3A_1863 : vector<16xf32>
      %add3A_1950 = arith.addf %get3A_1870, %get3A_1877 : vector<16xf32>
      %add3A_1951 = arith.addf %get3A_1884, %get3A_1891 : vector<16xf32>
      %add3A_1952 = arith.addf %get3A_1898, %get3A_1905 : vector<16xf32>
      %add3A_1953 = arith.addf %get3A_1912, %get3A_1919 : vector<16xf32>
      %add3A_1954 = arith.addf %get3A_1926, %get3A_1933 : vector<16xf32>
      %add3A_1955 = arith.addf %get3A_1940, %get3A_1947 : vector<16xf32>
      %add3A_1956 = arith.addf %add3A_1948, %add3A_1949 : vector<16xf32>
      %add3A_1957 = arith.addf %add3A_1950, %add3A_1951 : vector<16xf32>
      %add3A_1958 = arith.addf %add3A_1952, %add3A_1953 : vector<16xf32>
      %add3A_1959 = arith.addf %add3A_1954, %add3A_1955 : vector<16xf32>
      %add3A_1960 = arith.addf %add3A_1956, %add3A_1957 : vector<16xf32>
      %add3A_1961 = arith.addf %add3A_1958, %add3A_1959 : vector<16xf32>
      %add3A_1962 = arith.addf %add3A_1960, %add3A_1961 : vector<16xf32>
      %get3A_1963 = arith.index_cast %mul3A_1835 : i32 to index
      %get3A_1964 = tpu.vector_load %arg5[%get3A_1963] {strides = array<i32>} : memref<2048xf32, #tpu.memory_space<vmem>>, vector<16xf32>,
      %get3A_1965 = vector.shape_cast %get3A_1964 : vector<16xf32> to vector<16xf32>
      %add3A_1966 = arith.addf %get3A_1965, %add3A_1962 : vector<16xf32>
      %swap3A_1967 = arith.index_cast %mul3A_1835 : i32 to index
      %swap3A_1968 = tpu.vector_load %arg5[%swap3A_1967] {strides = array<i32>} : memref<2048xf32, #tpu.memory_space<vmem>>, vector<16xf32>,
      %swap3A_1969 = vector.shape_cast %swap3A_1968 : vector<16xf32> to vector<16xf32>
      %swap3A_1970 = vector.shape_cast %add3A_1966 : vector<16xf32> to vector<16xf32>
      tpu.vector_store %arg5[%swap3A_1967], %swap3A_1970 {strides = array<i32>} : memref<2048xf32, #tpu.memory_space<vmem>>, vector<16xf32>,
      %scan3A_1971 = arith.constant 0 : i32
      scf.yield %scan3A_1971 : i32
    }
    %scan3A_1410 = arith.constant 128 : i32
    %scan3A_1411 = arith.constant 0 : i32
    %scan3A_1412 = arith.constant 1 : i32
    "tpu.region"() ({
      %run_scoped3A = tpu.sem_alloc : memref<!tpu.dma_semaphore, #tpu.memory_space<semaphore_mem>>
      %dma_start3A_1413 = arith.constant 0 : i32
      %dma_start3A_1414 = tpu.memref_slice %arg3[%add3A, %dma_start3A_1413] : memref<32x2048xf32, #tpu.memory_space<hbm>> -> memref<1x2048xf32, #tpu.memory_space<hbm>>
      %dma_start3A_1415 = tpu.memref_squeeze %dma_start3A_1414 : memref<1x2048xf32, #tpu.memory_space<hbm>> -> memref<2048xf32, #tpu.memory_space<hbm>>
      %dma_start3A_1416 = arith.constant 0 : i32
      %dma_start3A_1417 = tpu.memref_slice %arg3[%add3A, %dma_start3A_1416] : memref<32x2048xf32, #tpu.memory_space<hbm>> -> memref<1x2048xf32, #tpu.memory_space<hbm>>
      %dma_start3A_1418 = tpu.memref_squeeze %dma_start3A_1417 : memref<1x2048xf32, #tpu.memory_space<hbm>> -> memref<2048xf32, #tpu.memory_space<hbm>>
      tpu.enqueue_dma source(%arg5 : memref<2048xf32, #tpu.memory_space<vmem>>) target(%dma_start3A_1418 : memref<2048xf32, #tpu.memory_space<hbm>>) target_semaphore(%run_scoped3A : memref<!tpu.dma_semaphore, #tpu.memory_space<semaphore_mem>>)
      %dma_wait3A_1419 = arith.constant 0 : i32
      %dma_wait3A_1420 = tpu.memref_slice %arg3[%add3A, %dma_wait3A_1419] : memref<32x2048xf32, #tpu.memory_space<hbm>> -> memref<1x2048xf32, #tpu.memory_space<hbm>>
      %dma_wait3A_1421 = tpu.memref_squeeze %dma_wait3A_1420 : memref<1x2048xf32, #tpu.memory_space<hbm>> -> memref<2048xf32, #tpu.memory_space<hbm>>
      %dma_wait3A_1422 = arith.constant 0 : i32
      %dma_wait3A_1423 = tpu.memref_slice %arg3[%add3A, %dma_wait3A_1422] : memref<32x2048xf32, #tpu.memory_space<hbm>> -> memref<1x2048xf32, #tpu.memory_space<hbm>>
      %dma_wait3A_1424 = tpu.memref_squeeze %dma_wait3A_1423 : memref<1x2048xf32, #tpu.memory_space<hbm>> -> memref<2048xf32, #tpu.memory_space<hbm>>
      tpu.wait_dma2 semaphore(%run_scoped3A : memref<!tpu.dma_semaphore, #tpu.memory_space<semaphore_mem>>) src(%arg5 : memref<2048xf32, #tpu.memory_space<vmem>>) dst(%dma_wait3A_1424 : memref<2048xf32, #tpu.memory_space<hbm>>)
      tpu.yield
    }) : () -> ()
    return
  }
}

module attributes {stable_mosaic.version = 14 : i64} {
  func.func @_tc_pool_kernel(%arg0: i32, %arg1: memref<4x256x2048xf32, #tpu.memory_space<vmem>>, %arg2: memref<4x2048xf32, #tpu.memory_space<vmem>>) attributes {dimension_semantics = [#tpu.dimension_semantics<arbitrary>], iteration_bounds = array<i64: 15>, scalar_prefetch = 0 : i64, scratch_operands = 0 : i64, tpu.core_type = #tpu.core_type<tc>, window_params = [{transform_indices = @transform_0, window_bounds = array<i64: 4, 256, 2048>}, {pipeline_mode = #tpu.pipeline_mode<synchronous>, transform_indices = @transform_1, window_bounds = array<i64: 4, 2048>}]} {
    %eq3A = arith.constant 0 : i32
    %eq3A_0 = arith.cmpi eq, %arg0, %eq3A : i32
    %convert_element_type3A = arith.extui %eq3A_0 : i1 to i32
    %cond3A = arith.constant 0 : i32
    %cond3A_1 = arith.cmpi ne, %convert_element_type3A, %cond3A : i32
    scf.if %cond3A_1 {
      %broadcast_in_dim3A = arith.constant 0.000000e+00 : f32
      %broadcast_in_dim3A_11 = vector.broadcast %broadcast_in_dim3A : f32 to vector<4x2048xf32>
      %swap3A_12 = arith.constant 0 : index
      %swap3A_13 = arith.constant 0 : index
      %swap3A_14 = vector.load %arg2[%swap3A_12, %swap3A_13] : memref<4x2048xf32, #tpu.memory_space<vmem>>, vector<4x2048xf32>
      tpu.vector_store %arg2[%swap3A_12, %swap3A_13], %broadcast_in_dim3A_11 {strides = array<i32>} : memref<4x2048xf32, #tpu.memory_space<vmem>>, vector<4x2048xf32>,
    } else {
    }
    %get3A = arith.constant 0 : index
    %get3A_2 = arith.constant 0 : index
    %get3A_3 = vector.load %arg2[%get3A, %get3A_2] : memref<4x2048xf32, #tpu.memory_space<vmem>>, vector<4x2048xf32>
    %get3A_4 = arith.constant 0 : index
    %get3A_5 = arith.constant 0 : index
    %get3A_6 = arith.constant 0 : index
    %get3A_7 = vector.load %arg1[%get3A_4, %get3A_5, %get3A_6] : memref<4x256x2048xf32, #tpu.memory_space<vmem>>, vector<4x256x2048xf32>
    %reduce_sum3A = arith.constant dense<0.000000e+00> : vector<4x2048xf32>
    %reduce_sum3A_8 = vector.multi_reduction <add>, %get3A_7, %reduce_sum3A [1] : vector<4x256x2048xf32> to vector<4x2048xf32>
    %add3A = arith.addf %get3A_3, %reduce_sum3A_8 : vector<4x2048xf32>
    %swap3A = arith.constant 0 : index
    %swap3A_9 = arith.constant 0 : index
    %swap3A_10 = vector.load %arg2[%swap3A, %swap3A_9] : memref<4x2048xf32, #tpu.memory_space<vmem>>, vector<4x2048xf32>
    tpu.vector_store %arg2[%swap3A, %swap3A_9], %add3A {strides = array<i32>} : memref<4x2048xf32, #tpu.memory_space<vmem>>, vector<4x2048xf32>,
    return
  }
  func.func @transform_0(%arg0: i32) -> (i32, i32, i32) {
    %add3A = arith.constant 1 : i32
    %add3A_0 = arith.addi %arg0, %add3A : i32
    %c0_i32 = arith.constant 0 : i32
    %c0_i32_1 = arith.constant 0 : i32
    %c0_i32_2 = arith.constant 0 : i32
    return %c0_i32, %add3A_0, %c0_i32_1 : i32, i32, i32
  }
  func.func @transform_1(%arg0: i32) -> (i32, i32) {
    %c0_i32 = arith.constant 0 : i32
    %c0_i32_0 = arith.constant 0 : i32
    %c0_i32_1 = arith.constant 0 : i32
    return %c0_i32, %c0_i32_0 : i32, i32
  }
}

module attributes {stable_mosaic.version = 14 : i64} {
  func.func @_finish_kernel(%arg0: memref<4xi32, #tpu.memory_space<smem>>, %arg1: memref<4xi32, #tpu.memory_space<smem>>, %arg2: memref<32x2048xf32, #tpu.memory_space<vmem>>, %arg3: memref<4x2048xf32, #tpu.memory_space<vmem>>, %arg4: memref<16x2048xf32, #tpu.memory_space<vmem>>, %arg5: memref<8x16xf32, #tpu.memory_space<vmem>>, %arg6: memref<4x16xf32, #tpu.memory_space<vmem>>, %arg7: memref<4x2xi32, #tpu.memory_space<vmem>>, %arg8: memref<4x2xf32, #tpu.memory_space<vmem>>) attributes {dimension_semantics = [], scalar_prefetch = 0 : i64, scratch_operands = 0 : i64, tpu.core_type = #tpu.core_type<tc>} {
    %get3A = arith.constant 0 : index
    %get3A_0 = arith.constant 0 : index
    %get3A_1 = vector.load %arg2[%get3A, %get3A_0] : memref<32x2048xf32, #tpu.memory_space<vmem>>, vector<32x2048xf32>
    %slice3A = vector.extract_strided_slice %get3A_1 {offsets = [0, 0], sizes = [8, 2048], strides = [1, 1]} : vector<32x2048xf32> to vector<8x2048xf32>
    %reduce_sum3A = arith.constant dense<0.000000e+00> : vector<2048xf32>
    %reduce_sum3A_2 = vector.multi_reduction <add>, %slice3A, %reduce_sum3A [0] : vector<8x2048xf32> to vector<2048xf32>
    %broadcast_in_dim3A = vector.shape_cast %reduce_sum3A_2 : vector<2048xf32> to vector<1x2048xf32>
    %slice3A_3 = vector.extract_strided_slice %get3A_1 {offsets = [8, 0], sizes = [8, 2048], strides = [1, 1]} : vector<32x2048xf32> to vector<8x2048xf32>
    %reduce_sum3A_4 = arith.constant dense<0.000000e+00> : vector<2048xf32>
    %reduce_sum3A_5 = vector.multi_reduction <add>, %slice3A_3, %reduce_sum3A_4 [0] : vector<8x2048xf32> to vector<2048xf32>
    %broadcast_in_dim3A_6 = vector.shape_cast %reduce_sum3A_5 : vector<2048xf32> to vector<1x2048xf32>
    %slice3A_7 = vector.extract_strided_slice %get3A_1 {offsets = [16, 0], sizes = [8, 2048], strides = [1, 1]} : vector<32x2048xf32> to vector<8x2048xf32>
    %reduce_sum3A_8 = arith.constant dense<0.000000e+00> : vector<2048xf32>
    %reduce_sum3A_9 = vector.multi_reduction <add>, %slice3A_7, %reduce_sum3A_8 [0] : vector<8x2048xf32> to vector<2048xf32>
    %broadcast_in_dim3A_10 = vector.shape_cast %reduce_sum3A_9 : vector<2048xf32> to vector<1x2048xf32>
    %slice3A_11 = vector.extract_strided_slice %get3A_1 {offsets = [24, 0], sizes = [8, 2048], strides = [1, 1]} : vector<32x2048xf32> to vector<8x2048xf32>
    %reduce_sum3A_12 = arith.constant dense<0.000000e+00> : vector<2048xf32>
    %reduce_sum3A_13 = vector.multi_reduction <add>, %slice3A_11, %reduce_sum3A_12 [0] : vector<8x2048xf32> to vector<2048xf32>
    %broadcast_in_dim3A_14 = vector.shape_cast %reduce_sum3A_13 : vector<2048xf32> to vector<1x2048xf32>
    %concatenate3A = tpu.concatenate %broadcast_in_dim3A, %broadcast_in_dim3A_6, %broadcast_in_dim3A_10, %broadcast_in_dim3A_14 in 0 : vector<1x2048xf32>, vector<1x2048xf32>, vector<1x2048xf32>, vector<1x2048xf32> -> vector<4x2048xf32>
    %get3A_15 = arith.constant 0 : index
    %get3A_16 = arith.constant 0 : index
    %get3A_17 = vector.load %arg3[%get3A_15, %get3A_16] : memref<4x2048xf32, #tpu.memory_space<vmem>>, vector<4x2048xf32>
    %add3A = arith.addf %concatenate3A, %get3A_17 : vector<4x2048xf32>
    %mul3A = arith.constant 2.44140625E-4 : f32
    %mul3A_18 = vector.broadcast %mul3A : f32 to vector<4x2048xf32>
    %mul3A_19 = arith.mulf %add3A, %mul3A_18 : vector<4x2048xf32>
    %get3A_20 = arith.constant 0 : index
    %get3A_21 = arith.constant 0 : index
    %get3A_22 = vector.load %arg4[%get3A_20, %get3A_21] : memref<16x2048xf32, #tpu.memory_space<vmem>>, vector<16x2048xf32>
    %dot_general3A = arith.constant dense<0.000000e+00> : vector<4x16xf32>
    %dot_general3A_23 = tpu.matmul %mul3A_19, %get3A_22, %dot_general3A {dimension_numbers = #tpu.dot_dimension_numbers<[1], [1], [0], [0], [0, 0, 1, 0], [], []>, transpose_lhs_hint = false} : vector<4x2048xf32>, vector<16x2048xf32>, vector<4x16xf32> -> vector<4x16xf32>
    %iota3A = tpu.iota {dimensions = array<i32: 1>} : vector<1x8xi32>
    %iota3A_24 = tpu.iota {dimensions = array<i32: 1>} : vector<1x4xi32>
    %get3A_25 = arith.constant 0 : index
    %get3A_26 = memref.load %arg0[%get3A_25] : memref<4xi32, #tpu.memory_space<smem>>
    %eq3A = vector.broadcast %get3A_26 : i32 to vector<1x8xi32>
    %eq3A_27 = arith.cmpi eq, %iota3A, %eq3A : vector<1x8xi32>
    %convert_element_type3A = arith.extui %eq3A_27 : vector<1x8xi1> to vector<1x8xi32>
    %convert_element_type3A_28 = arith.sitofp %convert_element_type3A : vector<1x8xi32> to vector<1x8xf32>
    %get3A_29 = arith.constant 1 : index
    %get3A_30 = memref.load %arg0[%get3A_29] : memref<4xi32, #tpu.memory_space<smem>>
    %eq3A_31 = vector.broadcast %get3A_30 : i32 to vector<1x8xi32>
    %eq3A_32 = arith.cmpi eq, %iota3A, %eq3A_31 : vector<1x8xi32>
    %convert_element_type3A_33 = arith.extui %eq3A_32 : vector<1x8xi1> to vector<1x8xi32>
    %convert_element_type3A_34 = arith.sitofp %convert_element_type3A_33 : vector<1x8xi32> to vector<1x8xf32>
    %get3A_35 = arith.constant 2 : index
    %get3A_36 = memref.load %arg0[%get3A_35] : memref<4xi32, #tpu.memory_space<smem>>
    %eq3A_37 = vector.broadcast %get3A_36 : i32 to vector<1x8xi32>
    %eq3A_38 = arith.cmpi eq, %iota3A, %eq3A_37 : vector<1x8xi32>
    %convert_element_type3A_39 = arith.extui %eq3A_38 : vector<1x8xi1> to vector<1x8xi32>
    %convert_element_type3A_40 = arith.sitofp %convert_element_type3A_39 : vector<1x8xi32> to vector<1x8xf32>
    %get3A_41 = arith.constant 3 : index
    %get3A_42 = memref.load %arg0[%get3A_41] : memref<4xi32, #tpu.memory_space<smem>>
    %eq3A_43 = vector.broadcast %get3A_42 : i32 to vector<1x8xi32>
    %eq3A_44 = arith.cmpi eq, %iota3A, %eq3A_43 : vector<1x8xi32>
    %convert_element_type3A_45 = arith.extui %eq3A_44 : vector<1x8xi1> to vector<1x8xi32>
    %convert_element_type3A_46 = arith.sitofp %convert_element_type3A_45 : vector<1x8xi32> to vector<1x8xf32>
    %concatenate3A_47 = tpu.concatenate %convert_element_type3A_28, %convert_element_type3A_34, %convert_element_type3A_40, %convert_element_type3A_46 in 0 : vector<1x8xf32>, vector<1x8xf32>, vector<1x8xf32>, vector<1x8xf32> -> vector<4x8xf32>
    %get3A_48 = arith.constant 0 : index
    %get3A_49 = memref.load %arg1[%get3A_48] : memref<4xi32, #tpu.memory_space<smem>>
    %eq3A_50 = vector.broadcast %get3A_49 : i32 to vector<1x4xi32>
    %eq3A_51 = arith.cmpi eq, %iota3A_24, %eq3A_50 : vector<1x4xi32>
    %convert_element_type3A_52 = arith.extui %eq3A_51 : vector<1x4xi1> to vector<1x4xi32>
    %convert_element_type3A_53 = arith.sitofp %convert_element_type3A_52 : vector<1x4xi32> to vector<1x4xf32>
    %get3A_54 = arith.constant 1 : index
    %get3A_55 = memref.load %arg1[%get3A_54] : memref<4xi32, #tpu.memory_space<smem>>
    %eq3A_56 = vector.broadcast %get3A_55 : i32 to vector<1x4xi32>
    %eq3A_57 = arith.cmpi eq, %iota3A_24, %eq3A_56 : vector<1x4xi32>
    %convert_element_type3A_58 = arith.extui %eq3A_57 : vector<1x4xi1> to vector<1x4xi32>
    %convert_element_type3A_59 = arith.sitofp %convert_element_type3A_58 : vector<1x4xi32> to vector<1x4xf32>
    %get3A_60 = arith.constant 2 : index
    %get3A_61 = memref.load %arg1[%get3A_60] : memref<4xi32, #tpu.memory_space<smem>>
    %eq3A_62 = vector.broadcast %get3A_61 : i32 to vector<1x4xi32>
    %eq3A_63 = arith.cmpi eq, %iota3A_24, %eq3A_62 : vector<1x4xi32>
    %convert_element_type3A_64 = arith.extui %eq3A_63 : vector<1x4xi1> to vector<1x4xi32>
    %convert_element_type3A_65 = arith.sitofp %convert_element_type3A_64 : vector<1x4xi32> to vector<1x4xf32>
    %get3A_66 = arith.constant 3 : index
    %get3A_67 = memref.load %arg1[%get3A_66] : memref<4xi32, #tpu.memory_space<smem>>
    %eq3A_68 = vector.broadcast %get3A_67 : i32 to vector<1x4xi32>
    %eq3A_69 = arith.cmpi eq, %iota3A_24, %eq3A_68 : vector<1x4xi32>
    %convert_element_type3A_70 = arith.extui %eq3A_69 : vector<1x4xi1> to vector<1x4xi32>
    %convert_element_type3A_71 = arith.sitofp %convert_element_type3A_70 : vector<1x4xi32> to vector<1x4xf32>
    %concatenate3A_72 = tpu.concatenate %convert_element_type3A_53, %convert_element_type3A_59, %convert_element_type3A_65, %convert_element_type3A_71 in 0 : vector<1x4xf32>, vector<1x4xf32>, vector<1x4xf32>, vector<1x4xf32> -> vector<4x4xf32>
    %get3A_73 = arith.constant 0 : index
    %get3A_74 = arith.constant 0 : index
    %get3A_75 = vector.load %arg5[%get3A_73, %get3A_74] : memref<8x16xf32, #tpu.memory_space<vmem>>, vector<8x16xf32>
    %dot_general3A_76 = arith.constant dense<0.000000e+00> : vector<4x16xf32>
    %dot_general3A_77 = tpu.matmul %concatenate3A_47, %get3A_75, %dot_general3A_76 {dimension_numbers = #tpu.dot_dimension_numbers<[1], [0], [0], [1], [0, 0, 1, 1], [], []>, transpose_lhs_hint = false} : vector<4x8xf32>, vector<8x16xf32>, vector<4x16xf32> -> vector<4x16xf32>
    %add3A_78 = arith.addf %dot_general3A_23, %dot_general3A_77 : vector<4x16xf32>
    %get3A_79 = arith.constant 0 : index
    %get3A_80 = arith.constant 0 : index
    %get3A_81 = vector.load %arg6[%get3A_79, %get3A_80] : memref<4x16xf32, #tpu.memory_space<vmem>>, vector<4x16xf32>
    %dot_general3A_82 = arith.constant dense<0.000000e+00> : vector<4x16xf32>
    %dot_general3A_83 = tpu.matmul %concatenate3A_72, %get3A_81, %dot_general3A_82 {dimension_numbers = #tpu.dot_dimension_numbers<[1], [0], [0], [1], [0, 0, 1, 1], [], []>, transpose_lhs_hint = false} : vector<4x4xf32>, vector<4x16xf32>, vector<4x16xf32> -> vector<4x16xf32>
    %add3A_84 = arith.addf %add3A_78, %dot_general3A_83 : vector<4x16xf32>
    %iota3A_85 = tpu.iota {dimensions = array<i32: 1>} : vector<4x16xi32>
    %reduce_max3A = arith.constant dense<0xFF800000> : vector<4xf32>
    %reduce_max3A_86 = vector.multi_reduction <maximumf>, %add3A_84, %reduce_max3A [1] : vector<4x16xf32> to vector<4xf32>
    %broadcast_in_dim3A_87 = vector.shape_cast %reduce_max3A_86 : vector<4xf32> to vector<4x1xf32>
    %eq3A_88 = vector.broadcast %broadcast_in_dim3A_87 : vector<4x1xf32> to vector<4x16xf32>
    %eq3A_89 = arith.cmpf oeq, %add3A_84, %eq3A_88 : vector<4x16xf32>
    %jit3A = arith.constant 16 : i32
    %broadcast_in_dim3A_90 = vector.broadcast %jit3A : i32 to vector<4x16xi32>
    %select_n3A = arith.select %eq3A_89, %iota3A_85, %broadcast_in_dim3A_90 : vector<4x16xi1>, vector<4x16xi32>
    %reduce_min3A = arith.constant dense<2147483647> : vector<4xi32>
    %reduce_min3A_91 = vector.multi_reduction <minsi>, %select_n3A, %reduce_min3A [1] : vector<4x16xi32> to vector<4xi32>
    %broadcast_in_dim3A_92 = vector.shape_cast %reduce_min3A_91 : vector<4xi32> to vector<4x1xi32>
    %eq3A_93 = vector.broadcast %broadcast_in_dim3A_92 : vector<4x1xi32> to vector<4x16xi32>
    %eq3A_94 = arith.cmpi eq, %iota3A_85, %eq3A_93 : vector<4x16xi32>
    %jit3A_95 = arith.constant 0xFF800000 : f32
    %broadcast_in_dim3A_96 = vector.broadcast %jit3A_95 : f32 to vector<4x16xf32>
    %select_n3A_97 = arith.select %eq3A_94, %broadcast_in_dim3A_96, %add3A_84 : vector<4x16xi1>, vector<4x16xf32>
    %reduce_max3A_98 = arith.constant dense<0xFF800000> : vector<4xf32>
    %reduce_max3A_99 = vector.multi_reduction <maximumf>, %select_n3A_97, %reduce_max3A_98 [1] : vector<4x16xf32> to vector<4xf32>
    %broadcast_in_dim3A_100 = vector.shape_cast %reduce_max3A_99 : vector<4xf32> to vector<4x1xf32>
    %eq3A_101 = vector.broadcast %broadcast_in_dim3A_100 : vector<4x1xf32> to vector<4x16xf32>
    %eq3A_102 = arith.cmpf oeq, %select_n3A_97, %eq3A_101 : vector<4x16xf32>
    %jit3A_103 = arith.constant 16 : i32
    %broadcast_in_dim3A_104 = vector.broadcast %jit3A_103 : i32 to vector<4x16xi32>
    %select_n3A_105 = arith.select %eq3A_102, %iota3A_85, %broadcast_in_dim3A_104 : vector<4x16xi1>, vector<4x16xi32>
    %reduce_min3A_106 = arith.constant dense<2147483647> : vector<4xi32>
    %reduce_min3A_107 = vector.multi_reduction <minsi>, %select_n3A_105, %reduce_min3A_106 [1] : vector<4x16xi32> to vector<4xi32>
    %broadcast_in_dim3A_108 = vector.shape_cast %reduce_min3A_107 : vector<4xi32> to vector<4x1xi32>
    %concatenate3A_109 = tpu.concatenate %broadcast_in_dim3A_92, %broadcast_in_dim3A_108 in 1 : vector<4x1xi32>, vector<4x1xi32> -> vector<4x2xi32>
    %swap3A = arith.constant 0 : index
    %swap3A_110 = arith.constant 0 : index
    %swap3A_111 = vector.load %arg7[%swap3A, %swap3A_110] : memref<4x2xi32, #tpu.memory_space<vmem>>, vector<4x2xi32>
    tpu.vector_store %arg7[%swap3A, %swap3A_110], %concatenate3A_109 {strides = array<i32>} : memref<4x2xi32, #tpu.memory_space<vmem>>, vector<4x2xi32>,
    %sub3A = arith.subf %broadcast_in_dim3A_100, %broadcast_in_dim3A_87 : vector<4x1xf32>
    %exp3A = math.exp %sub3A : vector<4x1xf32>
    %add3A_112 = arith.constant 1.000000e+00 : f32
    %add3A_113 = vector.broadcast %add3A_112 : f32 to vector<4x1xf32>
    %add3A_114 = arith.addf %add3A_113, %exp3A : vector<4x1xf32>
    %div3A = arith.constant 1.000000e+00 : f32
    %div3A_115 = vector.broadcast %div3A : f32 to vector<4x1xf32>
    %div3A_116 = arith.divf %div3A_115, %add3A_114 : vector<4x1xf32>
    %sub3A_117 = arith.constant 1.000000e+00 : f32
    %sub3A_118 = vector.broadcast %sub3A_117 : f32 to vector<4x1xf32>
    %sub3A_119 = arith.subf %sub3A_118, %div3A_116 : vector<4x1xf32>
    %concatenate3A_120 = tpu.concatenate %div3A_116, %sub3A_119 in 1 : vector<4x1xf32>, vector<4x1xf32> -> vector<4x2xf32>
    %swap3A_121 = arith.constant 0 : index
    %swap3A_122 = arith.constant 0 : index
    %swap3A_123 = vector.load %arg8[%swap3A_121, %swap3A_122] : memref<4x2xf32, #tpu.memory_space<vmem>>, vector<4x2xf32>
    tpu.vector_store %arg8[%swap3A_121, %swap3A_122], %concatenate3A_120 {strides = array<i32>} : memref<4x2xf32, #tpu.memory_space<vmem>>, vector<4x2xf32>,
    return
  }
}

</mosaic_0001>

<sc_bundles>
// kernel: _impl.5.cloned.1.call-start
scs
__scs_entry_jumppad:
0x0: {  	(pc) =	sbr.rel $0x88, $3  }
0x1: {  	(tag) =	ssettag $0x0;
	lr =	simm.s32 $0x1  }
0x2: {  	[smem:$0x3F9B] =	sst lr;
	_ =	strace $0xD0000000  }
0x3: {  	_ = 	snop  }
0x4: {  	_ = 	snop  }
0x5: {  	_ = 	snop  }
0x6: {  	_ = 	snop  }
0x7: {  	_ = 	snop  }
__scs_overlays_trampoline_lowered:
0x8: {  	[smem:$0x3FAA] =	sst s0  }
0x9: {  	[smem:$0x3FAB] =	sst s1  }
0xa: {  	[smem:$0x3FAC] =	sst s2  }
0xb: {  	[smem:$0x3FAD] =	sst s3  }
0xc: {  	[smem:$0x3FAE] =	sst s4  }
0xd: {  	[smem:$0x3FAF] =	sst s5  }
0xe: {  	[smem:$0x3FB0] =	sst s6  }
0xf: {  	[smem:$0x3FB1] =	sst s7  }
0x10: {  	[smem:$0x3FB2] =	sst s8  }
0x11: {  	[smem:$0x3FB3] =	sst s9;
	s0 =	simm.s32 @!p0 $0x0  }
0x12: {  	s1 =	sld [smem:$0x3F99];
	s0 =	simm.s32 @p0 $0x1  }
0x13: {  	[smem:$0x3FB4] =	sst s0;
	s0 =	simm.s32 @!p1 $0x0  }
0x14: {  	s2 =	sld [smem:$0x3F98];
	s0 =	simm.s32 @p1 $0x1  }
0x15: {  	[smem:$0x3FB5] =	sst s0;
	s0 =	simm.s32 @!p2 $0x0  }
0x16: {  	s3 =	sld [smem:$0x3FDB];
	s0 =	simm.s32 @p2 $0x1  }
0x17: {  	s4 =	simm.s32 $0x1BF5;
	[smem:$0x3FB7] =	sst s0  }
0x18: {  	s0 =	sld [smem:$0x3F9A];
	_ =	swait.ge [sflag:s4], $0x0  }
0x19: {  	s7 =	sld [smem:$0x3F9B]  }
0x1a: {  	s8 =	sadd.s32 $0xFFFFE003, lr  }
0x1b: {  	s9 =	sadd.s32 $0xFFFFFEF7, lr;
	s5 =	simm.s32 $0xFFFFFFFF;
	p2 =	slt.u32 s8, $0xFFFFF086  }
0x1c: {  	p1 =	slt.u32 s9, $0xF7A;
	s5 =	simm.s32 @!p2 $0x0  }
0x1d: {  	s5 =	simm.s32 @p1 $0x1;
	p0 =	seq.s32 s7, s2  }
0x1e: {  	s7 =	smul.u32 @!p0 $0xF7A, s2;
	p2 =	seq.s32 @!p0 s5, $0x0  }
0x1f: {  	s9 =	smul.u32 $0xF7A, s1;
	s8 =	simm.s32 @!p0 $0x1BF5;
	p2 =	por !p2, p0  }
0x20: {  	[sflag:s8] =	ssyncset.s32 @!p0 $0xFFFFF086;
	s6 =	sadd.s32 @!p0 s3, s7;
	s7 =	simm.s32 @!p0 $0x108  }
0x21: {  	s3 =	sadd.s32 s3, s9;
	s6 =	sadd.s32 @!p0 $0x88, s6;
	s7 =	simm.s32 @p2 $0x1082  }
0x22: {  	[simem:s7], [sflag:s8] =	dma.local @!p0 [hbm:s6], $0xF7A  }
0x23: {  	s9 =	sor.u32 $0xD0000000, s2;
	s6 =	simm.s32 $0x108;
	_ =	swait.ge @!p0 [sflag:s8], $0x0  }
0x24: {  	s3 =	sadd.s32 $0x88, s3;
	s6 =	simm.s32 @!p1 $0x1082;
	[sflag:s4] =	ssyncset.s32 $0xFFFFF086  }
0x25: {  	[simem:s6], [sflag:s4] =	dma.local [hbm:s3], $0xF7A  }
0x26: {  	[smem:$0x3F9B] =	sst s1;
	(tag) =	ssettag s2;
	_ =	strace s9  }
0x27: {  	s1 =	sld [smem:$0x3FAB]  }
0x28: {  	s2 =	sld [smem:$0x3FAC]  }
0x29: {  	s4 =	sld [smem:$0x3FAE]  }
0x2a: {  	p0 =	seq.s32 s5, $0x0;
	s5 =	sld [smem:$0x3FAF]  }
0x2b: {  	s6 =	sld [smem:$0x3FB0]  }
0x2c: {  	s7 =	sld [smem:$0x3FB1]  }
0x2d: {  	s3 =	simm.s32 $0x108;
	s8 =	sld [smem:$0x3FB2]  }
0x2e: {  	s3 =	simm.s32 @!p0 $0x1082;
	s9 =	sld [smem:$0x3FB3]  }
0x2f: {  	lr =	sadd.s32 s0, s3;
	s0 =	sld [smem:$0x3FAA]  }
0x30: {  	s3 =	sld [smem:$0x3FAD]  }
0x31: {  	[smem:$0x3FB6] =	sst s10  }
0x32: {  	s10 =	sld [smem:$0x3FB4];
	_ =	sdelay $0x3  }
0x33: {  	p0 =	seq.s32 s10, $0x1;
	s10 =	sld [smem:$0x3FB6];
	_ =	sdelay $0x3  }
0x34: {  	[smem:$0x3FB6] =	sst s10  }
0x35: {  	s10 =	sld [smem:$0x3FB5];
	_ =	sdelay $0x3  }
0x36: {  	p1 =	seq.s32 s10, $0x1;
	s10 =	sld [smem:$0x3FB6];
	_ =	sdelay $0x3  }
0x37: {  	[smem:$0x3FB6] =	sst s10  }
0x38: {  	s10 =	sld [smem:$0x3FB7]  }
0x39: {  	_ = 	snop;
	(pc) =	sbr.ind lr, $3  }
0x3a: {  	_ = 	snop  }
0x3b: {  	_ = 	snop  }
0x3c: {  	p2 =	seq.s32 s10, $0x1;
	s10 =	sld [smem:$0x3FB6]  }
0x3d: {  	_ =	shalt  }
0x3e: {  	_ =	shalt  }
0x3f: {  	_ =	shalt  }
0x40: {  	_ =	shalt  }
0x41: {  	_ =	shalt  }
0x42: {  	_ =	shalt  }
0x43: {  	_ =	shalt  }
0x44: {  	_ =	shalt  }
0x45: {  	_ =	shalt  }
0x46: {  	_ =	shalt  }
0x47: {  	_ =	shalt  }
0x48: {  	_ =	shalt  }
0x49: {  	_ =	shalt  }
0x4a: {  	_ =	shalt  }
0x4b: {  	_ =	shalt  }
0x4c: {  	_ =	shalt  }
0x4d: {  	_ =	shalt  }
0x4e: {  	_ =	shalt  }
0x4f: {  	_ =	shalt  }
0x50: {  	_ =	shalt  }
0x51: {  	_ =	shalt  }
0x52: {  	_ =	shalt  }
0x53: {  	_ =	shalt  }
0x54: {  	_ =	shalt  }
0x55: {  	_ =	shalt  }
0x56: {  	_ =	shalt  }
0x57: {  	_ =	shalt  }
0x58: {  	_ =	shalt  }
0x59: {  	_ =	shalt  }
0x5a: {  	_ =	shalt  }
0x5b: {  	_ =	shalt  }
0x5c: {  	_ =	shalt  }
0x5d: {  	_ =	shalt  }
0x5e: {  	_ =	shalt  }
0x5f: {  	_ =	shalt  }
0x60: {  	_ =	shalt  }
0x61: {  	_ =	shalt  }
0x62: {  	_ =	shalt  }
0x63: {  	_ =	shalt  }
0x64: {  	_ =	shalt  }
0x65: {  	_ =	shalt  }
0x66: {  	_ =	shalt  }
0x67: {  	_ =	shalt  }
0x68: {  	_ =	shalt  }
0x69: {  	_ =	shalt  }
0x6a: {  	_ =	shalt  }
0x6b: {  	_ =	shalt  }
0x6c: {  	_ =	shalt  }
0x6d: {  	_ =	shalt  }
0x6e: {  	_ =	shalt  }
0x6f: {  	_ =	shalt  }
0x70: {  	_ =	shalt  }
0x71: {  	_ =	shalt  }
0x72: {  	_ =	shalt  }
0x73: {  	_ =	shalt  }
0x74: {  	_ =	shalt  }
0x75: {  	_ =	shalt  }
0x76: {  	_ =	shalt  }
0x77: {  	_ =	shalt  }
0x78: {  	_ =	shalt  }
0x79: {  	_ =	shalt  }
0x7a: {  	_ =	shalt  }
0x7b: {  	_ =	shalt  }
0x7c: {  	_ =	shalt  }
0x7d: {  	_ =	shalt  }
0x7e: {  	_ =	shalt  }
0x7f: {  	_ =	shalt  }
0x80: {  	_ =	shalt  }
0x81: {  	_ =	shalt  }
0x82: {  	_ =	shalt  }
0x83: {  	_ =	shalt  }
0x84: {  	_ =	shalt  }
0x85: {  	_ =	shalt  }
0x86: {  	_ =	shalt  }
0x87: {  	_ =	shalt  }
.Lfunc_end0:
.L_simem_size_0:
called_computation_lowered:
.L_overlay_start_0:
0x88: {  	s2 =	sld [smem:$0x3FD9]  }
0x89: {  	s3 =	sld [smem:$0x3FFE];
	_ =	sdelay $0x1  }
0x8a: {  	s1 =	srdreg.scid  }
0x8b: {  	s0 =	sand.u32 $0x1, s1  }
0x8c: {  	s17 =	sshll.u32 s0, $0xA;
	s2 =	sadd.s32 s3, s2  }
0x8d: {  	s2 =	sadd.s32 s2, s17  }
0x8e: {  	[smem:$0x3FC2] =	sst s2  }
0x8f: {  	_ = 	snop  }
0x90: {  	s2 =	sld [smem:$0x3FC9];
	(tm) =	ssettm $0x1  }
0x91: {  	s18 =	sld [smem:$0x3FFB];
	_ =	sdelay $0x3  }
0x92: {  	_ =	strace s18  }
0x93: {  	s3 =	sld [smem:$0x3FFC];
	_ =	sdelay $0x3  }
0x94: {  	_ =	strace s3  }
0x95: {  	s3 =	sld [smem:$0x3FFD];
	_ =	sdelay $0x3  }
0x96: {  	_ =	strace s3  }
0x97: {  	_ =	strace $0x8FFFFFFF  }
0x98: {  	s19 =	sld [smem:$0x3FDB];
	_ =	sdelay $0x1  }
0x99: {  	s4 =	simm.s32 $_scs_section_size  }
0x9a: {  	s5 =	simm.s32 $_size__tile_overlayer_lowered;
	s6 =	simm.s32 $_tile_overlayer_lowered  }
0x9b: {  	s22 =	simm.s32 $0x1BFF;
	s21 =	sshll.u32 s6, $0x1;
	s3 =	sadd.s32 s4, s19  }
0x9c: {  	s7 =	simm.s32 $0x0;
	s20 =	sshll.u32 s5, $0x1;
	s5 =	sadd.s32 s21, s3  }
0x9d: {  	[timem:s7], [sflag:s22] =	dma.local [hbm:s5], s20  }
0x9e: {  	_ =	swait.ge [sflag:s22], s20  }
0x9f: {  	s4 =	ssub.s32 $0x0, s20;
	[sflag:s22] =	ssyncset.done $0x0  }
0xa0: {  	[sflag:s22] =	ssyncadd.s32 s4;
	_ =	sdelay $0x1  }
0xa1: {  	s23 =	simm.s32 $0x1B8B  }
0xa2: {  	_ =	swait.ge [sflag:s23], $0x1  }
0xa3: {  	[sflag:s23] =	ssyncset.done $0x0  }
0xa4: {  	s25 =	simm.s32 $0x1B8E;
	s24 =	sld [smem:$0x3FFE];
	[sflag:s23] =	ssyncadd.s32 $0xFFFFFFFF  }
0xa5: {  	s26 =	simm.s32 $execute0_lowered;
	[smem:$0x3FD2] =	sst s25  }
0xa6: {  	s5 =	sshll.u32 s26, $0x1;
	_ =	strace $0x80000046;
	[dreg:$0x1] =	wrdreg $0xFFFFFFFF  }
0xa7: {  	s28 =	simm.s32 $_size_execute0_lowered;
	s3 =	sadd.s32 s3, s5;
	[dreg:$0x0] =	wrdreg $0x0  }
0xa8: {  	s5 =	sshll.u32 s28, $0x1;
	[dreg:$0x2] =	wrdreg s3  }
0xa9: {  	[dreg:$0x3] =	wrdreg s5  }
0xaa: {  	[dreg:$0x4] =	wrdreg $0xC0  }
0xab: {  	_ =	task [dreg:s7], $0x5FFFF  }
0xac: {  	[dreg:$0x1] =	wrdreg $0xFFFFFFFF  }
0xad: {  	[dreg:$0x0] =	wrdreg $0x60  }
0xae: {  	[dreg:$0x2] =	wrdreg s2  }
0xaf: {  	[dreg:$0x3] =	wrdreg s24  }
0xb0: {  	[dreg:$0x4] =	wrdreg $0x9  }
0xb1: {  	_ =	task.clear_ibuf [dreg:s7], $0x5FFFF;
	_ =	strace $0x90000046  }
0xb2: {  	s29 =	simm.s32 $0x9;
	_ =	strace $0x80000048  }
0xb3: {  	_ =	swait.ge [sflag:s29], $0x1  }
0xb4: {  	[sflag:s29] =	ssyncadd.s32 $0xFFFFFFFF  }
0xb5: {  	_ =	strace $0x90000048  }
0xb6: {  	_ =	sfence  }
0xb7: {  	s30 =	sld [smem:$0x0];
	_ =	sdelay $0x2  }
0xb8: {  	s31 =	sshll.u32 s1, $0xD;
	s1 =	sshrl.u32 s1, $0x2  }
0xb9: {  	s3 =	sand.u32 $0x4000, s31;
	s1 =	sadd.s32 s1, s30  }
0xba: {  	s0 =	sor.u32 s3, s0;
	s1 =	sshll.u32 s1, $0x11  }
0xbb: {  	s0 =	sor.u32 s1, s0  }
0xbc: {  	s0 =	sadd.s32 $0x8F2B, s0  }
0xbd: {  	[sflag:s0] =	ssyncadd.remote.s32 $0x1  }
0xbe: {  	_ =	sfence.sel $0xFFFF  }
0xbf: {  	[dreg:$0x0] =	wrdreg $0xFFFFFFFF;
	(pc) =	sbr.abs _section_cstart, $3  }
0xc0: {  	[dreg:$0x1] =	wrdreg $0xFFFFFFFF  }
0xc1: {  	_ =	task.clear_ibuf [dreg:s7], $0x2FFFF;
	_ =	strace $0x9FFFFFFF  }
0xc2: {  	(tm) =	ssettm $0x7FFFFFFF  }
0xc3: {  	_ =	shalt  }
tec
execute0_lowered:
.L_overlay_start_1:
0x0: {  	(tag) =	ssettag $0x1  }
0x1: {  	s0 =	rddreg [dreg:$0x0]  }
0x2: {  	s1 =	rddreg [dreg:$0x1]  }
0x3: {  	s4 =	simm.s32 $0x0;
	s2 =	stileid.u32;
	s3 =	srdreg.scid  }
0x4: {  	s8 =	simm.s32 $0x1;
	s9 =	simm.s32 $0x2;
	s13 =	simm.s32 $0x3  }
0x5: {  	s14 =	simm.s32 $0x0;
	s3 =	sand.u32 $0x1, s3;
	s23 =	sshll.u32 s2, $0x1  }
0x6: {  	[smem:$0x7FF] =	sst s4;
	s5 =	sshll.u32 s2, $0x9;
	s4 =	sor.u32 s3, s23  }
0x7: {  	s6 =	sshll.u32 s2, $0x12;
	_ =	strace $0x80000047;
	s7 =	sshll.u32 s4, $0xD  }
0x8: {  	s5 =	sand.u32 $0x1800, s5;
	s25 =	ssub.s32 $0x2, s3;
	s24 =	sor.u32 s6, s7  }
0x9: {  	s1 =	sadd.s32 s5, s1;
	s4 =	sshll.u32 s4, $0x4;
	s26 =	sand.u32 $0x30E000, s24  }
0xa: {  	s28 =	sshrl.u32 s25, $0x1;
	s4 =	sand.u32 $0x70, s4;
	s3 =	sadd.s32 s0, s26  }
0xb: {  	s30 =	ssub.s32 s25, s28;
	s29 =	sadd.s32 s4, s1;
	s31 =	sadd.s32 $0x1000, s3  }
0xc: {  	v0 =	vimm.f32 $0.0e+00;
	s6 =	smax.u32 s30, $0x1;
	s5 =	sadd.s32 $0x1200, s29;
	[dreg:$0x3] =	wrdreg s31  }
.LBB2_1:
0xd: {  	[tilespmem:$0x10000] =	vst v0  }
0xe: {  	[tilespmem:$0x10010] =	vst v0  }
0xf: {  	[tilespmem:$0x10020] =	vst v0  }
0x10: {  	[tilespmem:$0x10030] =	vst v0  }
0x11: {  	[tilespmem:$0x10040] =	vst v0  }
0x12: {  	[tilespmem:$0x10050] =	vst v0  }
0x13: {  	[tilespmem:$0x10060] =	vst v0  }
0x14: {  	[tilespmem:$0x10070] =	vst v0  }
0x15: {  	[tilespmem:$0x10080] =	vst v0  }
0x16: {  	[tilespmem:$0x10090] =	vst v0  }
0x17: {  	[tilespmem:$0x100A0] =	vst v0  }
0x18: {  	[tilespmem:$0x100B0] =	vst v0  }
0x19: {  	[tilespmem:$0x100C0] =	vst v0  }
0x1a: {  	[tilespmem:$0x100D0] =	vst v0  }
0x1b: {  	[tilespmem:$0x100E0] =	vst v0  }
0x1c: {  	[tilespmem:$0x100F0] =	vst v0  }
0x1d: {  	[tilespmem:$0x10100] =	vst v0  }
0x1e: {  	[tilespmem:$0x10110] =	vst v0  }
0x1f: {  	[tilespmem:$0x10120] =	vst v0  }
0x20: {  	[tilespmem:$0x10130] =	vst v0  }
0x21: {  	[tilespmem:$0x10140] =	vst v0  }
0x22: {  	[tilespmem:$0x10150] =	vst v0  }
0x23: {  	[tilespmem:$0x10160] =	vst v0  }
0x24: {  	[tilespmem:$0x10170] =	vst v0  }
0x25: {  	[tilespmem:$0x10180] =	vst v0  }
0x26: {  	[tilespmem:$0x10190] =	vst v0  }
0x27: {  	[tilespmem:$0x101A0] =	vst v0  }
0x28: {  	[tilespmem:$0x101B0] =	vst v0  }
0x29: {  	[tilespmem:$0x101C0] =	vst v0  }
0x2a: {  	[tilespmem:$0x101D0] =	vst v0  }
0x2b: {  	[tilespmem:$0x101E0] =	vst v0  }
0x2c: {  	[tilespmem:$0x101F0] =	vst v0  }
0x2d: {  	[tilespmem:$0x10200] =	vst v0  }
0x2e: {  	[tilespmem:$0x10210] =	vst v0  }
0x2f: {  	[tilespmem:$0x10220] =	vst v0  }
0x30: {  	[tilespmem:$0x10230] =	vst v0  }
0x31: {  	[tilespmem:$0x10240] =	vst v0  }
0x32: {  	[tilespmem:$0x10250] =	vst v0  }
0x33: {  	[tilespmem:$0x10260] =	vst v0  }
0x34: {  	[tilespmem:$0x10270] =	vst v0  }
0x35: {  	[tilespmem:$0x10280] =	vst v0  }
0x36: {  	[tilespmem:$0x10290] =	vst v0  }
0x37: {  	[tilespmem:$0x102A0] =	vst v0  }
0x38: {  	[tilespmem:$0x102B0] =	vst v0  }
0x39: {  	[tilespmem:$0x102C0] =	vst v0  }
0x3a: {  	[tilespmem:$0x102D0] =	vst v0  }
0x3b: {  	[tilespmem:$0x102E0] =	vst v0  }
0x3c: {  	[tilespmem:$0x102F0] =	vst v0  }
0x3d: {  	[tilespmem:$0x10300] =	vst v0  }
0x3e: {  	[tilespmem:$0x10310] =	vst v0  }
0x3f: {  	[tilespmem:$0x10320] =	vst v0  }
0x40: {  	[tilespmem:$0x10330] =	vst v0  }
0x41: {  	[tilespmem:$0x10340] =	vst v0  }
0x42: {  	[tilespmem:$0x10350] =	vst v0  }
0x43: {  	[tilespmem:$0x10360] =	vst v0  }
0x44: {  	[tilespmem:$0x10370] =	vst v0  }
0x45: {  	[tilespmem:$0x10380] =	vst v0  }
0x46: {  	[tilespmem:$0x10390] =	vst v0  }
0x47: {  	[tilespmem:$0x103A0] =	vst v0  }
0x48: {  	[tilespmem:$0x103B0] =	vst v0  }
0x49: {  	[tilespmem:$0x103C0] =	vst v0  }
0x4a: {  	[tilespmem:$0x103D0] =	vst v0  }
0x4b: {  	[tilespmem:$0x103E0] =	vst v0  }
0x4c: {  	[tilespmem:$0x103F0] =	vst v0  }
0x4d: {  	[tilespmem:$0x10400] =	vst v0  }
0x4e: {  	[tilespmem:$0x10410] =	vst v0  }
0x4f: {  	[tilespmem:$0x10420] =	vst v0  }
0x50: {  	[tilespmem:$0x10430] =	vst v0  }
0x51: {  	[tilespmem:$0x10440] =	vst v0  }
0x52: {  	[tilespmem:$0x10450] =	vst v0  }
0x53: {  	[tilespmem:$0x10460] =	vst v0  }
0x54: {  	[tilespmem:$0x10470] =	vst v0  }
0x55: {  	[tilespmem:$0x10480] =	vst v0  }
0x56: {  	[tilespmem:$0x10490] =	vst v0  }
0x57: {  	[tilespmem:$0x104A0] =	vst v0  }
0x58: {  	[tilespmem:$0x104B0] =	vst v0  }
0x59: {  	[tilespmem:$0x104C0] =	vst v0  }
0x5a: {  	[tilespmem:$0x104D0] =	vst v0  }
0x5b: {  	[tilespmem:$0x104E0] =	vst v0  }
0x5c: {  	[tilespmem:$0x104F0] =	vst v0  }
0x5d: {  	[tilespmem:$0x10500] =	vst v0  }
0x5e: {  	[tilespmem:$0x10510] =	vst v0  }
0x5f: {  	[tilespmem:$0x10520] =	vst v0  }
0x60: {  	[tilespmem:$0x10530] =	vst v0  }
0x61: {  	[tilespmem:$0x10540] =	vst v0  }
0x62: {  	[tilespmem:$0x10550] =	vst v0  }
0x63: {  	[tilespmem:$0x10560] =	vst v0  }
0x64: {  	[tilespmem:$0x10570] =	vst v0  }
0x65: {  	[tilespmem:$0x10580] =	vst v0  }
0x66: {  	[tilespmem:$0x10590] =	vst v0  }
0x67: {  	[tilespmem:$0x105A0] =	vst v0  }
0x68: {  	[tilespmem:$0x105B0] =	vst v0  }
0x69: {  	[tilespmem:$0x105C0] =	vst v0  }
0x6a: {  	[tilespmem:$0x105D0] =	vst v0  }
0x6b: {  	[tilespmem:$0x105E0] =	vst v0  }
0x6c: {  	[tilespmem:$0x105F0] =	vst v0  }
0x6d: {  	[tilespmem:$0x10600] =	vst v0  }
0x6e: {  	[tilespmem:$0x10610] =	vst v0  }
0x6f: {  	[tilespmem:$0x10620] =	vst v0  }
0x70: {  	[tilespmem:$0x10630] =	vst v0  }
0x71: {  	[tilespmem:$0x10640] =	vst v0  }
0x72: {  	[tilespmem:$0x10650] =	vst v0  }
0x73: {  	[tilespmem:$0x10660] =	vst v0  }
0x74: {  	[tilespmem:$0x10670] =	vst v0  }
0x75: {  	[tilespmem:$0x10680] =	vst v0  }
0x76: {  	[tilespmem:$0x10690] =	vst v0  }
0x77: {  	[tilespmem:$0x106A0] =	vst v0  }
0x78: {  	[tilespmem:$0x106B0] =	vst v0  }
0x79: {  	[tilespmem:$0x106C0] =	vst v0  }
0x7a: {  	[tilespmem:$0x106D0] =	vst v0  }
0x7b: {  	[tilespmem:$0x106E0] =	vst v0  }
0x7c: {  	[tilespmem:$0x106F0] =	vst v0  }
0x7d: {  	[tilespmem:$0x10700] =	vst v0  }
0x7e: {  	[tilespmem:$0x10710] =	vst v0  }
0x7f: {  	[tilespmem:$0x10720] =	vst v0  }
0x80: {  	[tilespmem:$0x10730] =	vst v0  }
0x81: {  	[tilespmem:$0x10740] =	vst v0  }
0x82: {  	[tilespmem:$0x10750] =	vst v0  }
0x83: {  	[tilespmem:$0x10760] =	vst v0  }
0x84: {  	[tilespmem:$0x10770] =	vst v0  }
0x85: {  	[tilespmem:$0x10780] =	vst v0  }
0x86: {  	[tilespmem:$0x10790] =	vst v0  }
0x87: {  	[tilespmem:$0x107A0] =	vst v0  }
0x88: {  	[tilespmem:$0x107B0] =	vst v0  }
0x89: {  	[tilespmem:$0x107C0] =	vst v0  }
0x8a: {  	[tilespmem:$0x107D0] =	vst v0  }
0x8b: {  	[tilespmem:$0x107E0] =	vst v0  }
0x8c: {  	[tilespmem:$0x107F0] =	vst v0;
	s0 =	simm.s32 $0x0  }
0x8d: {  	[tilespmem:s0], [sflag:$0x1] =	stream.linear.gather [hbm4b:s3+s0], $0x8000, $0x38;
	[tilespmem:$0x10800] =	vst v63  }
0x8e: {  	s1 =	rddreg [dreg:$0x3];
	s2 =	simm.s32 $0x8000  }
0x8f: {  	[tilespmem:s2], [sflag:$0x2] =	stream.linear.gather [hbm4b:s1+s0], $0x8000, $0x38;
	[tilespmem:$0x10800] =	vst v63  }
0x90: {  	_ =	swait.ge [sflag:s8], $0x8000  }
0x91: {  	s15 =	simm.s32 $0xFFFFFFFC;
	s16 =	simm.s32 $0x10000;
	[sflag:s8] =	ssyncset.done $0x0  }
0x92: {  	s17 =	simm.s32 $0x0;
	s18 =	simm.s32 $0x0;
	[sflag:s8] =	ssyncadd.s32 $0xFFFF8000  }
.LBB2_2:
0x93: {  	s7 =	sand.u32 $0x40, s17;
	s0 =	sand.u32 $0x3C00, s18  }
0x94: {  	s10 =	sor.u32 s7, s0  }
0x95: {  	v1 =	vld [tilespmem:s10+$0x0]  }
0x96: {  	v2 =	vld [tilespmem:s10+$0x80]  }
0x97: {  	v3 =	vld [tilespmem:s10+$0x100]  }
0x98: {  	v4 =	vld [tilespmem:s10+$0x180]  }
0x99: {  	v5 =	vld [tilespmem:s10+$0x200]  }
0x9a: {  	v6 =	vld [tilespmem:s10+$0x280]  }
0x9b: {  	s1 =	sor.u32 $0x4000, s0;
	v7 =	vld [tilespmem:s10+$0x300]  }
0x9c: {  	s19 =	sor.u32 $0x4180, s0;
	v8 =	vld [tilespmem:s10+$0x380];
	s11 =	sor.u32 s7, s1  }
0x9d: {  	s20 =	sor.u32 $0x4200, s0;
	s22 =	sor.u32 s7, s19;
	v9 =	vld [tilespmem:s11+$0x0]  }
0x9e: {  	s10 =	sor.u32 $0x4080, s0;
	s23 =	sor.u32 s7, s20;
	v12 =	vld [tilespmem:s22+$0x0]  }
0x9f: {  	s12 =	sor.u32 s7, s10;
	s11 =	sor.u32 $0x4100, s0;
	v13 =	vld [tilespmem:s23+$0x0]  }
0xa0: {  	s22 =	sor.u32 $0x4300, s0;
	v10 =	vld [tilespmem:s12+$0x0];
	s21 =	sor.u32 s7, s11  }
0xa1: {  	s23 =	sor.u32 $0x4380, s0;
	s25 =	sor.u32 s7, s22;
	v11 =	vld [tilespmem:s21+$0x0]  }
0xa2: {  	s26 =	sor.u32 s7, s23;
	s21 =	sor.u32 $0x4280, s0;
	v15 =	vld [tilespmem:s25+$0x0]  }
0xa3: {  	v16 =	vld [tilespmem:s26+$0x0];
	s24 =	sor.u32 s7, s21  }
0xa4: {  	v14 =	vld [tilespmem:s24+$0x0];
	_ =	sdelay $0x1  }
0xa5: {  	v1 =	vadd.f32 v2, v1;
	v2 =	vadd.f32 v4, v3  }
0xa6: {  	v3 =	vadd.f32 v6, v5;
	v44 =	vadd.f32 v8, v7  }
0xa7: {  	v45 =	vadd.f32 v10, v9;
	v46 =	vadd.f32 v12, v11  }
0xa8: {  	v48 =	vadd.f32 v16, v15;
	v47 =	vadd.f32 v14, v13  }
0xa9: {  	v1 =	vadd.f32 v2, v1;
	v2 =	vadd.f32 v44, v3  }
0xaa: {  	v3 =	vadd.f32 v46, v45;
	v49 =	vadd.f32 v48, v47  }
0xab: {  	v50 =	vld [tilespmem:s16+$0x0]  }
0xac: {  	v1 =	vadd.f32 v2, v1;
	v2 =	vadd.f32 v49, v3;
	_ =	sdelay $0x1  }
0xad: {  	v1 =	vadd.f32 v2, v1;
	_ =	sdelay $0x1  }
0xae: {  	v1 =	vadd.f32 v1, v50  }
0xaf: {  	s24 =	sor.u32 $0x10, s7  }
0xb0: {  	s28 =	sor.u32 s24, s0;
	[tilespmem:s16+$0x0] =	vst v1  }
0xb1: {  	v1 =	vld [tilespmem:s28+$0x0]  }
0xb2: {  	v2 =	vld [tilespmem:s28+$0x80]  }
0xb3: {  	v3 =	vld [tilespmem:s28+$0x100]  }
0xb4: {  	v51 =	vld [tilespmem:s28+$0x180]  }
0xb5: {  	v52 =	vld [tilespmem:s28+$0x200]  }
0xb6: {  	v53 =	vld [tilespmem:s28+$0x280]  }
0xb7: {  	v54 =	vld [tilespmem:s28+$0x300]  }
0xb8: {  	s29 =	sor.u32 s24, s1;
	v55 =	vld [tilespmem:s28+$0x380]  }
0xb9: {  	s30 =	sor.u32 s24, s10;
	v56 =	vld [tilespmem:s29+$0x0]  }
0xba: {  	s31 =	sor.u32 s24, s11;
	v57 =	vld [tilespmem:s30+$0x0]  }
0xbb: {  	s2 =	sor.u32 s24, s19;
	v58 =	vld [tilespmem:s31+$0x0]  }
0xbc: {  	s4 =	sor.u32 s24, s20;
	v59 =	vld [tilespmem:s2+$0x0]  }
0xbd: {  	s25 =	sor.u32 s24, s21;
	v60 =	vld [tilespmem:s4+$0x0]  }
0xbe: {  	s26 =	sor.u32 s24, s22;
	v61 =	vld [tilespmem:s25+$0x0]  }
0xbf: {  	v62 =	vld [tilespmem:s26+$0x0];
	s28 =	sor.u32 s24, s23  }
0xc0: {  	v63 =	vld [tilespmem:s28+$0x0];
	_ =	sdelay $0x1  }
0xc1: {  	v1 =	vadd.f32 v2, v1;
	v2 =	vadd.f32 v51, v3  }
0xc2: {  	v3 =	vadd.f32 v53, v52;
	v17 =	vadd.f32 v55, v54  }
0xc3: {  	v18 =	vadd.f32 v57, v56;
	v19 =	vadd.f32 v59, v58  }
0xc4: {  	s29 =	sand.u32 $0x780, s17;
	v20 =	vadd.f32 v61, v60;
	v21 =	vadd.f32 v63, v62  }
0xc5: {  	s12 =	sor.u32 $0x10000, s29;
	v1 =	vadd.f32 v2, v1;
	v2 =	vadd.f32 v17, v3  }
0xc6: {  	s24 =	sor.u32 s24, s12;
	v3 =	vadd.f32 v19, v18;
	v22 =	vadd.f32 v21, v20  }
0xc7: {  	v23 =	vld [tilespmem:s24+$0x0]  }
0xc8: {  	v1 =	vadd.f32 v2, v1;
	v2 =	vadd.f32 v22, v3;
	_ =	sdelay $0x1  }
0xc9: {  	v1 =	vadd.f32 v2, v1;
	_ =	sdelay $0x1  }
0xca: {  	v1 =	vadd.f32 v1, v23  }
0xcb: {  	s25 =	sor.u32 $0x20, s7  }
0xcc: {  	s30 =	sor.u32 s25, s0;
	[tilespmem:s24+$0x0] =	vst v1  }
0xcd: {  	v1 =	vld [tilespmem:s30+$0x0]  }
0xce: {  	v2 =	vld [tilespmem:s30+$0x80]  }
0xcf: {  	v3 =	vld [tilespmem:s30+$0x100]  }
0xd0: {  	v24 =	vld [tilespmem:s30+$0x180]  }
0xd1: {  	v25 =	vld [tilespmem:s30+$0x200]  }
0xd2: {  	v26 =	vld [tilespmem:s30+$0x280]  }
0xd3: {  	v27 =	vld [tilespmem:s30+$0x300]  }
0xd4: {  	s31 =	sor.u32 s25, s1;
	v28 =	vld [tilespmem:s30+$0x380]  }
0xd5: {  	s2 =	sor.u32 s25, s10;
	v29 =	vld [tilespmem:s31+$0x0]  }
0xd6: {  	s4 =	sor.u32 s25, s11;
	v30 =	vld [tilespmem:s2+$0x0]  }
0xd7: {  	s26 =	sor.u32 s25, s19;
	v31 =	vld [tilespmem:s4+$0x0]  }
0xd8: {  	s28 =	sor.u32 s25, s20;
	v32 =	vld [tilespmem:s26+$0x0]  }
0xd9: {  	s29 =	sor.u32 s25, s21;
	v33 =	vld [tilespmem:s28+$0x0]  }
0xda: {  	v34 =	vld [tilespmem:s29+$0x0];
	s30 =	sor.u32 s25, s22  }
0xdb: {  	s31 =	sor.u32 s25, s23;
	v35 =	vld [tilespmem:s30+$0x0]  }
0xdc: {  	v36 =	vld [tilespmem:s31+$0x0];
	_ =	sdelay $0x1  }
0xdd: {  	v1 =	vadd.f32 v2, v1;
	v2 =	vadd.f32 v24, v3  }
0xde: {  	v3 =	vadd.f32 v26, v25;
	v37 =	vadd.f32 v28, v27  }
0xdf: {  	v38 =	vadd.f32 v30, v29;
	v39 =	vadd.f32 v32, v31  }
0xe0: {  	v40 =	vadd.f32 v34, v33;
	v41 =	vadd.f32 v36, v35  }
0xe1: {  	v1 =	vadd.f32 v2, v1;
	v2 =	vadd.f32 v37, v3  }
0xe2: {  	s2 =	sor.u32 s25, s12;
	v3 =	vadd.f32 v39, v38;
	v42 =	vadd.f32 v41, v40  }
0xe3: {  	v43 =	vld [tilespmem:s2+$0x0]  }
0xe4: {  	v1 =	vadd.f32 v2, v1;
	v2 =	vadd.f32 v42, v3;
	_ =	sdelay $0x1  }
0xe5: {  	v1 =	vadd.f32 v2, v1;
	_ =	sdelay $0x1  }
0xe6: {  	v1 =	vadd.f32 v1, v43  }
0xe7: {  	s7 =	sor.u32 $0x30, s7  }
0xe8: {  	s0 =	sor.u32 s7, s0;
	[tilespmem:s2+$0x0] =	vst v1  }
0xe9: {  	v1 =	vld [tilespmem:s0+$0x0]  }
0xea: {  	v2 =	vld [tilespmem:s0+$0x80]  }
0xeb: {  	v3 =	vld [tilespmem:s0+$0x100]  }
0xec: {  	v44 =	vld [tilespmem:s0+$0x180]  }
0xed: {  	v45 =	vld [tilespmem:s0+$0x200]  }
0xee: {  	v46 =	vld [tilespmem:s0+$0x280]  }
0xef: {  	v47 =	vld [tilespmem:s0+$0x300]  }
0xf0: {  	s4 =	sor.u32 s7, s1;
	v48 =	vld [tilespmem:s0+$0x380]  }
0xf1: {  	s10 =	sor.u32 s7, s10;
	v49 =	vld [tilespmem:s4+$0x0]  }
0xf2: {  	s24 =	sor.u32 s7, s11;
	v50 =	vld [tilespmem:s10+$0x0]  }
0xf3: {  	s25 =	sor.u32 s7, s19;
	v51 =	vld [tilespmem:s24+$0x0]  }
0xf4: {  	s26 =	sor.u32 s7, s20;
	v52 =	vld [tilespmem:s25+$0x0]  }
0xf5: {  	s28 =	sor.u32 s7, s21;
	v53 =	vld [tilespmem:s26+$0x0]  }
0xf6: {  	s29 =	sor.u32 s7, s22;
	v54 =	vld [tilespmem:s28+$0x0]  }
0xf7: {  	s30 =	sor.u32 s7, s23;
	v55 =	vld [tilespmem:s29+$0x0]  }
0xf8: {  	v56 =	vld [tilespmem:s30+$0x0];
	_ =	sdelay $0x1  }
0xf9: {  	v1 =	vadd.f32 v2, v1;
	v2 =	vadd.f32 v44, v3  }
0xfa: {  	v3 =	vadd.f32 v46, v45;
	v57 =	vadd.f32 v48, v47  }
0xfb: {  	v58 =	vadd.f32 v50, v49;
	v59 =	vadd.f32 v52, v51  }
0xfc: {  	v60 =	vadd.f32 v54, v53;
	v61 =	vadd.f32 v56, v55  }
0xfd: {  	v1 =	vadd.f32 v2, v1;
	v2 =	vadd.f32 v57, v3  }
0xfe: {  	s31 =	sor.u32 s7, s12;
	v3 =	vadd.f32 v59, v58;
	v62 =	vadd.f32 v61, v60  }
0xff: {  	v63 =	vld [tilespmem:s31+$0x0]  }
0x100: {  	s15 =	sadd.s32 $0x4, s15;
	v1 =	vadd.f32 v2, v1;
	v2 =	vadd.f32 v62, v3  }
0x101: {  	p0 =	slt.u32 s15, $0x7C  }
.Ltmp0:
0x102: {  	v1 =	vadd.f32 v2, v1;
	(pc) =	sbr.rel @p0 .LBB2_2-.Ltmp0, $3  }
0x103: {  	_ = 	snop  }
0x104: {  	v1 =	vadd.f32 v1, v63;
	_ =	sdelay $0x1  }
0x105: {  	s18 =	sadd.s32 $0x200, s18;
	s16 =	sadd.s32 $0x40, s16;
	s17 =	sadd.s32 $0x40, s17;
	[tilespmem:s31+$0x0] =	vst v1  }
0x106: {  	_ =	swait.ge [sflag:s9], $0x8000  }
0x107: {  	s15 =	simm.s32 $0xFFFFFFFC;
	s16 =	simm.s32 $0x0;
	[sflag:s9] =	ssyncset.done $0x0  }
0x108: {  	s17 =	simm.s32 $0x10000;
	s18 =	simm.s32 $0x0;
	[sflag:s9] =	ssyncadd.s32 $0xFFFF8000  }
.LBB2_4:
0x109: {  	s11 =	sand.u32 $0x3C00, s18  }
0x10a: {  	s21 =	sand.u32 $0x40, s16;
	s19 =	sor.u32 $0x8000, s11  }
0x10b: {  	s20 =	sor.u32 $0x8080, s11;
	s0 =	sor.u32 s21, s19  }
0x10c: {  	s22 =	sor.u32 $0x8100, s11;
	s24 =	sor.u32 s21, s20;
	v1 =	vld [tilespmem:s0+$0x0]  }
0x10d: {  	s23 =	sor.u32 $0x8180, s11;
	s25 =	sor.u32 s21, s22;
	v2 =	vld [tilespmem:s24+$0x0]  }
0x10e: {  	s26 =	sor.u32 s21, s23;
	v3 =	vld [tilespmem:s25+$0x0];
	s24 =	sor.u32 $0x8200, s11  }
0x10f: {  	v4 =	vld [tilespmem:s26+$0x0];
	s25 =	sor.u32 $0x8280, s11;
	s28 =	sor.u32 s21, s24  }
0x110: {  	s26 =	sor.u32 $0x8300, s11;
	s29 =	sor.u32 s21, s25;
	v5 =	vld [tilespmem:s28+$0x0]  }
0x111: {  	s0 =	sor.u32 $0xC180, s11;
	s30 =	sor.u32 s21, s26;
	v6 =	vld [tilespmem:s29+$0x0]  }
0x112: {  	s7 =	sor.u32 s21, s0;
	s28 =	sor.u32 $0x8380, s11;
	v7 =	vld [tilespmem:s30+$0x0]  }
0x113: {  	s29 =	sor.u32 $0xC000, s11;
	v12 =	vld [tilespmem:s7+$0x0];
	s31 =	sor.u32 s21, s28  }
0x114: {  	s1 =	sor.u32 s21, s29;
	v8 =	vld [tilespmem:s31+$0x0];
	s31 =	sor.u32 $0xC100, s11  }
0x115: {  	s30 =	sor.u32 $0xC080, s11;
	v9 =	vld [tilespmem:s1+$0x0];
	s1 =	sor.u32 s21, s31  }
0x116: {  	s2 =	sor.u32 s21, s30;
	v11 =	vld [tilespmem:s1+$0x0];
	s1 =	sor.u32 $0xC200, s11  }
0x117: {  	s7 =	sor.u32 $0xC280, s11;
	v10 =	vld [tilespmem:s2+$0x0];
	s10 =	sor.u32 s21, s1  }
0x118: {  	s12 =	sor.u32 s21, s7;
	v13 =	vld [tilespmem:s10+$0x0];
	s10 =	sor.u32 $0xC300, s11  }
0x119: {  	v14 =	vld [tilespmem:s12+$0x0];
	s11 =	sor.u32 $0xC380, s11;
	s4 =	sor.u32 s21, s10  }
0x11a: {  	s2 =	sor.u32 s21, s11;
	v15 =	vld [tilespmem:s4+$0x0]  }
0x11b: {  	v16 =	vld [tilespmem:s2+$0x0];
	_ =	sdelay $0x1  }
0x11c: {  	v1 =	vadd.f32 v2, v1;
	v2 =	vadd.f32 v4, v3  }
0x11d: {  	v3 =	vadd.f32 v6, v5;
	v44 =	vadd.f32 v8, v7  }
0x11e: {  	v45 =	vadd.f32 v10, v9;
	v46 =	vadd.f32 v12, v11  }
0x11f: {  	v47 =	vadd.f32 v14, v13;
	v48 =	vadd.f32 v16, v15  }
0x120: {  	v1 =	vadd.f32 v2, v1;
	v2 =	vadd.f32 v44, v3  }
0x121: {  	v3 =	vadd.f32 v46, v45;
	v49 =	vadd.f32 v48, v47  }
0x122: {  	v50 =	vld [tilespmem:s17+$0x0]  }
0x123: {  	v1 =	vadd.f32 v2, v1;
	v2 =	vadd.f32 v49, v3;
	_ =	sdelay $0x1  }
0x124: {  	v1 =	vadd.f32 v2, v1;
	_ =	sdelay $0x1  }
0x125: {  	v1 =	vadd.f32 v1, v50  }
0x126: {  	s2 =	sor.u32 $0x10, s21  }
0x127: {  	s4 =	sor.u32 s2, s19;
	[tilespmem:s17+$0x0] =	vst v1  }
0x128: {  	v1 =	vld [tilespmem:s4+$0x0];
	s4 =	sor.u32 s2, s20  }
0x129: {  	v2 =	vld [tilespmem:s4+$0x0];
	s4 =	sor.u32 s2, s22  }
0x12a: {  	v3 =	vld [tilespmem:s4+$0x0];
	s4 =	sor.u32 s2, s23  }
0x12b: {  	v51 =	vld [tilespmem:s4+$0x0];
	s4 =	sor.u32 s2, s24  }
0x12c: {  	v52 =	vld [tilespmem:s4+$0x0];
	s4 =	sor.u32 s2, s25  }
0x12d: {  	v53 =	vld [tilespmem:s4+$0x0];
	s4 =	sor.u32 s2, s26  }
0x12e: {  	v54 =	vld [tilespmem:s4+$0x0];
	s4 =	sor.u32 s2, s28  }
0x12f: {  	v55 =	vld [tilespmem:s4+$0x0];
	s4 =	sor.u32 s2, s29  }
0x130: {  	v56 =	vld [tilespmem:s4+$0x0];
	s4 =	sor.u32 s2, s30  }
0x131: {  	v57 =	vld [tilespmem:s4+$0x0];
	s4 =	sor.u32 s2, s31  }
0x132: {  	v58 =	vld [tilespmem:s4+$0x0];
	s4 =	sor.u32 s2, s0  }
0x133: {  	v59 =	vld [tilespmem:s4+$0x0];
	s4 =	sor.u32 s2, s1  }
0x134: {  	v60 =	vld [tilespmem:s4+$0x0];
	s4 =	sor.u32 s2, s7  }
0x135: {  	v61 =	vld [tilespmem:s4+$0x0];
	s4 =	sor.u32 s2, s10  }
0x136: {  	v62 =	vld [tilespmem:s4+$0x0];
	s4 =	sor.u32 s2, s11  }
0x137: {  	v63 =	vld [tilespmem:s4+$0x0];
	_ =	sdelay $0x1  }
0x138: {  	v1 =	vadd.f32 v2, v1;
	v2 =	vadd.f32 v51, v3  }
0x139: {  	v3 =	vadd.f32 v53, v52;
	v17 =	vadd.f32 v55, v54  }
0x13a: {  	v18 =	vadd.f32 v57, v56;
	v19 =	vadd.f32 v59, v58  }
0x13b: {  	s4 =	sand.u32 $0x780, s16;
	v20 =	vadd.f32 v61, v60;
	v21 =	vadd.f32 v63, v62  }
0x13c: {  	v1 =	vadd.f32 v2, v1;
	v2 =	vadd.f32 v17, v3;
	s12 =	sor.u32 $0x10000, s4  }
0x13d: {  	s2 =	sor.u32 s2, s12;
	v3 =	vadd.f32 v19, v18;
	v22 =	vadd.f32 v21, v20  }
0x13e: {  	v23 =	vld [tilespmem:s2+$0x0]  }
0x13f: {  	v1 =	vadd.f32 v2, v1;
	v2 =	vadd.f32 v22, v3;
	_ =	sdelay $0x1  }
0x140: {  	v1 =	vadd.f32 v2, v1;
	_ =	sdelay $0x1  }
0x141: {  	v1 =	vadd.f32 v1, v23  }
0x142: {  	s4 =	sor.u32 $0x20, s21  }
0x143: {  	[tilespmem:s2+$0x0] =	vst v1;
	s2 =	sor.u32 s4, s19  }
0x144: {  	v1 =	vld [tilespmem:s2+$0x0];
	s2 =	sor.u32 s4, s20  }
0x145: {  	v2 =	vld [tilespmem:s2+$0x0];
	s2 =	sor.u32 s4, s22  }
0x146: {  	v3 =	vld [tilespmem:s2+$0x0];
	s2 =	sor.u32 s4, s23  }
0x147: {  	v24 =	vld [tilespmem:s2+$0x0];
	s2 =	sor.u32 s4, s24  }
0x148: {  	v25 =	vld [tilespmem:s2+$0x0];
	s2 =	sor.u32 s4, s25  }
0x149: {  	v26 =	vld [tilespmem:s2+$0x0];
	s2 =	sor.u32 s4, s26  }
0x14a: {  	v27 =	vld [tilespmem:s2+$0x0];
	s2 =	sor.u32 s4, s28  }
0x14b: {  	v28 =	vld [tilespmem:s2+$0x0];
	s2 =	sor.u32 s4, s29  }
0x14c: {  	v29 =	vld [tilespmem:s2+$0x0];
	s2 =	sor.u32 s4, s30  }
0x14d: {  	v30 =	vld [tilespmem:s2+$0x0];
	s2 =	sor.u32 s4, s31  }
0x14e: {  	v31 =	vld [tilespmem:s2+$0x0];
	s2 =	sor.u32 s4, s0  }
0x14f: {  	v32 =	vld [tilespmem:s2+$0x0];
	s2 =	sor.u32 s4, s1  }
0x150: {  	v33 =	vld [tilespmem:s2+$0x0];
	s2 =	sor.u32 s4, s7  }
0x151: {  	v34 =	vld [tilespmem:s2+$0x0];
	s2 =	sor.u32 s4, s10  }
0x152: {  	v35 =	vld [tilespmem:s2+$0x0];
	s2 =	sor.u32 s4, s11  }
0x153: {  	v36 =	vld [tilespmem:s2+$0x0];
	_ =	sdelay $0x1  }
0x154: {  	v1 =	vadd.f32 v2, v1;
	v2 =	vadd.f32 v24, v3  }
0x155: {  	v3 =	vadd.f32 v26, v25;
	v37 =	vadd.f32 v28, v27  }
0x156: {  	v38 =	vadd.f32 v30, v29;
	v39 =	vadd.f32 v32, v31  }
0x157: {  	v40 =	vadd.f32 v34, v33;
	v41 =	vadd.f32 v36, v35  }
0x158: {  	v1 =	vadd.f32 v2, v1;
	v2 =	vadd.f32 v37, v3  }
0x159: {  	s2 =	sor.u32 s4, s12;
	v3 =	vadd.f32 v39, v38;
	v42 =	vadd.f32 v41, v40  }
0x15a: {  	v43 =	vld [tilespmem:s2+$0x0]  }
0x15b: {  	v1 =	vadd.f32 v2, v1;
	v2 =	vadd.f32 v42, v3;
	_ =	sdelay $0x1  }
0x15c: {  	v1 =	vadd.f32 v2, v1;
	_ =	sdelay $0x1  }
0x15d: {  	v1 =	vadd.f32 v1, v43  }
0x15e: {  	s4 =	sor.u32 $0x30, s21  }
0x15f: {  	s19 =	sor.u32 s4, s19;
	[tilespmem:s2+$0x0] =	vst v1  }
0x160: {  	s21 =	sor.u32 s4, s20;
	v1 =	vld [tilespmem:s19+$0x0]  }
0x161: {  	s22 =	sor.u32 s4, s22;
	v2 =	vld [tilespmem:s21+$0x0]  }
0x162: {  	s23 =	sor.u32 s4, s23;
	v3 =	vld [tilespmem:s22+$0x0]  }
0x163: {  	s20 =	sor.u32 s4, s25;
	v44 =	vld [tilespmem:s23+$0x0]  }
0x164: {  	s25 =	sor.u32 s4, s31;
	v46 =	vld [tilespmem:s20+$0x0]  }
0x165: {  	s0 =	sor.u32 s4, s0;
	v51 =	vld [tilespmem:s25+$0x0]  }
0x166: {  	s19 =	sor.u32 s4, s24;
	v52 =	vld [tilespmem:s0+$0x0]  }
0x167: {  	s21 =	sor.u32 s4, s26;
	v45 =	vld [tilespmem:s19+$0x0]  }
0x168: {  	s22 =	sor.u32 s4, s28;
	v47 =	vld [tilespmem:s21+$0x0]  }
0x169: {  	s23 =	sor.u32 s4, s29;
	v48 =	vld [tilespmem:s22+$0x0]  }
0x16a: {  	s24 =	sor.u32 s4, s30;
	v49 =	vld [tilespmem:s23+$0x0]  }
0x16b: {  	s26 =	sor.u32 s4, s1;
	v50 =	vld [tilespmem:s24+$0x0]  }
0x16c: {  	s28 =	sor.u32 s4, s7;
	v53 =	vld [tilespmem:s26+$0x0]  }
0x16d: {  	s29 =	sor.u32 s4, s10;
	v54 =	vld [tilespmem:s28+$0x0]  }
0x16e: {  	s30 =	sor.u32 s4, s11;
	v55 =	vld [tilespmem:s29+$0x0]  }
0x16f: {  	v56 =	vld [tilespmem:s30+$0x0];
	_ =	sdelay $0x1  }
0x170: {  	v1 =	vadd.f32 v2, v1;
	v2 =	vadd.f32 v44, v3  }
0x171: {  	v59 =	vadd.f32 v52, v51;
	v3 =	vadd.f32 v46, v45  }
0x172: {  	v57 =	vadd.f32 v48, v47;
	v58 =	vadd.f32 v50, v49  }
0x173: {  	v60 =	vadd.f32 v54, v53;
	v61 =	vadd.f32 v56, v55  }
0x174: {  	v1 =	vadd.f32 v2, v1;
	v2 =	vadd.f32 v57, v3  }
0x175: {  	s31 =	sor.u32 s4, s12;
	v3 =	vadd.f32 v59, v58;
	v62 =	vadd.f32 v61, v60  }
0x176: {  	v63 =	vld [tilespmem:s31+$0x0]  }
0x177: {  	s15 =	sadd.s32 $0x4, s15;
	v1 =	vadd.f32 v2, v1;
	v2 =	vadd.f32 v62, v3  }
0x178: {  	p0 =	slt.u32 s15, $0x7C  }
.Ltmp1:
0x179: {  	v1 =	vadd.f32 v2, v1;
	(pc) =	sbr.rel @p0 .LBB2_4-.Ltmp1, $3  }
0x17a: {  	_ = 	snop  }
0x17b: {  	v1 =	vadd.f32 v1, v63;
	_ =	sdelay $0x1  }
0x17c: {  	s18 =	sadd.s32 $0x200, s18;
	s17 =	sadd.s32 $0x40, s17;
	s16 =	sadd.s32 $0x40, s16;
	[tilespmem:s31+$0x0] =	vst v1  }
0x17d: {  	s14 =	sadd.s32 $0x1, s14  }
0x17e: {  	s0 =	simm.s32 $0x80;
	p0 =	sne.s32 s14, s6  }
.Ltmp2:
0x17f: {  	s1 =	simm.s32 $0x400;
	s2 =	simm.s32 $0x10000;
	(pc) =	sbr.rel @p0 .LBB2_1-.Ltmp2, $4  }
0x180: {  	[hbm4b:s5+s0] =	stream.strided.scatter [tilespmem:s2], [sflag:$0x3], $0x800, s1, s0, $0x38;
	[tilespmem:$0x10800] =	vst v63  }
0x181: {  	_ =	swait.ge [sflag:s13], $0x800  }
0x182: {  	[sflag:s13] =	ssyncset.done $0x0  }
0x183: {  	[sflag:s13] =	ssyncadd.s32 $0xFFFFF800  }
0x184: {  	_ =	sfence.sel $0x180000  }
0x185: {  	[bflag:$0x0] =	sbarrier.arrive $0xFFFF  }
0x186: {  	_ =	strace $0x90000047  }
0x187: {  	s0 =	stileid.u32;
	[bflag:$0x2] =	sbarrier.arrive $0xFFFF  }
0x188: {  	p0 =	sne.s32 s0, $0x0;
	s0 =	rddreg [dreg:$0x2]  }
0x189: {  	s0 =	sadd.s32 @!p0 $0x100000, s0  }
0x18a: {  	[sflag:s0] =	ssyncadd.tile.s32 @!p0 $0x1;
	_ =	shalt  }
.Lfunc_end2:
_tile_overlayer_lowered:
.L_overlay_start_2:
0x18b: {  	(tag) =	ssettag $0x2  }
0x18c: {  	s0 =	rddreg [dreg:$0x0];
	s2 =	stileid.u32  }
0x18d: {  	s1 =	rddreg [dreg:$0x1];
	p0 =	sne.s32 s2, $0x0  }
0x18e: {  	s3 =	rddreg [dreg:$0x2];
	[bflag:$0x3] =	sbarrier.arrive $0xFFFF;
	s2 =	simm.s32 @!p0 $0x1C03  }
0x18f: {  	[timem:s3], [sflag:s2] =	dma.local @!p0 [hbm:s0], s1  }
0x190: {  	s0 =	simm.s32 @!p0 $0x3  }
0x191: {  	_ =	swait.ge @!p0 [sflag:s0], s1  }
0x192: {  	s1 =	ssub.s32 @!p0 $0x0, s1;
	[sflag:s0] =	ssyncset.done @!p0 $0x0  }
0x193: {  	[sflag:s0] =	ssyncadd.s32 @!p0 s1  }
0x194: {  	[bflag:$0x3] =	sbarrier.arrive $0xFFFF  }
0x195: {  	_ =	shalt  }

</sc_bundles>
